<compile_context>
chip_gen: v7x
topology: tpu7x:2x2x1
jax: 0.10.2.dev20260603
libtpu: 0.0.44.dev20260713+nightly
codegen_flags: <defaults>
</compile_context>

<pallas_src>
import functools

import jax
import jax.numpy as jnp
from jax import lax
from jax.experimental import pallas as pl
from jax.experimental.pallas import tpu as pltpu
from jax.experimental.pallas import tpu_sc as plsc

B, T, D = 16, 4096, 1024
NC, NS = 2, 16
NW = NC * NS
HALF = T // 2
ZROWS = 64

_mesh = plsc.VectorSubcoreMesh(core_axis_name="c", subcore_axis_name="s")


@functools.partial(
    pl.kernel,
    out_type=(
        jax.ShapeDtypeStruct((B,), jnp.int32),
        jax.ShapeDtypeStruct((B,), jnp.int32),
        jax.ShapeDtypeStruct((B,), jnp.int32),
        jax.ShapeDtypeStruct((B,), jnp.int32),
    ),
    mesh=_mesh,
    scratch_types=[
        pltpu.VMEM((B * T,), jnp.int32),
        pltpu.VMEM((B,), jnp.int32),
        pltpu.VMEM((B,), jnp.int32),
        pltpu.VMEM((B,), jnp.int32),
        pltpu.VMEM((B,), jnp.int32),
        pltpu.VMEM((B,), jnp.int32),
    ],
    compiler_params=pltpu.CompilerParams(needs_layout_passes=False, use_tc_tiling_on_sc=False),
)
def _control(mask_hbm, sl_hbm, si_hbm, ri_hbm, nv_hbm,
             mask_v, rest_v, sl_v, si_v, ri_v, nv_v):
    wid = lax.axis_index("s") * NC + lax.axis_index("c")

    @pl.when(wid == 0)
    def _():
        pltpu.sync_copy(mask_hbm, mask_v)
        lane = lax.iota(jnp.int32, B)

        lo = jnp.zeros((B,), jnp.int32)
        step = T
        while step >= 1:
            cand = lo + step
            ok = cand <= T
            idx = lane * T + jnp.minimum(cand, T) - 1
            probe = plsc.load_gather(mask_v, [idx])
            lo = jnp.where(ok & (probe > 0), cand, lo)
            step //= 2
        lengths = lo

        keys = lengths * B + (B - 1 - lane)
        sk, sv = plsc.sort_key_val(keys, lane, descending=True)
        sorted_len = lax.shift_right_logical(sk, 4)

        rest_v[...] = lane
        plsc.store_scatter(rest_v, [sv], lane)

        nv = jnp.sum(jnp.where(lengths > 0, 1, 0).astype(jnp.int32))

        sl_v[...] = sorted_len
        si_v[...] = sv
        ri_v[...] = rest_v[...]
        nv_v[...] = jnp.full((B,), nv, jnp.int32)
        pltpu.sync_copy(sl_v, sl_hbm)
        pltpu.sync_copy(si_v, si_hbm)
        pltpu.sync_copy(ri_v, ri_hbm)
        pltpu.sync_copy(nv_v, nv_hbm)


CH = 32
NCH = HALF // CH


@functools.partial(
    pl.kernel,
    out_type=jax.ShapeDtypeStruct((B, T, D), jnp.float32),
    mesh=_mesh,
    scratch_types=[
        pltpu.VMEM((B,), jnp.int32),
        pltpu.VMEM((B,), jnp.int32),
        pltpu.VMEM((CH, D), jnp.float32),
        pltpu.VMEM((CH, D), jnp.float32),
        pltpu.VMEM((CH, D), jnp.float32),
        pltpu.SemaphoreType.DMA,
        pltpu.SemaphoreType.DMA,
        pltpu.SemaphoreType.DMA,
        pltpu.SemaphoreType.DMA,
    ],
    compiler_params=pltpu.CompilerParams(needs_layout_passes=False),
)
def _payload(in_hbm, si_hbm, sl_hbm, out_hbm, si_v, sl_v,
             buf0_v, buf1_v, zero_v, gsem0, gsem1, ssem0, ssem1):
    wid = lax.axis_index("s") * NC + lax.axis_index("c")

    pltpu.sync_copy(si_hbm, si_v)
    pltpu.sync_copy(sl_hbm, sl_v)
    lane = lax.iota(jnp.int32, B)

    def _zrow(i, carry):
        def _zchunk(j, c2):
            zero_v[i, pl.ds(j * 16, 16)] = jnp.zeros((16,), jnp.float32)
            return c2
        return lax.fori_loop(0, D // 16, _zchunk, carry)
    lax.fori_loop(0, CH, _zrow, 0)

    cpr = T // CH
    nk = (B * cpr) // NW

    def _info(k):
        g = wid + NW * k
        r = g // cpr
        off = (g % cpr) * CH
        sel = lane == r
        perm = jnp.sum(jnp.where(sel, si_v[...], 0))
        ln = jnp.sum(jnp.where(sel, sl_v[...], 0))
        bnd = jnp.clip(ln - off, 0, CH)
        return r, off, perm, bnd

    def _half(k, buf, gsem, ssem, first):
        r, off, perm, bnd = _info(k)
        need_read = bnd > 0

        @pl.when(jnp.logical_not(first))
        def _():
            pltpu.make_async_copy(buf, out_hbm.at[r, pl.ds(off, CH)],
                                  ssem).wait()

        @pl.when(need_read)
        def _():
            pltpu.make_async_copy(in_hbm.at[perm, pl.ds(off, CH)], buf,
                                  gsem).start()
            pltpu.make_async_copy(in_hbm.at[perm, pl.ds(off, CH)], buf,
                                  gsem).wait()

        @pl.when(need_read & (bnd < CH))
        def _():
            for k2 in range(CH):
                @pl.when(k2 >= bnd)
                def _(k2=k2):
                    def _z(j, c2):
                        buf[k2, pl.ds(j * 16, 16)] = jnp.zeros(
                            (16,), jnp.float32)
                        return c2
                    lax.fori_loop(0, D // 16, _z, 0)

        @pl.when(need_read)
        def _():
            pltpu.make_async_copy(buf, out_hbm.at[r, pl.ds(off, CH)],
                                  ssem).start()

        @pl.when(jnp.logical_not(need_read))
        def _():
            pltpu.make_async_copy(zero_v, out_hbm.at[r, pl.ds(off, CH)],
                                  ssem).start()

    def _pair(i, carry):
        _half(2 * i, buf0_v, gsem0, ssem0, i == 0)
        _half(2 * i + 1, buf1_v, gsem1, ssem1, i == 0)
        return carry

    lax.fori_loop(0, nk // 2, _pair, 0)

    r, off, _, _ = _info(nk - 2)
    pltpu.make_async_copy(buf0_v, out_hbm.at[r, pl.ds(off, CH)], ssem0).wait()
    r, off, _, _ = _info(nk - 1)
    pltpu.make_async_copy(buf1_v, out_hbm.at[r, pl.ds(off, CH)], ssem1).wait()


def kernel(inputs, mask):
    sl, si, ri, nv = _control(mask.reshape(B * T))
    packed = _payload(inputs, si, sl)
    return packed, sl, ri, si, nv[0]

# --- scband reference (transcript-rebuilt; emitter-appended) ---
"""Pipeline reference for scband-encoder-base-42133629173985 (READ-ONLY COPY).

The authoritative reference and input builder live on the scoring server;
editing this copy changes nothing except your own understanding.
"""

import jax, jax.numpy as jnp
import numpy as np

B, T, D = 16, 4096, 1024

def setup_inputs(seed: int = 0) -> dict:
    key = jax.random.key(seed)
    k1, k2 = jax.random.split(key)
    inputs = jax.random.normal(k1, (B, T, D), dtype=jnp.float32)
    lengths = jax.random.randint(k2, (B,), 1, T + 1)
    mask = (jnp.arange(T)[None, :] < lengths[:, None]).astype(jnp.int32)
    return {"inputs": inputs, "mask": mask}

def reference(inputs, mask):
    # get_lengths_from_binary_sequence_mask
    sequence_lengths = jnp.sum(mask, axis=1).astype(jnp.int32)
    # sort_batch_by_length: sort descending by length
    sorting_indices = jnp.argsort(-sequence_lengths, stable=True)
    sorted_sequence_lengths = jnp.take(sequence_lengths, sorting_indices, axis=0)
    sorted_inputs = jnp.take(inputs, sorting_indices, axis=0)
    # restoration indices (inverse permutation)
    reverse_mapping = jnp.argsort(sorting_indices, stable=True)
    index_range = jnp.arange(sequence_lengths.shape[0], dtype=jnp.int32)
    restoration_indices = jnp.take(index_range, reverse_mapping, axis=0)
    # num_valid = rows with nonzero first-timestep mask (all rows here since len>=1)
    num_valid = jnp.sum(mask[:, 0])
    # emulate pack_padded_sequence consumption: zero out positions beyond each
    # (sorted) sequence length, which is what the packed RNN module would read
    t = jnp.arange(inputs.shape[1], dtype=jnp.int32)
    valid = (t[None, :] < sorted_sequence_lengths[:, None]).astype(inputs.dtype)
    packed_like = sorted_inputs * valid[:, :, None]
    return packed_like, sorted_sequence_lengths, restoration_indices, sorting_indices, num_valid

if __name__ == "__main__":
    import jax
    _d = setup_inputs()
    print(jax.jit(kernel)(*tuple(_d.values())))

</pallas_src>

<mosaic_0001>
#map = affine_map<(d0, d1) -> (0)>
module attributes {stable_mosaic.version = 14 : i64} {
  func.func @_control(%arg0: i32, %arg1: i32, %arg2: memref<65536xi32, #tpu.memory_space<hbm>>, %arg3: memref<16xi32, #tpu.memory_space<hbm>>, %arg4: memref<16xi32, #tpu.memory_space<hbm>>, %arg5: memref<16xi32, #tpu.memory_space<hbm>>, %arg6: memref<16xi32, #tpu.memory_space<hbm>>, %arg7: memref<65536xi32, #tpu.memory_space<vmem>>, %arg8: memref<16xi32, #tpu.memory_space<vmem>>, %arg9: memref<16xi32, #tpu.memory_space<vmem>>, %arg10: memref<16xi32, #tpu.memory_space<vmem>>, %arg11: memref<16xi32, #tpu.memory_space<vmem>>, %arg12: memref<16xi32, #tpu.memory_space<vmem>>) attributes {dimension_semantics = [#tpu.dimension_semantics<core_parallel>, #tpu.dimension_semantics<subcore_parallel>], iteration_bounds = array<i64: 2, 16>, scalar_prefetch = 0 : i64, scratch_operands = 6 : i64, tpu.core_type = #tpu.core_type<sc_vector_subcore>, window_params = [{transform_indices = #map}, {transform_indices = #map}, {transform_indices = #map}, {transform_indices = #map}, {transform_indices = #map}]} {
    %mul3A = arith.constant 2 : i32
    %mul3A_0 = arith.muli %arg1, %mul3A : i32
    %add3A = arith.addi %mul3A_0, %arg0 : i32
    %eq3A = arith.constant 0 : i32
    %eq3A_1 = arith.cmpi eq, %add3A, %eq3A : i32
    %convert_element_type3A = arith.extui %eq3A_1 : i1 to i32
    %cond3A = arith.constant 0 : i32
    %cond3A_2 = arith.cmpi ne, %convert_element_type3A, %cond3A : i32
    scf.if %cond3A_2 {
      "tpu.region"() ({
        %run_scoped3A = tpu.sem_alloc : memref<!tpu.dma_semaphore, #tpu.memory_space<semaphore_mem>>
        tpu.enqueue_dma source(%arg2 : memref<65536xi32, #tpu.memory_space<hbm>>) target(%arg7 : memref<65536xi32, #tpu.memory_space<vmem>>) target_semaphore(%run_scoped3A : memref<!tpu.dma_semaphore, #tpu.memory_space<semaphore_mem>>)
        tpu.wait_dma2 semaphore(%run_scoped3A : memref<!tpu.dma_semaphore, #tpu.memory_space<semaphore_mem>>) src(%arg2 : memref<65536xi32, #tpu.memory_space<hbm>>) dst(%arg7 : memref<65536xi32, #tpu.memory_space<vmem>>)
        tpu.yield
      }) : () -> ()
      %iota3A = tpu.iota {dimensions = array<i32: 0>} : vector<16xi32>
      %broadcast_in_dim3A = arith.constant 0 : i32
      %broadcast_in_dim3A_3 = vector.broadcast %broadcast_in_dim3A : i32 to vector<16xi32>
      %add3A_4 = arith.constant 4096 : i32
      %add3A_5 = vector.broadcast %add3A_4 : i32 to vector<16xi32>
      %add3A_6 = arith.addi %broadcast_in_dim3A_3, %add3A_5 : vector<16xi32>
      %le3A = arith.constant 4096 : i32
      %le3A_7 = vector.broadcast %le3A : i32 to vector<16xi32>
      %le3A_8 = arith.cmpi sle, %add3A_6, %le3A_7 : vector<16xi32>
      %mul3A_9 = arith.constant 4096 : i32
      %mul3A_10 = vector.broadcast %mul3A_9 : i32 to vector<16xi32>
      %mul3A_11 = arith.muli %iota3A, %mul3A_10 : vector<16xi32>
      %min3A = arith.constant 4096 : i32
      %min3A_12 = vector.broadcast %min3A : i32 to vector<16xi32>
      %min3A_13 = arith.minsi %add3A_6, %min3A_12 : vector<16xi32>
      %add3A_14 = arith.addi %mul3A_11, %min3A_13 : vector<16xi32>
      %sub3A = arith.constant 1 : i32
      %sub3A_15 = vector.broadcast %sub3A : i32 to vector<16xi32>
      %sub3A_16 = arith.subi %add3A_14, %sub3A_15 : vector<16xi32>
      %gather3A = tpu.vector_load_idx %arg7[%sub3A_16] : memref<65536xi32, #tpu.memory_space<vmem>>[vector<16xi32>], vector<16xi32>,
      %gt3A = arith.constant 0 : i32
      %gt3A_17 = vector.broadcast %gt3A : i32 to vector<16xi32>
      %gt3A_18 = arith.cmpi sgt, %gather3A, %gt3A_17 : vector<16xi32>
      %and3A = arith.andi %le3A_8, %gt3A_18 : vector<16xi1>
      %select_n3A = arith.select %and3A, %add3A_6, %broadcast_in_dim3A_3 : vector<16xi1>, vector<16xi32>
      %add3A_19 = arith.constant 2048 : i32
      %add3A_20 = vector.broadcast %add3A_19 : i32 to vector<16xi32>
      %add3A_21 = arith.addi %select_n3A, %add3A_20 : vector<16xi32>
      %le3A_22 = arith.constant 4096 : i32
      %le3A_23 = vector.broadcast %le3A_22 : i32 to vector<16xi32>
      %le3A_24 = arith.cmpi sle, %add3A_21, %le3A_23 : vector<16xi32>
      %mul3A_25 = arith.constant 4096 : i32
      %mul3A_26 = vector.broadcast %mul3A_25 : i32 to vector<16xi32>
      %mul3A_27 = arith.muli %iota3A, %mul3A_26 : vector<16xi32>
      %min3A_28 = arith.constant 4096 : i32
      %min3A_29 = vector.broadcast %min3A_28 : i32 to vector<16xi32>
      %min3A_30 = arith.minsi %add3A_21, %min3A_29 : vector<16xi32>
      %add3A_31 = arith.addi %mul3A_27, %min3A_30 : vector<16xi32>
      %sub3A_32 = arith.constant 1 : i32
      %sub3A_33 = vector.broadcast %sub3A_32 : i32 to vector<16xi32>
      %sub3A_34 = arith.subi %add3A_31, %sub3A_33 : vector<16xi32>
      %gather3A_35 = tpu.vector_load_idx %arg7[%sub3A_34] : memref<65536xi32, #tpu.memory_space<vmem>>[vector<16xi32>], vector<16xi32>,
      %gt3A_36 = arith.constant 0 : i32
      %gt3A_37 = vector.broadcast %gt3A_36 : i32 to vector<16xi32>
      %gt3A_38 = arith.cmpi sgt, %gather3A_35, %gt3A_37 : vector<16xi32>
      %and3A_39 = arith.andi %le3A_24, %gt3A_38 : vector<16xi1>
      %select_n3A_40 = arith.select %and3A_39, %add3A_21, %select_n3A : vector<16xi1>, vector<16xi32>
      %add3A_41 = arith.constant 1024 : i32
      %add3A_42 = vector.broadcast %add3A_41 : i32 to vector<16xi32>
      %add3A_43 = arith.addi %select_n3A_40, %add3A_42 : vector<16xi32>
      %le3A_44 = arith.constant 4096 : i32
      %le3A_45 = vector.broadcast %le3A_44 : i32 to vector<16xi32>
      %le3A_46 = arith.cmpi sle, %add3A_43, %le3A_45 : vector<16xi32>
      %mul3A_47 = arith.constant 4096 : i32
      %mul3A_48 = vector.broadcast %mul3A_47 : i32 to vector<16xi32>
      %mul3A_49 = arith.muli %iota3A, %mul3A_48 : vector<16xi32>
      %min3A_50 = arith.constant 4096 : i32
      %min3A_51 = vector.broadcast %min3A_50 : i32 to vector<16xi32>
      %min3A_52 = arith.minsi %add3A_43, %min3A_51 : vector<16xi32>
      %add3A_53 = arith.addi %mul3A_49, %min3A_52 : vector<16xi32>
      %sub3A_54 = arith.constant 1 : i32
      %sub3A_55 = vector.broadcast %sub3A_54 : i32 to vector<16xi32>
      %sub3A_56 = arith.subi %add3A_53, %sub3A_55 : vector<16xi32>
      %gather3A_57 = tpu.vector_load_idx %arg7[%sub3A_56] : memref<65536xi32, #tpu.memory_space<vmem>>[vector<16xi32>], vector<16xi32>,
      %gt3A_58 = arith.constant 0 : i32
      %gt3A_59 = vector.broadcast %gt3A_58 : i32 to vector<16xi32>
      %gt3A_60 = arith.cmpi sgt, %gather3A_57, %gt3A_59 : vector<16xi32>
      %and3A_61 = arith.andi %le3A_46, %gt3A_60 : vector<16xi1>
      %select_n3A_62 = arith.select %and3A_61, %add3A_43, %select_n3A_40 : vector<16xi1>, vector<16xi32>
      %add3A_63 = arith.constant 512 : i32
      %add3A_64 = vector.broadcast %add3A_63 : i32 to vector<16xi32>
      %add3A_65 = arith.addi %select_n3A_62, %add3A_64 : vector<16xi32>
      %le3A_66 = arith.constant 4096 : i32
      %le3A_67 = vector.broadcast %le3A_66 : i32 to vector<16xi32>
      %le3A_68 = arith.cmpi sle, %add3A_65, %le3A_67 : vector<16xi32>
      %mul3A_69 = arith.constant 4096 : i32
      %mul3A_70 = vector.broadcast %mul3A_69 : i32 to vector<16xi32>
      %mul3A_71 = arith.muli %iota3A, %mul3A_70 : vector<16xi32>
      %min3A_72 = arith.constant 4096 : i32
      %min3A_73 = vector.broadcast %min3A_72 : i32 to vector<16xi32>
      %min3A_74 = arith.minsi %add3A_65, %min3A_73 : vector<16xi32>
      %add3A_75 = arith.addi %mul3A_71, %min3A_74 : vector<16xi32>
      %sub3A_76 = arith.constant 1 : i32
      %sub3A_77 = vector.broadcast %sub3A_76 : i32 to vector<16xi32>
      %sub3A_78 = arith.subi %add3A_75, %sub3A_77 : vector<16xi32>
      %gather3A_79 = tpu.vector_load_idx %arg7[%sub3A_78] : memref<65536xi32, #tpu.memory_space<vmem>>[vector<16xi32>], vector<16xi32>,
      %gt3A_80 = arith.constant 0 : i32
      %gt3A_81 = vector.broadcast %gt3A_80 : i32 to vector<16xi32>
      %gt3A_82 = arith.cmpi sgt, %gather3A_79, %gt3A_81 : vector<16xi32>
      %and3A_83 = arith.andi %le3A_68, %gt3A_82 : vector<16xi1>
      %select_n3A_84 = arith.select %and3A_83, %add3A_65, %select_n3A_62 : vector<16xi1>, vector<16xi32>
      %add3A_85 = arith.constant 256 : i32
      %add3A_86 = vector.broadcast %add3A_85 : i32 to vector<16xi32>
      %add3A_87 = arith.addi %select_n3A_84, %add3A_86 : vector<16xi32>
      %le3A_88 = arith.constant 4096 : i32
      %le3A_89 = vector.broadcast %le3A_88 : i32 to vector<16xi32>
      %le3A_90 = arith.cmpi sle, %add3A_87, %le3A_89 : vector<16xi32>
      %mul3A_91 = arith.constant 4096 : i32
      %mul3A_92 = vector.broadcast %mul3A_91 : i32 to vector<16xi32>
      %mul3A_93 = arith.muli %iota3A, %mul3A_92 : vector<16xi32>
      %min3A_94 = arith.constant 4096 : i32
      %min3A_95 = vector.broadcast %min3A_94 : i32 to vector<16xi32>
      %min3A_96 = arith.minsi %add3A_87, %min3A_95 : vector<16xi32>
      %add3A_97 = arith.addi %mul3A_93, %min3A_96 : vector<16xi32>
      %sub3A_98 = arith.constant 1 : i32
      %sub3A_99 = vector.broadcast %sub3A_98 : i32 to vector<16xi32>
      %sub3A_100 = arith.subi %add3A_97, %sub3A_99 : vector<16xi32>
      %gather3A_101 = tpu.vector_load_idx %arg7[%sub3A_100] : memref<65536xi32, #tpu.memory_space<vmem>>[vector<16xi32>], vector<16xi32>,
      %gt3A_102 = arith.constant 0 : i32
      %gt3A_103 = vector.broadcast %gt3A_102 : i32 to vector<16xi32>
      %gt3A_104 = arith.cmpi sgt, %gather3A_101, %gt3A_103 : vector<16xi32>
      %and3A_105 = arith.andi %le3A_90, %gt3A_104 : vector<16xi1>
      %select_n3A_106 = arith.select %and3A_105, %add3A_87, %select_n3A_84 : vector<16xi1>, vector<16xi32>
      %add3A_107 = arith.constant 128 : i32
      %add3A_108 = vector.broadcast %add3A_107 : i32 to vector<16xi32>
      %add3A_109 = arith.addi %select_n3A_106, %add3A_108 : vector<16xi32>
      %le3A_110 = arith.constant 4096 : i32
      %le3A_111 = vector.broadcast %le3A_110 : i32 to vector<16xi32>
      %le3A_112 = arith.cmpi sle, %add3A_109, %le3A_111 : vector<16xi32>
      %mul3A_113 = arith.constant 4096 : i32
      %mul3A_114 = vector.broadcast %mul3A_113 : i32 to vector<16xi32>
      %mul3A_115 = arith.muli %iota3A, %mul3A_114 : vector<16xi32>
      %min3A_116 = arith.constant 4096 : i32
      %min3A_117 = vector.broadcast %min3A_116 : i32 to vector<16xi32>
      %min3A_118 = arith.minsi %add3A_109, %min3A_117 : vector<16xi32>
      %add3A_119 = arith.addi %mul3A_115, %min3A_118 : vector<16xi32>
      %sub3A_120 = arith.constant 1 : i32
      %sub3A_121 = vector.broadcast %sub3A_120 : i32 to vector<16xi32>
      %sub3A_122 = arith.subi %add3A_119, %sub3A_121 : vector<16xi32>
      %gather3A_123 = tpu.vector_load_idx %arg7[%sub3A_122] : memref<65536xi32, #tpu.memory_space<vmem>>[vector<16xi32>], vector<16xi32>,
      %gt3A_124 = arith.constant 0 : i32
      %gt3A_125 = vector.broadcast %gt3A_124 : i32 to vector<16xi32>
      %gt3A_126 = arith.cmpi sgt, %gather3A_123, %gt3A_125 : vector<16xi32>
      %and3A_127 = arith.andi %le3A_112, %gt3A_126 : vector<16xi1>
      %select_n3A_128 = arith.select %and3A_127, %add3A_109, %select_n3A_106 : vector<16xi1>, vector<16xi32>
      %add3A_129 = arith.constant 64 : i32
      %add3A_130 = vector.broadcast %add3A_129 : i32 to vector<16xi32>
      %add3A_131 = arith.addi %select_n3A_128, %add3A_130 : vector<16xi32>
      %le3A_132 = arith.constant 4096 : i32
      %le3A_133 = vector.broadcast %le3A_132 : i32 to vector<16xi32>
      %le3A_134 = arith.cmpi sle, %add3A_131, %le3A_133 : vector<16xi32>
      %mul3A_135 = arith.constant 4096 : i32
      %mul3A_136 = vector.broadcast %mul3A_135 : i32 to vector<16xi32>
      %mul3A_137 = arith.muli %iota3A, %mul3A_136 : vector<16xi32>
      %min3A_138 = arith.constant 4096 : i32
      %min3A_139 = vector.broadcast %min3A_138 : i32 to vector<16xi32>
      %min3A_140 = arith.minsi %add3A_131, %min3A_139 : vector<16xi32>
      %add3A_141 = arith.addi %mul3A_137, %min3A_140 : vector<16xi32>
      %sub3A_142 = arith.constant 1 : i32
      %sub3A_143 = vector.broadcast %sub3A_142 : i32 to vector<16xi32>
      %sub3A_144 = arith.subi %add3A_141, %sub3A_143 : vector<16xi32>
      %gather3A_145 = tpu.vector_load_idx %arg7[%sub3A_144] : memref<65536xi32, #tpu.memory_space<vmem>>[vector<16xi32>], vector<16xi32>,
      %gt3A_146 = arith.constant 0 : i32
      %gt3A_147 = vector.broadcast %gt3A_146 : i32 to vector<16xi32>
      %gt3A_148 = arith.cmpi sgt, %gather3A_145, %gt3A_147 : vector<16xi32>
      %and3A_149 = arith.andi %le3A_134, %gt3A_148 : vector<16xi1>
      %select_n3A_150 = arith.select %and3A_149, %add3A_131, %select_n3A_128 : vector<16xi1>, vector<16xi32>
      %add3A_151 = arith.constant 32 : i32
      %add3A_152 = vector.broadcast %add3A_151 : i32 to vector<16xi32>
      %add3A_153 = arith.addi %select_n3A_150, %add3A_152 : vector<16xi32>
      %le3A_154 = arith.constant 4096 : i32
      %le3A_155 = vector.broadcast %le3A_154 : i32 to vector<16xi32>
      %le3A_156 = arith.cmpi sle, %add3A_153, %le3A_155 : vector<16xi32>
      %mul3A_157 = arith.constant 4096 : i32
      %mul3A_158 = vector.broadcast %mul3A_157 : i32 to vector<16xi32>
      %mul3A_159 = arith.muli %iota3A, %mul3A_158 : vector<16xi32>
      %min3A_160 = arith.constant 4096 : i32
      %min3A_161 = vector.broadcast %min3A_160 : i32 to vector<16xi32>
      %min3A_162 = arith.minsi %add3A_153, %min3A_161 : vector<16xi32>
      %add3A_163 = arith.addi %mul3A_159, %min3A_162 : vector<16xi32>
      %sub3A_164 = arith.constant 1 : i32
      %sub3A_165 = vector.broadcast %sub3A_164 : i32 to vector<16xi32>
      %sub3A_166 = arith.subi %add3A_163, %sub3A_165 : vector<16xi32>
      %gather3A_167 = tpu.vector_load_idx %arg7[%sub3A_166] : memref<65536xi32, #tpu.memory_space<vmem>>[vector<16xi32>], vector<16xi32>,
      %gt3A_168 = arith.constant 0 : i32
      %gt3A_169 = vector.broadcast %gt3A_168 : i32 to vector<16xi32>
      %gt3A_170 = arith.cmpi sgt, %gather3A_167, %gt3A_169 : vector<16xi32>
      %and3A_171 = arith.andi %le3A_156, %gt3A_170 : vector<16xi1>
      %select_n3A_172 = arith.select %and3A_171, %add3A_153, %select_n3A_150 : vector<16xi1>, vector<16xi32>
      %add3A_173 = arith.constant 16 : i32
      %add3A_174 = vector.broadcast %add3A_173 : i32 to vector<16xi32>
      %add3A_175 = arith.addi %select_n3A_172, %add3A_174 : vector<16xi32>
      %le3A_176 = arith.constant 4096 : i32
      %le3A_177 = vector.broadcast %le3A_176 : i32 to vector<16xi32>
      %le3A_178 = arith.cmpi sle, %add3A_175, %le3A_177 : vector<16xi32>
      %mul3A_179 = arith.constant 4096 : i32
      %mul3A_180 = vector.broadcast %mul3A_179 : i32 to vector<16xi32>
      %mul3A_181 = arith.muli %iota3A, %mul3A_180 : vector<16xi32>
      %min3A_182 = arith.constant 4096 : i32
      %min3A_183 = vector.broadcast %min3A_182 : i32 to vector<16xi32>
      %min3A_184 = arith.minsi %add3A_175, %min3A_183 : vector<16xi32>
      %add3A_185 = arith.addi %mul3A_181, %min3A_184 : vector<16xi32>
      %sub3A_186 = arith.constant 1 : i32
      %sub3A_187 = vector.broadcast %sub3A_186 : i32 to vector<16xi32>
      %sub3A_188 = arith.subi %add3A_185, %sub3A_187 : vector<16xi32>
      %gather3A_189 = tpu.vector_load_idx %arg7[%sub3A_188] : memref<65536xi32, #tpu.memory_space<vmem>>[vector<16xi32>], vector<16xi32>,
      %gt3A_190 = arith.constant 0 : i32
      %gt3A_191 = vector.broadcast %gt3A_190 : i32 to vector<16xi32>
      %gt3A_192 = arith.cmpi sgt, %gather3A_189, %gt3A_191 : vector<16xi32>
      %and3A_193 = arith.andi %le3A_178, %gt3A_192 : vector<16xi1>
      %select_n3A_194 = arith.select %and3A_193, %add3A_175, %select_n3A_172 : vector<16xi1>, vector<16xi32>
      %add3A_195 = arith.constant 8 : i32
      %add3A_196 = vector.broadcast %add3A_195 : i32 to vector<16xi32>
      %add3A_197 = arith.addi %select_n3A_194, %add3A_196 : vector<16xi32>
      %le3A_198 = arith.constant 4096 : i32
      %le3A_199 = vector.broadcast %le3A_198 : i32 to vector<16xi32>
      %le3A_200 = arith.cmpi sle, %add3A_197, %le3A_199 : vector<16xi32>
      %mul3A_201 = arith.constant 4096 : i32
      %mul3A_202 = vector.broadcast %mul3A_201 : i32 to vector<16xi32>
      %mul3A_203 = arith.muli %iota3A, %mul3A_202 : vector<16xi32>
      %min3A_204 = arith.constant 4096 : i32
      %min3A_205 = vector.broadcast %min3A_204 : i32 to vector<16xi32>
      %min3A_206 = arith.minsi %add3A_197, %min3A_205 : vector<16xi32>
      %add3A_207 = arith.addi %mul3A_203, %min3A_206 : vector<16xi32>
      %sub3A_208 = arith.constant 1 : i32
      %sub3A_209 = vector.broadcast %sub3A_208 : i32 to vector<16xi32>
      %sub3A_210 = arith.subi %add3A_207, %sub3A_209 : vector<16xi32>
      %gather3A_211 = tpu.vector_load_idx %arg7[%sub3A_210] : memref<65536xi32, #tpu.memory_space<vmem>>[vector<16xi32>], vector<16xi32>,
      %gt3A_212 = arith.constant 0 : i32
      %gt3A_213 = vector.broadcast %gt3A_212 : i32 to vector<16xi32>
      %gt3A_214 = arith.cmpi sgt, %gather3A_211, %gt3A_213 : vector<16xi32>
      %and3A_215 = arith.andi %le3A_200, %gt3A_214 : vector<16xi1>
      %select_n3A_216 = arith.select %and3A_215, %add3A_197, %select_n3A_194 : vector<16xi1>, vector<16xi32>
      %add3A_217 = arith.constant 4 : i32
      %add3A_218 = vector.broadcast %add3A_217 : i32 to vector<16xi32>
      %add3A_219 = arith.addi %select_n3A_216, %add3A_218 : vector<16xi32>
      %le3A_220 = arith.constant 4096 : i32
      %le3A_221 = vector.broadcast %le3A_220 : i32 to vector<16xi32>
      %le3A_222 = arith.cmpi sle, %add3A_219, %le3A_221 : vector<16xi32>
      %mul3A_223 = arith.constant 4096 : i32
      %mul3A_224 = vector.broadcast %mul3A_223 : i32 to vector<16xi32>
      %mul3A_225 = arith.muli %iota3A, %mul3A_224 : vector<16xi32>
      %min3A_226 = arith.constant 4096 : i32
      %min3A_227 = vector.broadcast %min3A_226 : i32 to vector<16xi32>
      %min3A_228 = arith.minsi %add3A_219, %min3A_227 : vector<16xi32>
      %add3A_229 = arith.addi %mul3A_225, %min3A_228 : vector<16xi32>
      %sub3A_230 = arith.constant 1 : i32
      %sub3A_231 = vector.broadcast %sub3A_230 : i32 to vector<16xi32>
      %sub3A_232 = arith.subi %add3A_229, %sub3A_231 : vector<16xi32>
      %gather3A_233 = tpu.vector_load_idx %arg7[%sub3A_232] : memref<65536xi32, #tpu.memory_space<vmem>>[vector<16xi32>], vector<16xi32>,
      %gt3A_234 = arith.constant 0 : i32
      %gt3A_235 = vector.broadcast %gt3A_234 : i32 to vector<16xi32>
      %gt3A_236 = arith.cmpi sgt, %gather3A_233, %gt3A_235 : vector<16xi32>
      %and3A_237 = arith.andi %le3A_222, %gt3A_236 : vector<16xi1>
      %select_n3A_238 = arith.select %and3A_237, %add3A_219, %select_n3A_216 : vector<16xi1>, vector<16xi32>
      %add3A_239 = arith.constant 2 : i32
      %add3A_240 = vector.broadcast %add3A_239 : i32 to vector<16xi32>
      %add3A_241 = arith.addi %select_n3A_238, %add3A_240 : vector<16xi32>
      %le3A_242 = arith.constant 4096 : i32
      %le3A_243 = vector.broadcast %le3A_242 : i32 to vector<16xi32>
      %le3A_244 = arith.cmpi sle, %add3A_241, %le3A_243 : vector<16xi32>
      %mul3A_245 = arith.constant 4096 : i32
      %mul3A_246 = vector.broadcast %mul3A_245 : i32 to vector<16xi32>
      %mul3A_247 = arith.muli %iota3A, %mul3A_246 : vector<16xi32>
      %min3A_248 = arith.constant 4096 : i32
      %min3A_249 = vector.broadcast %min3A_248 : i32 to vector<16xi32>
      %min3A_250 = arith.minsi %add3A_241, %min3A_249 : vector<16xi32>
      %add3A_251 = arith.addi %mul3A_247, %min3A_250 : vector<16xi32>
      %sub3A_252 = arith.constant 1 : i32
      %sub3A_253 = vector.broadcast %sub3A_252 : i32 to vector<16xi32>
      %sub3A_254 = arith.subi %add3A_251, %sub3A_253 : vector<16xi32>
      %gather3A_255 = tpu.vector_load_idx %arg7[%sub3A_254] : memref<65536xi32, #tpu.memory_space<vmem>>[vector<16xi32>], vector<16xi32>,
      %gt3A_256 = arith.constant 0 : i32
      %gt3A_257 = vector.broadcast %gt3A_256 : i32 to vector<16xi32>
      %gt3A_258 = arith.cmpi sgt, %gather3A_255, %gt3A_257 : vector<16xi32>
      %and3A_259 = arith.andi %le3A_244, %gt3A_258 : vector<16xi1>
      %select_n3A_260 = arith.select %and3A_259, %add3A_241, %select_n3A_238 : vector<16xi1>, vector<16xi32>
      %add3A_261 = arith.constant 1 : i32
      %add3A_262 = vector.broadcast %add3A_261 : i32 to vector<16xi32>
      %add3A_263 = arith.addi %select_n3A_260, %add3A_262 : vector<16xi32>
      %le3A_264 = arith.constant 4096 : i32
      %le3A_265 = vector.broadcast %le3A_264 : i32 to vector<16xi32>
      %le3A_266 = arith.cmpi sle, %add3A_263, %le3A_265 : vector<16xi32>
      %mul3A_267 = arith.constant 4096 : i32
      %mul3A_268 = vector.broadcast %mul3A_267 : i32 to vector<16xi32>
      %mul3A_269 = arith.muli %iota3A, %mul3A_268 : vector<16xi32>
      %min3A_270 = arith.constant 4096 : i32
      %min3A_271 = vector.broadcast %min3A_270 : i32 to vector<16xi32>
      %min3A_272 = arith.minsi %add3A_263, %min3A_271 : vector<16xi32>
      %add3A_273 = arith.addi %mul3A_269, %min3A_272 : vector<16xi32>
      %sub3A_274 = arith.constant 1 : i32
      %sub3A_275 = vector.broadcast %sub3A_274 : i32 to vector<16xi32>
      %sub3A_276 = arith.subi %add3A_273, %sub3A_275 : vector<16xi32>
      %gather3A_277 = tpu.vector_load_idx %arg7[%sub3A_276] : memref<65536xi32, #tpu.memory_space<vmem>>[vector<16xi32>], vector<16xi32>,
      %gt3A_278 = arith.constant 0 : i32
      %gt3A_279 = vector.broadcast %gt3A_278 : i32 to vector<16xi32>
      %gt3A_280 = arith.cmpi sgt, %gather3A_277, %gt3A_279 : vector<16xi32>
      %and3A_281 = arith.andi %le3A_266, %gt3A_280 : vector<16xi1>
      %select_n3A_282 = arith.select %and3A_281, %add3A_263, %select_n3A_260 : vector<16xi1>, vector<16xi32>
      %mul3A_283 = arith.constant 16 : i32
      %mul3A_284 = vector.broadcast %mul3A_283 : i32 to vector<16xi32>
      %mul3A_285 = arith.muli %select_n3A_282, %mul3A_284 : vector<16xi32>
      %sub3A_286 = arith.constant 15 : i32
      %sub3A_287 = vector.broadcast %sub3A_286 : i32 to vector<16xi32>
      %sub3A_288 = arith.subi %sub3A_287, %iota3A : vector<16xi32>
      %add3A_289 = arith.addi %mul3A_285, %sub3A_288 : vector<16xi32>
      %masked_sort3A = arith.constant dense<true> : vector<16xi1>
      %masked_sort3A_290 = arith.constant -2147483648 : i32
      %masked_sort3A_291 = vector.broadcast %masked_sort3A_290 : i32 to vector<16xi32>
      %masked_sort3A_292 = arith.xori %add3A_289, %masked_sort3A_291 : vector<16xi32>
      %masked_sort3A_293, %masked_sort3A_294, %masked_sort3A_295 = tpu.sort %masked_sort3A_292, %iota3A masked %masked_sort3A {descending = true} : (vector<16xi32>, vector<16xi32>, vector<16xi1>) -> (vector<16xi1>, vector<16xi32>, vector<16xi32>)
      %masked_sort3A_296 = arith.xori %masked_sort3A_294, %masked_sort3A_291 : vector<16xi32>
      %shift_right_logical3A = arith.constant 4 : i32
      %shift_right_logical3A_297 = vector.broadcast %shift_right_logical3A : i32 to vector<16xi32>
      %shift_right_logical3A_298 = arith.shrui %masked_sort3A_296, %shift_right_logical3A_297 : vector<16xi32>
      %swap3A = arith.constant 0 : index
      %swap3A_299 = tpu.vector_load %arg8[%swap3A] {strides = array<i32>} : memref<16xi32, #tpu.memory_space<vmem>>, vector<16xi32>,
      tpu.vector_store %arg8[%swap3A], %iota3A {strides = array<i32>} : memref<16xi32, #tpu.memory_space<vmem>>, vector<16xi32>,
      tpu.vector_store_idx %arg8[%masked_sort3A_295], %iota3A : memref<16xi32, #tpu.memory_space<vmem>>[vector<16xi32>], vector<16xi32>,
      %gt3A_300 = arith.constant 0 : i32
      %gt3A_301 = vector.broadcast %gt3A_300 : i32 to vector<16xi32>
      %gt3A_302 = arith.cmpi sgt, %select_n3A_282, %gt3A_301 : vector<16xi32>
      %jit3A = arith.constant 1 : i32
      %jit3A_303 = arith.constant 0 : i32
      %broadcast_in_dim3A_304 = vector.broadcast %jit3A : i32 to vector<16xi32>
      %broadcast_in_dim3A_305 = vector.broadcast %jit3A_303 : i32 to vector<16xi32>
      %select_n3A_306 = arith.select %gt3A_302, %broadcast_in_dim3A_304, %broadcast_in_dim3A_305 : vector<16xi1>, vector<16xi32>
      %reduce_sum3A = arith.constant true
      %reduce_sum3A_307 = vector.broadcast %reduce_sum3A : i1 to vector<16xi1>
      %reduce_sum3A_308 = tpu.scan <sum>, %select_n3A_306 masked %reduce_sum3A_307 : vector<16xi32>, vector<16xi1> -> vector<16xi32>
      %reduce_sum3A_309 = vector.extract %reduce_sum3A_308[15] : i32 from vector<16xi32>
      %swap3A_310 = arith.constant 0 : index
      %swap3A_311 = tpu.vector_load %arg9[%swap3A_310] {strides = array<i32>} : memref<16xi32, #tpu.memory_space<vmem>>, vector<16xi32>,
      tpu.vector_store %arg9[%swap3A_310], %shift_right_logical3A_298 {strides = array<i32>} : memref<16xi32, #tpu.memory_space<vmem>>, vector<16xi32>,
      %swap3A_312 = arith.constant 0 : index
      %swap3A_313 = tpu.vector_load %arg10[%swap3A_312] {strides = array<i32>} : memref<16xi32, #tpu.memory_space<vmem>>, vector<16xi32>,
      tpu.vector_store %arg10[%swap3A_312], %masked_sort3A_295 {strides = array<i32>} : memref<16xi32, #tpu.memory_space<vmem>>, vector<16xi32>,
      %get3A = arith.constant 0 : index
      %get3A_314 = tpu.vector_load %arg8[%get3A] {strides = array<i32>} : memref<16xi32, #tpu.memory_space<vmem>>, vector<16xi32>,
      %swap3A_315 = arith.constant 0 : index
      %swap3A_316 = tpu.vector_load %arg11[%swap3A_315] {strides = array<i32>} : memref<16xi32, #tpu.memory_space<vmem>>, vector<16xi32>,
      tpu.vector_store %arg11[%swap3A_315], %get3A_314 {strides = array<i32>} : memref<16xi32, #tpu.memory_space<vmem>>, vector<16xi32>,
      %broadcast_in_dim3A_317 = vector.broadcast %reduce_sum3A_309 : i32 to vector<16xi32>
      %swap3A_318 = arith.constant 0 : index
      %swap3A_319 = tpu.vector_load %arg12[%swap3A_318] {strides = array<i32>} : memref<16xi32, #tpu.memory_space<vmem>>, vector<16xi32>,
      tpu.vector_store %arg12[%swap3A_318], %broadcast_in_dim3A_317 {strides = array<i32>} : memref<16xi32, #tpu.memory_space<vmem>>, vector<16xi32>,
      "tpu.region"() ({
        %run_scoped3A = tpu.sem_alloc : memref<!tpu.dma_semaphore, #tpu.memory_space<semaphore_mem>>
        tpu.enqueue_dma source(%arg9 : memref<16xi32, #tpu.memory_space<vmem>>) target(%arg3 : memref<16xi32, #tpu.memory_space<hbm>>) target_semaphore(%run_scoped3A : memref<!tpu.dma_semaphore, #tpu.memory_space<semaphore_mem>>)
        tpu.wait_dma2 semaphore(%run_scoped3A : memref<!tpu.dma_semaphore, #tpu.memory_space<semaphore_mem>>) src(%arg9 : memref<16xi32, #tpu.memory_space<vmem>>) dst(%arg3 : memref<16xi32, #tpu.memory_space<hbm>>)
        tpu.yield
      }) : () -> ()
      "tpu.region"() ({
        %run_scoped3A = tpu.sem_alloc : memref<!tpu.dma_semaphore, #tpu.memory_space<semaphore_mem>>
        tpu.enqueue_dma source(%arg10 : memref<16xi32, #tpu.memory_space<vmem>>) target(%arg4 : memref<16xi32, #tpu.memory_space<hbm>>) target_semaphore(%run_scoped3A : memref<!tpu.dma_semaphore, #tpu.memory_space<semaphore_mem>>)
        tpu.wait_dma2 semaphore(%run_scoped3A : memref<!tpu.dma_semaphore, #tpu.memory_space<semaphore_mem>>) src(%arg10 : memref<16xi32, #tpu.memory_space<vmem>>) dst(%arg4 : memref<16xi32, #tpu.memory_space<hbm>>)
        tpu.yield
      }) : () -> ()
      "tpu.region"() ({
        %run_scoped3A = tpu.sem_alloc : memref<!tpu.dma_semaphore, #tpu.memory_space<semaphore_mem>>
        tpu.enqueue_dma source(%arg11 : memref<16xi32, #tpu.memory_space<vmem>>) target(%arg5 : memref<16xi32, #tpu.memory_space<hbm>>) target_semaphore(%run_scoped3A : memref<!tpu.dma_semaphore, #tpu.memory_space<semaphore_mem>>)
        tpu.wait_dma2 semaphore(%run_scoped3A : memref<!tpu.dma_semaphore, #tpu.memory_space<semaphore_mem>>) src(%arg11 : memref<16xi32, #tpu.memory_space<vmem>>) dst(%arg5 : memref<16xi32, #tpu.memory_space<hbm>>)
        tpu.yield
      }) : () -> ()
      "tpu.region"() ({
        %run_scoped3A = tpu.sem_alloc : memref<!tpu.dma_semaphore, #tpu.memory_space<semaphore_mem>>
        tpu.enqueue_dma source(%arg12 : memref<16xi32, #tpu.memory_space<vmem>>) target(%arg6 : memref<16xi32, #tpu.memory_space<hbm>>) target_semaphore(%run_scoped3A : memref<!tpu.dma_semaphore, #tpu.memory_space<semaphore_mem>>)
        tpu.wait_dma2 semaphore(%run_scoped3A : memref<!tpu.dma_semaphore, #tpu.memory_space<semaphore_mem>>) src(%arg12 : memref<16xi32, #tpu.memory_space<vmem>>) dst(%arg6 : memref<16xi32, #tpu.memory_space<hbm>>)
        tpu.yield
      }) : () -> ()
    } else {
    }
    return
  }
}

#map = affine_map<(d0, d1) -> (0, 0, 0)>
#map1 = affine_map<(d0, d1) -> (0)>
module attributes {stable_mosaic.version = 14 : i64} {
  func.func @_payload(%arg0: i32, %arg1: i32, %arg2: memref<16x4096x1024xf32, #tpu.memory_space<hbm>>, %arg3: memref<16xi32, #tpu.memory_space<hbm>>, %arg4: memref<16xi32, #tpu.memory_space<hbm>>, %arg5: memref<16x4096x1024xf32, #tpu.memory_space<hbm>>, %arg6: memref<16xi32, #tpu.memory_space<vmem>>, %arg7: memref<16xi32, #tpu.memory_space<vmem>>, %arg8: memref<32x1024xf32, #tpu.memory_space<vmem>>, %arg9: memref<32x1024xf32, #tpu.memory_space<vmem>>, %arg10: memref<32x1024xf32, #tpu.memory_space<vmem>>, %arg11: memref<!tpu.dma_semaphore, #tpu.memory_space<semaphore_mem>>, %arg12: memref<!tpu.dma_semaphore, #tpu.memory_space<semaphore_mem>>, %arg13: memref<!tpu.dma_semaphore, #tpu.memory_space<semaphore_mem>>, %arg14: memref<!tpu.dma_semaphore, #tpu.memory_space<semaphore_mem>>) attributes {dimension_semantics = [#tpu.dimension_semantics<core_parallel>, #tpu.dimension_semantics<subcore_parallel>], iteration_bounds = array<i64: 2, 16>, scalar_prefetch = 0 : i64, scratch_operands = 9 : i64, tpu.core_type = #tpu.core_type<sc_vector_subcore>, window_params = [{transform_indices = #map}, {transform_indices = #map1}, {transform_indices = #map1}, {transform_indices = #map}]} {
    %mul3A = arith.constant 2 : i32
    %mul3A_0 = arith.muli %arg1, %mul3A : i32
    %add3A = arith.addi %mul3A_0, %arg0 : i32
    "tpu.region"() ({
      %run_scoped3A = tpu.sem_alloc : memref<!tpu.dma_semaphore, #tpu.memory_space<semaphore_mem>>
      tpu.enqueue_dma source(%arg3 : memref<16xi32, #tpu.memory_space<hbm>>) target(%arg6 : memref<16xi32, #tpu.memory_space<vmem>>) target_semaphore(%run_scoped3A : memref<!tpu.dma_semaphore, #tpu.memory_space<semaphore_mem>>)
      tpu.wait_dma2 semaphore(%run_scoped3A : memref<!tpu.dma_semaphore, #tpu.memory_space<semaphore_mem>>) src(%arg3 : memref<16xi32, #tpu.memory_space<hbm>>) dst(%arg6 : memref<16xi32, #tpu.memory_space<vmem>>)
      tpu.yield
    }) : () -> ()
    "tpu.region"() ({
      %run_scoped3A = tpu.sem_alloc : memref<!tpu.dma_semaphore, #tpu.memory_space<semaphore_mem>>
      tpu.enqueue_dma source(%arg4 : memref<16xi32, #tpu.memory_space<hbm>>) target(%arg7 : memref<16xi32, #tpu.memory_space<vmem>>) target_semaphore(%run_scoped3A : memref<!tpu.dma_semaphore, #tpu.memory_space<semaphore_mem>>)
      tpu.wait_dma2 semaphore(%run_scoped3A : memref<!tpu.dma_semaphore, #tpu.memory_space<semaphore_mem>>) src(%arg4 : memref<16xi32, #tpu.memory_space<hbm>>) dst(%arg7 : memref<16xi32, #tpu.memory_space<vmem>>)
      tpu.yield
    }) : () -> ()
    %iota3A = tpu.iota {dimensions = array<i32: 0>} : vector<16xi32>
    %scan3A = arith.constant 0 : i32
    %scan3A_1 = arith.constant 0 : i32
    %scan3A_2 = arith.constant 32 : i32
    %scan3A_3 = arith.addi %scan3A_1, %scan3A_2 : i32
    %scan3A_4 = arith.constant 1 : i32
    scf.for %scan3A_146 = %scan3A_1 to %scan3A_3 step %scan3A_4  : i32 {
      %scan3A_147 = arith.constant 0 : i32
      %scan3A_148 = arith.constant 64 : i32
      %scan3A_149 = arith.addi %scan3A_147, %scan3A_148 : i32
      %scan3A_150 = arith.constant 1 : i32
      scf.for %scan3A_152 = %scan3A_147 to %scan3A_149 step %scan3A_150  : i32 {
        %broadcast_in_dim3A_153 = arith.constant 0.000000e+00 : f32
        %broadcast_in_dim3A_154 = vector.broadcast %broadcast_in_dim3A_153 : f32 to vector<16xf32>
        %mul3A_155 = arith.constant 16 : i32
        %mul3A_156 = arith.muli %scan3A_152, %mul3A_155 : i32
        %swap3A = arith.index_cast %scan3A_146 : i32 to index
        %swap3A_157 = arith.index_cast %mul3A_156 : i32 to index
        %swap3A_158 = tpu.vector_load %arg10[%swap3A, %swap3A_157] {strides = array<i32>} : memref<32x1024xf32, #tpu.memory_space<vmem>>, vector<16xf32>,
        tpu.vector_store %arg10[%swap3A, %swap3A_157], %broadcast_in_dim3A_154 {strides = array<i32>} : memref<32x1024xf32, #tpu.memory_space<vmem>>, vector<16xf32>,
      }
      %scan3A_151 = arith.constant 64 : i32
    }
    %scan3A_5 = arith.constant 32 : i32
    %scan3A_6 = arith.constant 0 : i32
    %scan3A_7 = arith.constant 0 : i32
    %scan3A_8 = arith.constant 32 : i32
    %scan3A_9 = arith.addi %scan3A_7, %scan3A_8 : i32
    %scan3A_10 = arith.constant 1 : i32
    scf.for %scan3A_146 = %scan3A_7 to %scan3A_9 step %scan3A_10  : i32 {
      %mul3A_147 = arith.constant 2 : i32
      %mul3A_148 = arith.muli %mul3A_147, %scan3A_146 : i32
      %eq3A_149 = arith.constant 0 : i32
      %eq3A_150 = arith.cmpi eq, %scan3A_146, %eq3A_149 : i32
      %mul3A_151 = arith.constant 32 : i32
      %mul3A_152 = arith.muli %mul3A_151, %mul3A_148 : i32
      %add3A_153 = arith.addi %add3A, %mul3A_152 : i32
      %jit3A_154 = arith.constant 128 : i32
      %div3A_155 = arith.divsi %add3A_153, %jit3A_154 : i32
      %sign3A_156 = arith.constant 0 : i32
      %sign3A_157 = arith.cmpi sgt, %add3A_153, %sign3A_156 : i32
      %sign3A_158 = arith.extui %sign3A_157 : i1 to i32
      %sign3A_159 = arith.constant 0 : i32
      %sign3A_160 = arith.cmpi slt, %add3A_153, %sign3A_159 : i32
      %sign3A_161 = arith.extui %sign3A_160 : i1 to i32
      %sign3A_162 = arith.subi %sign3A_158, %sign3A_161 : i32
      %sign3A_163 = arith.constant 0 : i32
      %sign3A_164 = arith.cmpi sgt, %jit3A_154, %sign3A_163 : i32
      %sign3A_165 = arith.extui %sign3A_164 : i1 to i32
      %sign3A_166 = arith.constant 0 : i32
      %sign3A_167 = arith.cmpi slt, %jit3A_154, %sign3A_166 : i32
      %sign3A_168 = arith.extui %sign3A_167 : i1 to i32
      %sign3A_169 = arith.subi %sign3A_165, %sign3A_168 : i32
      %ne3A_170 = arith.cmpi ne, %sign3A_162, %sign3A_169 : i32
      %rem3A_171 = arith.remsi %add3A_153, %jit3A_154 : i32
      %ne3A_172 = arith.constant 0 : i32
      %ne3A_173 = arith.cmpi ne, %rem3A_171, %ne3A_172 : i32
      %and3A_174 = arith.andi %ne3A_170, %ne3A_173 : i1
      %sub3A_175 = arith.constant 1 : i32
      %sub3A_176 = arith.subi %div3A_155, %sub3A_175 : i32
      %select_n3A_177 = arith.select %and3A_174, %sub3A_176, %div3A_155 : i32
      %jit3A_178 = arith.constant 128 : i32
      %eq3A_179 = arith.constant 0 : i32
      %eq3A_180 = arith.cmpi eq, %jit3A_178, %eq3A_179 : i32
      %jit3A_181 = arith.constant 1 : i32
      %select_n3A_182 = arith.select %eq3A_180, %jit3A_181, %jit3A_178 : i32
      %rem3A_183 = arith.remsi %add3A_153, %select_n3A_182 : i32
      %ne3A_184 = arith.constant 0 : i32
      %ne3A_185 = arith.cmpi ne, %rem3A_183, %ne3A_184 : i32
      %lt3A_186 = arith.constant 0 : i32
      %lt3A_187 = arith.cmpi slt, %rem3A_183, %lt3A_186 : i32
      %lt3A_188 = arith.constant 0 : i32
      %lt3A_189 = arith.cmpi slt, %select_n3A_182, %lt3A_188 : i32
      %ne3A_190 = arith.xori %lt3A_187, %lt3A_189 : i1
      %and3A_191 = arith.andi %ne3A_190, %ne3A_185 : i1
      %add3A_192 = arith.addi %rem3A_183, %select_n3A_182 : i32
      %select_n3A_193 = arith.select %and3A_191, %add3A_192, %rem3A_183 : i32
      %mul3A_194 = arith.constant 32 : i32
      %mul3A_195 = arith.muli %select_n3A_193, %mul3A_194 : i32
      %eq3A_196 = vector.broadcast %select_n3A_177 : i32 to vector<16xi32>
      %eq3A_197 = arith.cmpi eq, %iota3A, %eq3A_196 : vector<16xi32>
      %get3A_198 = arith.constant 0 : index
      %get3A_199 = tpu.vector_load %arg6[%get3A_198] {strides = array<i32>} : memref<16xi32, #tpu.memory_space<vmem>>, vector<16xi32>,
      %jit3A_200 = arith.constant 0 : i32
      %broadcast_in_dim3A_201 = vector.broadcast %jit3A_200 : i32 to vector<16xi32>
      %select_n3A_202 = arith.select %eq3A_197, %get3A_199, %broadcast_in_dim3A_201 : vector<16xi1>, vector<16xi32>
      %reduce_sum3A_203 = arith.constant true
      %reduce_sum3A_204 = vector.broadcast %reduce_sum3A_203 : i1 to vector<16xi1>
      %reduce_sum3A_205 = tpu.scan <sum>, %select_n3A_202 masked %reduce_sum3A_204 : vector<16xi32>, vector<16xi1> -> vector<16xi32>
      %reduce_sum3A_206 = vector.extract %reduce_sum3A_205[15] : i32 from vector<16xi32>
      %get3A_207 = arith.constant 0 : index
      %get3A_208 = tpu.vector_load %arg7[%get3A_207] {strides = array<i32>} : memref<16xi32, #tpu.memory_space<vmem>>, vector<16xi32>,
      %jit3A_209 = arith.constant 0 : i32
      %broadcast_in_dim3A_210 = vector.broadcast %jit3A_209 : i32 to vector<16xi32>
      %select_n3A_211 = arith.select %eq3A_197, %get3A_208, %broadcast_in_dim3A_210 : vector<16xi1>, vector<16xi32>
      %reduce_sum3A_212 = arith.constant true
      %reduce_sum3A_213 = vector.broadcast %reduce_sum3A_212 : i1 to vector<16xi1>
      %reduce_sum3A_214 = tpu.scan <sum>, %select_n3A_211 masked %reduce_sum3A_213 : vector<16xi32>, vector<16xi1> -> vector<16xi32>
      %reduce_sum3A_215 = vector.extract %reduce_sum3A_214[15] : i32 from vector<16xi32>
      %sub3A_216 = arith.subi %reduce_sum3A_215, %mul3A_195 : i32
      %jit3A_217 = arith.constant 0 : i32
      %jit3A_218 = arith.constant 32 : i32
      %max3A_219 = arith.maxsi %jit3A_217, %sub3A_216 : i32
      %min3A_220 = arith.minsi %jit3A_218, %max3A_219 : i32
      %gt3A = arith.constant 0 : i32
      %gt3A_221 = arith.cmpi sgt, %min3A_220, %gt3A : i32
      %not3A = arith.constant true
      %not3A_222 = arith.xori %eq3A_150, %not3A : i1
      %convert_element_type3A = arith.extui %not3A_222 : i1 to i32
      %cond3A = arith.constant 0 : i32
      %cond3A_223 = arith.cmpi ne, %convert_element_type3A, %cond3A : i32
      scf.if %cond3A_223 {
        %dma_wait3A_341 = arith.constant 0 : i32
        %dma_wait3A_342 = tpu.memref_slice %arg5[%select_n3A_177, %mul3A_195, %dma_wait3A_341] : memref<16x4096x1024xf32, #tpu.memory_space<hbm>> -> memref<1x32x1024xf32, #tpu.memory_space<hbm>>
        %dma_wait3A_343 = tpu.memref_squeeze %dma_wait3A_342 : memref<1x32x1024xf32, #tpu.memory_space<hbm>> -> memref<32x1024xf32, #tpu.memory_space<hbm>>
        %dma_wait3A_344 = arith.constant 0 : i32
        %dma_wait3A_345 = tpu.memref_slice %arg5[%select_n3A_177, %mul3A_195, %dma_wait3A_344] : memref<16x4096x1024xf32, #tpu.memory_space<hbm>> -> memref<1x32x1024xf32, #tpu.memory_space<hbm>>
        %dma_wait3A_346 = tpu.memref_squeeze %dma_wait3A_345 : memref<1x32x1024xf32, #tpu.memory_space<hbm>> -> memref<32x1024xf32, #tpu.memory_space<hbm>>
        tpu.wait_dma2 semaphore(%arg13 : memref<!tpu.dma_semaphore, #tpu.memory_space<semaphore_mem>>) src(%arg8 : memref<32x1024xf32, #tpu.memory_space<vmem>>) dst(%dma_wait3A_346 : memref<32x1024xf32, #tpu.memory_space<hbm>>)
      } else {
      }
      %convert_element_type3A_224 = arith.extui %gt3A_221 : i1 to i32
      %cond3A_225 = arith.constant 0 : i32
      %cond3A_226 = arith.cmpi ne, %convert_element_type3A_224, %cond3A_225 : i32
      scf.if %cond3A_226 {
        %dma_start3A = arith.constant 0 : i32
        %dma_start3A_341 = tpu.memref_slice %arg2[%reduce_sum3A_206, %mul3A_195, %dma_start3A] : memref<16x4096x1024xf32, #tpu.memory_space<hbm>> -> memref<1x32x1024xf32, #tpu.memory_space<hbm>>
        %dma_start3A_342 = tpu.memref_squeeze %dma_start3A_341 : memref<1x32x1024xf32, #tpu.memory_space<hbm>> -> memref<32x1024xf32, #tpu.memory_space<hbm>>
        %dma_start3A_343 = arith.constant 0 : i32
        %dma_start3A_344 = tpu.memref_slice %arg2[%reduce_sum3A_206, %mul3A_195, %dma_start3A_343] : memref<16x4096x1024xf32, #tpu.memory_space<hbm>> -> memref<1x32x1024xf32, #tpu.memory_space<hbm>>
        %dma_start3A_345 = tpu.memref_squeeze %dma_start3A_344 : memref<1x32x1024xf32, #tpu.memory_space<hbm>> -> memref<32x1024xf32, #tpu.memory_space<hbm>>
        tpu.enqueue_dma source(%dma_start3A_345 : memref<32x1024xf32, #tpu.memory_space<hbm>>) target(%arg8 : memref<32x1024xf32, #tpu.memory_space<vmem>>) target_semaphore(%arg11 : memref<!tpu.dma_semaphore, #tpu.memory_space<semaphore_mem>>)
        %dma_wait3A_346 = arith.constant 0 : i32
        %dma_wait3A_347 = tpu.memref_slice %arg2[%reduce_sum3A_206, %mul3A_195, %dma_wait3A_346] : memref<16x4096x1024xf32, #tpu.memory_space<hbm>> -> memref<1x32x1024xf32, #tpu.memory_space<hbm>>
        %dma_wait3A_348 = tpu.memref_squeeze %dma_wait3A_347 : memref<1x32x1024xf32, #tpu.memory_space<hbm>> -> memref<32x1024xf32, #tpu.memory_space<hbm>>
        %dma_wait3A_349 = arith.constant 0 : i32
        %dma_wait3A_350 = tpu.memref_slice %arg2[%reduce_sum3A_206, %mul3A_195, %dma_wait3A_349] : memref<16x4096x1024xf32, #tpu.memory_space<hbm>> -> memref<1x32x1024xf32, #tpu.memory_space<hbm>>
        %dma_wait3A_351 = tpu.memref_squeeze %dma_wait3A_350 : memref<1x32x1024xf32, #tpu.memory_space<hbm>> -> memref<32x1024xf32, #tpu.memory_space<hbm>>
        tpu.wait_dma2 semaphore(%arg11 : memref<!tpu.dma_semaphore, #tpu.memory_space<semaphore_mem>>) src(%dma_wait3A_351 : memref<32x1024xf32, #tpu.memory_space<hbm>>) dst(%arg8 : memref<32x1024xf32, #tpu.memory_space<vmem>>)
      } else {
      }
      %lt3A_227 = arith.constant 32 : i32
      %lt3A_228 = arith.cmpi slt, %min3A_220, %lt3A_227 : i32
      %and3A_229 = arith.andi %gt3A_221, %lt3A_228 : i1
      %convert_element_type3A_230 = arith.extui %and3A_229 : i1 to i32
      %cond3A_231 = arith.constant 0 : i32
      %cond3A_232 = arith.cmpi ne, %convert_element_type3A_230, %cond3A_231 : i32
      scf.if %cond3A_232 {
        %le3A = arith.constant 0 : i32
        %le3A_341 = arith.cmpi sle, %min3A_220, %le3A : i32
        %convert_element_type3A_342 = arith.extui %le3A_341 : i1 to i32
        %cond3A_343 = arith.constant 0 : i32
        %cond3A_344 = arith.cmpi ne, %convert_element_type3A_342, %cond3A_343 : i32
        scf.if %cond3A_344 {
          %scan3A_500 = arith.constant 0 : i32
          %scan3A_501 = arith.constant 0 : i32
          %scan3A_502 = arith.constant 64 : i32
          %scan3A_503 = arith.addi %scan3A_501, %scan3A_502 : i32
          %scan3A_504 = arith.constant 1 : i32
          scf.for %scan3A_506 = %scan3A_501 to %scan3A_503 step %scan3A_504  : i32 {
            %broadcast_in_dim3A_507 = arith.constant 0.000000e+00 : f32
            %broadcast_in_dim3A_508 = vector.broadcast %broadcast_in_dim3A_507 : f32 to vector<16xf32>
            %mul3A_509 = arith.constant 16 : i32
            %mul3A_510 = arith.muli %scan3A_506, %mul3A_509 : i32
            %swap3A = arith.constant 0 : i32
            %swap3A_511 = arith.index_cast %swap3A : i32 to index
            %swap3A_512 = arith.index_cast %mul3A_510 : i32 to index
            %swap3A_513 = tpu.vector_load %arg8[%swap3A_511, %swap3A_512] {strides = array<i32>} : memref<32x1024xf32, #tpu.memory_space<vmem>>, vector<16xf32>,
            tpu.vector_store %arg8[%swap3A_511, %swap3A_512], %broadcast_in_dim3A_508 {strides = array<i32>} : memref<32x1024xf32, #tpu.memory_space<vmem>>, vector<16xf32>,
          }
          %scan3A_505 = arith.constant 64 : i32
        } else {
        }
        %le3A_345 = arith.constant 1 : i32
        %le3A_346 = arith.cmpi sle, %min3A_220, %le3A_345 : i32
        %convert_element_type3A_347 = arith.extui %le3A_346 : i1 to i32
        %cond3A_348 = arith.constant 0 : i32
        %cond3A_349 = arith.cmpi ne, %convert_element_type3A_347, %cond3A_348 : i32
        scf.if %cond3A_349 {
          %scan3A_500 = arith.constant 0 : i32
          %scan3A_501 = arith.constant 0 : i32
          %scan3A_502 = arith.constant 64 : i32
          %scan3A_503 = arith.addi %scan3A_501, %scan3A_502 : i32
          %scan3A_504 = arith.constant 1 : i32
          scf.for %scan3A_506 = %scan3A_501 to %scan3A_503 step %scan3A_504  : i32 {
            %broadcast_in_dim3A_507 = arith.constant 0.000000e+00 : f32
            %broadcast_in_dim3A_508 = vector.broadcast %broadcast_in_dim3A_507 : f32 to vector<16xf32>
            %mul3A_509 = arith.constant 16 : i32
            %mul3A_510 = arith.muli %scan3A_506, %mul3A_509 : i32
            %swap3A = arith.constant 1 : i32
            %swap3A_511 = arith.index_cast %swap3A : i32 to index
            %swap3A_512 = arith.index_cast %mul3A_510 : i32 to index
            %swap3A_513 = tpu.vector_load %arg8[%swap3A_511, %swap3A_512] {strides = array<i32>} : memref<32x1024xf32, #tpu.memory_space<vmem>>, vector<16xf32>,
            tpu.vector_store %arg8[%swap3A_511, %swap3A_512], %broadcast_in_dim3A_508 {strides = array<i32>} : memref<32x1024xf32, #tpu.memory_space<vmem>>, vector<16xf32>,
          }
          %scan3A_505 = arith.constant 64 : i32
        } else {
        }
        %le3A_350 = arith.constant 2 : i32
        %le3A_351 = arith.cmpi sle, %min3A_220, %le3A_350 : i32
        %convert_element_type3A_352 = arith.extui %le3A_351 : i1 to i32
        %cond3A_353 = arith.constant 0 : i32
        %cond3A_354 = arith.cmpi ne, %convert_element_type3A_352, %cond3A_353 : i32
        scf.if %cond3A_354 {
          %scan3A_500 = arith.constant 0 : i32
          %scan3A_501 = arith.constant 0 : i32
          %scan3A_502 = arith.constant 64 : i32
          %scan3A_503 = arith.addi %scan3A_501, %scan3A_502 : i32
          %scan3A_504 = arith.constant 1 : i32
          scf.for %scan3A_506 = %scan3A_501 to %scan3A_503 step %scan3A_504  : i32 {
            %broadcast_in_dim3A_507 = arith.constant 0.000000e+00 : f32
            %broadcast_in_dim3A_508 = vector.broadcast %broadcast_in_dim3A_507 : f32 to vector<16xf32>
            %mul3A_509 = arith.constant 16 : i32
            %mul3A_510 = arith.muli %scan3A_506, %mul3A_509 : i32
            %swap3A = arith.constant 2 : i32
            %swap3A_511 = arith.index_cast %swap3A : i32 to index
            %swap3A_512 = arith.index_cast %mul3A_510 : i32 to index
            %swap3A_513 = tpu.vector_load %arg8[%swap3A_511, %swap3A_512] {strides = array<i32>} : memref<32x1024xf32, #tpu.memory_space<vmem>>, vector<16xf32>,
            tpu.vector_store %arg8[%swap3A_511, %swap3A_512], %broadcast_in_dim3A_508 {strides = array<i32>} : memref<32x1024xf32, #tpu.memory_space<vmem>>, vector<16xf32>,
          }
          %scan3A_505 = arith.constant 64 : i32
        } else {
        }
        %le3A_355 = arith.constant 3 : i32
        %le3A_356 = arith.cmpi sle, %min3A_220, %le3A_355 : i32
        %convert_element_type3A_357 = arith.extui %le3A_356 : i1 to i32
        %cond3A_358 = arith.constant 0 : i32
        %cond3A_359 = arith.cmpi ne, %convert_element_type3A_357, %cond3A_358 : i32
        scf.if %cond3A_359 {
          %scan3A_500 = arith.constant 0 : i32
          %scan3A_501 = arith.constant 0 : i32
          %scan3A_502 = arith.constant 64 : i32
          %scan3A_503 = arith.addi %scan3A_501, %scan3A_502 : i32
          %scan3A_504 = arith.constant 1 : i32
          scf.for %scan3A_506 = %scan3A_501 to %scan3A_503 step %scan3A_504  : i32 {
            %broadcast_in_dim3A_507 = arith.constant 0.000000e+00 : f32
            %broadcast_in_dim3A_508 = vector.broadcast %broadcast_in_dim3A_507 : f32 to vector<16xf32>
            %mul3A_509 = arith.constant 16 : i32
            %mul3A_510 = arith.muli %scan3A_506, %mul3A_509 : i32
            %swap3A = arith.constant 3 : i32
            %swap3A_511 = arith.index_cast %swap3A : i32 to index
            %swap3A_512 = arith.index_cast %mul3A_510 : i32 to index
            %swap3A_513 = tpu.vector_load %arg8[%swap3A_511, %swap3A_512] {strides = array<i32>} : memref<32x1024xf32, #tpu.memory_space<vmem>>, vector<16xf32>,
            tpu.vector_store %arg8[%swap3A_511, %swap3A_512], %broadcast_in_dim3A_508 {strides = array<i32>} : memref<32x1024xf32, #tpu.memory_space<vmem>>, vector<16xf32>,
          }
          %scan3A_505 = arith.constant 64 : i32
        } else {
        }
        %le3A_360 = arith.constant 4 : i32
        %le3A_361 = arith.cmpi sle, %min3A_220, %le3A_360 : i32
        %convert_element_type3A_362 = arith.extui %le3A_361 : i1 to i32
        %cond3A_363 = arith.constant 0 : i32
        %cond3A_364 = arith.cmpi ne, %convert_element_type3A_362, %cond3A_363 : i32
        scf.if %cond3A_364 {
          %scan3A_500 = arith.constant 0 : i32
          %scan3A_501 = arith.constant 0 : i32
          %scan3A_502 = arith.constant 64 : i32
          %scan3A_503 = arith.addi %scan3A_501, %scan3A_502 : i32
          %scan3A_504 = arith.constant 1 : i32
          scf.for %scan3A_506 = %scan3A_501 to %scan3A_503 step %scan3A_504  : i32 {
            %broadcast_in_dim3A_507 = arith.constant 0.000000e+00 : f32
            %broadcast_in_dim3A_508 = vector.broadcast %broadcast_in_dim3A_507 : f32 to vector<16xf32>
            %mul3A_509 = arith.constant 16 : i32
            %mul3A_510 = arith.muli %scan3A_506, %mul3A_509 : i32
            %swap3A = arith.constant 4 : i32
            %swap3A_511 = arith.index_cast %swap3A : i32 to index
            %swap3A_512 = arith.index_cast %mul3A_510 : i32 to index
            %swap3A_513 = tpu.vector_load %arg8[%swap3A_511, %swap3A_512] {strides = array<i32>} : memref<32x1024xf32, #tpu.memory_space<vmem>>, vector<16xf32>,
            tpu.vector_store %arg8[%swap3A_511, %swap3A_512], %broadcast_in_dim3A_508 {strides = array<i32>} : memref<32x1024xf32, #tpu.memory_space<vmem>>, vector<16xf32>,
          }
          %scan3A_505 = arith.constant 64 : i32
        } else {
        }
        %le3A_365 = arith.constant 5 : i32
        %le3A_366 = arith.cmpi sle, %min3A_220, %le3A_365 : i32
        %convert_element_type3A_367 = arith.extui %le3A_366 : i1 to i32
        %cond3A_368 = arith.constant 0 : i32
        %cond3A_369 = arith.cmpi ne, %convert_element_type3A_367, %cond3A_368 : i32
        scf.if %cond3A_369 {
          %scan3A_500 = arith.constant 0 : i32
          %scan3A_501 = arith.constant 0 : i32
          %scan3A_502 = arith.constant 64 : i32
          %scan3A_503 = arith.addi %scan3A_501, %scan3A_502 : i32
          %scan3A_504 = arith.constant 1 : i32
          scf.for %scan3A_506 = %scan3A_501 to %scan3A_503 step %scan3A_504  : i32 {
            %broadcast_in_dim3A_507 = arith.constant 0.000000e+00 : f32
            %broadcast_in_dim3A_508 = vector.broadcast %broadcast_in_dim3A_507 : f32 to vector<16xf32>
            %mul3A_509 = arith.constant 16 : i32
            %mul3A_510 = arith.muli %scan3A_506, %mul3A_509 : i32
            %swap3A = arith.constant 5 : i32
            %swap3A_511 = arith.index_cast %swap3A : i32 to index
            %swap3A_512 = arith.index_cast %mul3A_510 : i32 to index
            %swap3A_513 = tpu.vector_load %arg8[%swap3A_511, %swap3A_512] {strides = array<i32>} : memref<32x1024xf32, #tpu.memory_space<vmem>>, vector<16xf32>,
            tpu.vector_store %arg8[%swap3A_511, %swap3A_512], %broadcast_in_dim3A_508 {strides = array<i32>} : memref<32x1024xf32, #tpu.memory_space<vmem>>, vector<16xf32>,
          }
          %scan3A_505 = arith.constant 64 : i32
        } else {
        }
        %le3A_370 = arith.constant 6 : i32
        %le3A_371 = arith.cmpi sle, %min3A_220, %le3A_370 : i32
        %convert_element_type3A_372 = arith.extui %le3A_371 : i1 to i32
        %cond3A_373 = arith.constant 0 : i32
        %cond3A_374 = arith.cmpi ne, %convert_element_type3A_372, %cond3A_373 : i32
        scf.if %cond3A_374 {
          %scan3A_500 = arith.constant 0 : i32
          %scan3A_501 = arith.constant 0 : i32
          %scan3A_502 = arith.constant 64 : i32
          %scan3A_503 = arith.addi %scan3A_501, %scan3A_502 : i32
          %scan3A_504 = arith.constant 1 : i32
          scf.for %scan3A_506 = %scan3A_501 to %scan3A_503 step %scan3A_504  : i32 {
            %broadcast_in_dim3A_507 = arith.constant 0.000000e+00 : f32
            %broadcast_in_dim3A_508 = vector.broadcast %broadcast_in_dim3A_507 : f32 to vector<16xf32>
            %mul3A_509 = arith.constant 16 : i32
            %mul3A_510 = arith.muli %scan3A_506, %mul3A_509 : i32
            %swap3A = arith.constant 6 : i32
            %swap3A_511 = arith.index_cast %swap3A : i32 to index
            %swap3A_512 = arith.index_cast %mul3A_510 : i32 to index
            %swap3A_513 = tpu.vector_load %arg8[%swap3A_511, %swap3A_512] {strides = array<i32>} : memref<32x1024xf32, #tpu.memory_space<vmem>>, vector<16xf32>,
            tpu.vector_store %arg8[%swap3A_511, %swap3A_512], %broadcast_in_dim3A_508 {strides = array<i32>} : memref<32x1024xf32, #tpu.memory_space<vmem>>, vector<16xf32>,
          }
          %scan3A_505 = arith.constant 64 : i32
        } else {
        }
        %le3A_375 = arith.constant 7 : i32
        %le3A_376 = arith.cmpi sle, %min3A_220, %le3A_375 : i32
        %convert_element_type3A_377 = arith.extui %le3A_376 : i1 to i32
        %cond3A_378 = arith.constant 0 : i32
        %cond3A_379 = arith.cmpi ne, %convert_element_type3A_377, %cond3A_378 : i32
        scf.if %cond3A_379 {
          %scan3A_500 = arith.constant 0 : i32
          %scan3A_501 = arith.constant 0 : i32
          %scan3A_502 = arith.constant 64 : i32
          %scan3A_503 = arith.addi %scan3A_501, %scan3A_502 : i32
          %scan3A_504 = arith.constant 1 : i32
          scf.for %scan3A_506 = %scan3A_501 to %scan3A_503 step %scan3A_504  : i32 {
            %broadcast_in_dim3A_507 = arith.constant 0.000000e+00 : f32
            %broadcast_in_dim3A_508 = vector.broadcast %broadcast_in_dim3A_507 : f32 to vector<16xf32>
            %mul3A_509 = arith.constant 16 : i32
            %mul3A_510 = arith.muli %scan3A_506, %mul3A_509 : i32
            %swap3A = arith.constant 7 : i32
            %swap3A_511 = arith.index_cast %swap3A : i32 to index
            %swap3A_512 = arith.index_cast %mul3A_510 : i32 to index
            %swap3A_513 = tpu.vector_load %arg8[%swap3A_511, %swap3A_512] {strides = array<i32>} : memref<32x1024xf32, #tpu.memory_space<vmem>>, vector<16xf32>,
            tpu.vector_store %arg8[%swap3A_511, %swap3A_512], %broadcast_in_dim3A_508 {strides = array<i32>} : memref<32x1024xf32, #tpu.memory_space<vmem>>, vector<16xf32>,
          }
          %scan3A_505 = arith.constant 64 : i32
        } else {
        }
        %le3A_380 = arith.constant 8 : i32
        %le3A_381 = arith.cmpi sle, %min3A_220, %le3A_380 : i32
        %convert_element_type3A_382 = arith.extui %le3A_381 : i1 to i32
        %cond3A_383 = arith.constant 0 : i32
        %cond3A_384 = arith.cmpi ne, %convert_element_type3A_382, %cond3A_383 : i32
        scf.if %cond3A_384 {
          %scan3A_500 = arith.constant 0 : i32
          %scan3A_501 = arith.constant 0 : i32
          %scan3A_502 = arith.constant 64 : i32
          %scan3A_503 = arith.addi %scan3A_501, %scan3A_502 : i32
          %scan3A_504 = arith.constant 1 : i32
          scf.for %scan3A_506 = %scan3A_501 to %scan3A_503 step %scan3A_504  : i32 {
            %broadcast_in_dim3A_507 = arith.constant 0.000000e+00 : f32
            %broadcast_in_dim3A_508 = vector.broadcast %broadcast_in_dim3A_507 : f32 to vector<16xf32>
            %mul3A_509 = arith.constant 16 : i32
            %mul3A_510 = arith.muli %scan3A_506, %mul3A_509 : i32
            %swap3A = arith.constant 8 : i32
            %swap3A_511 = arith.index_cast %swap3A : i32 to index
            %swap3A_512 = arith.index_cast %mul3A_510 : i32 to index
            %swap3A_513 = tpu.vector_load %arg8[%swap3A_511, %swap3A_512] {strides = array<i32>} : memref<32x1024xf32, #tpu.memory_space<vmem>>, vector<16xf32>,
            tpu.vector_store %arg8[%swap3A_511, %swap3A_512], %broadcast_in_dim3A_508 {strides = array<i32>} : memref<32x1024xf32, #tpu.memory_space<vmem>>, vector<16xf32>,
          }
          %scan3A_505 = arith.constant 64 : i32
        } else {
        }
        %le3A_385 = arith.constant 9 : i32
        %le3A_386 = arith.cmpi sle, %min3A_220, %le3A_385 : i32
        %convert_element_type3A_387 = arith.extui %le3A_386 : i1 to i32
        %cond3A_388 = arith.constant 0 : i32
        %cond3A_389 = arith.cmpi ne, %convert_element_type3A_387, %cond3A_388 : i32
        scf.if %cond3A_389 {
          %scan3A_500 = arith.constant 0 : i32
          %scan3A_501 = arith.constant 0 : i32
          %scan3A_502 = arith.constant 64 : i32
          %scan3A_503 = arith.addi %scan3A_501, %scan3A_502 : i32
          %scan3A_504 = arith.constant 1 : i32
          scf.for %scan3A_506 = %scan3A_501 to %scan3A_503 step %scan3A_504  : i32 {
            %broadcast_in_dim3A_507 = arith.constant 0.000000e+00 : f32
            %broadcast_in_dim3A_508 = vector.broadcast %broadcast_in_dim3A_507 : f32 to vector<16xf32>
            %mul3A_509 = arith.constant 16 : i32
            %mul3A_510 = arith.muli %scan3A_506, %mul3A_509 : i32
            %swap3A = arith.constant 9 : i32
            %swap3A_511 = arith.index_cast %swap3A : i32 to index
            %swap3A_512 = arith.index_cast %mul3A_510 : i32 to index
            %swap3A_513 = tpu.vector_load %arg8[%swap3A_511, %swap3A_512] {strides = array<i32>} : memref<32x1024xf32, #tpu.memory_space<vmem>>, vector<16xf32>,
            tpu.vector_store %arg8[%swap3A_511, %swap3A_512], %broadcast_in_dim3A_508 {strides = array<i32>} : memref<32x1024xf32, #tpu.memory_space<vmem>>, vector<16xf32>,
          }
          %scan3A_505 = arith.constant 64 : i32
        } else {
        }
        %le3A_390 = arith.constant 10 : i32
        %le3A_391 = arith.cmpi sle, %min3A_220, %le3A_390 : i32
        %convert_element_type3A_392 = arith.extui %le3A_391 : i1 to i32
        %cond3A_393 = arith.constant 0 : i32
        %cond3A_394 = arith.cmpi ne, %convert_element_type3A_392, %cond3A_393 : i32
        scf.if %cond3A_394 {
          %scan3A_500 = arith.constant 0 : i32
          %scan3A_501 = arith.constant 0 : i32
          %scan3A_502 = arith.constant 64 : i32
          %scan3A_503 = arith.addi %scan3A_501, %scan3A_502 : i32
          %scan3A_504 = arith.constant 1 : i32
          scf.for %scan3A_506 = %scan3A_501 to %scan3A_503 step %scan3A_504  : i32 {
            %broadcast_in_dim3A_507 = arith.constant 0.000000e+00 : f32
            %broadcast_in_dim3A_508 = vector.broadcast %broadcast_in_dim3A_507 : f32 to vector<16xf32>
            %mul3A_509 = arith.constant 16 : i32
            %mul3A_510 = arith.muli %scan3A_506, %mul3A_509 : i32
            %swap3A = arith.constant 10 : i32
            %swap3A_511 = arith.index_cast %swap3A : i32 to index
            %swap3A_512 = arith.index_cast %mul3A_510 : i32 to index
            %swap3A_513 = tpu.vector_load %arg8[%swap3A_511, %swap3A_512] {strides = array<i32>} : memref<32x1024xf32, #tpu.memory_space<vmem>>, vector<16xf32>,
            tpu.vector_store %arg8[%swap3A_511, %swap3A_512], %broadcast_in_dim3A_508 {strides = array<i32>} : memref<32x1024xf32, #tpu.memory_space<vmem>>, vector<16xf32>,
          }
          %scan3A_505 = arith.constant 64 : i32
        } else {
        }
        %le3A_395 = arith.constant 11 : i32
        %le3A_396 = arith.cmpi sle, %min3A_220, %le3A_395 : i32
        %convert_element_type3A_397 = arith.extui %le3A_396 : i1 to i32
        %cond3A_398 = arith.constant 0 : i32
        %cond3A_399 = arith.cmpi ne, %convert_element_type3A_397, %cond3A_398 : i32
        scf.if %cond3A_399 {
          %scan3A_500 = arith.constant 0 : i32
          %scan3A_501 = arith.constant 0 : i32
          %scan3A_502 = arith.constant 64 : i32
          %scan3A_503 = arith.addi %scan3A_501, %scan3A_502 : i32
          %scan3A_504 = arith.constant 1 : i32
          scf.for %scan3A_506 = %scan3A_501 to %scan3A_503 step %scan3A_504  : i32 {
            %broadcast_in_dim3A_507 = arith.constant 0.000000e+00 : f32
            %broadcast_in_dim3A_508 = vector.broadcast %broadcast_in_dim3A_507 : f32 to vector<16xf32>
            %mul3A_509 = arith.constant 16 : i32
            %mul3A_510 = arith.muli %scan3A_506, %mul3A_509 : i32
            %swap3A = arith.constant 11 : i32
            %swap3A_511 = arith.index_cast %swap3A : i32 to index
            %swap3A_512 = arith.index_cast %mul3A_510 : i32 to index
            %swap3A_513 = tpu.vector_load %arg8[%swap3A_511, %swap3A_512] {strides = array<i32>} : memref<32x1024xf32, #tpu.memory_space<vmem>>, vector<16xf32>,
            tpu.vector_store %arg8[%swap3A_511, %swap3A_512], %broadcast_in_dim3A_508 {strides = array<i32>} : memref<32x1024xf32, #tpu.memory_space<vmem>>, vector<16xf32>,
          }
          %scan3A_505 = arith.constant 64 : i32
        } else {
        }
        %le3A_400 = arith.constant 12 : i32
        %le3A_401 = arith.cmpi sle, %min3A_220, %le3A_400 : i32
        %convert_element_type3A_402 = arith.extui %le3A_401 : i1 to i32
        %cond3A_403 = arith.constant 0 : i32
        %cond3A_404 = arith.cmpi ne, %convert_element_type3A_402, %cond3A_403 : i32
        scf.if %cond3A_404 {
          %scan3A_500 = arith.constant 0 : i32
          %scan3A_501 = arith.constant 0 : i32
          %scan3A_502 = arith.constant 64 : i32
          %scan3A_503 = arith.addi %scan3A_501, %scan3A_502 : i32
          %scan3A_504 = arith.constant 1 : i32
          scf.for %scan3A_506 = %scan3A_501 to %scan3A_503 step %scan3A_504  : i32 {
            %broadcast_in_dim3A_507 = arith.constant 0.000000e+00 : f32
            %broadcast_in_dim3A_508 = vector.broadcast %broadcast_in_dim3A_507 : f32 to vector<16xf32>
            %mul3A_509 = arith.constant 16 : i32
            %mul3A_510 = arith.muli %scan3A_506, %mul3A_509 : i32
            %swap3A = arith.constant 12 : i32
            %swap3A_511 = arith.index_cast %swap3A : i32 to index
            %swap3A_512 = arith.index_cast %mul3A_510 : i32 to index
            %swap3A_513 = tpu.vector_load %arg8[%swap3A_511, %swap3A_512] {strides = array<i32>} : memref<32x1024xf32, #tpu.memory_space<vmem>>, vector<16xf32>,
            tpu.vector_store %arg8[%swap3A_511, %swap3A_512], %broadcast_in_dim3A_508 {strides = array<i32>} : memref<32x1024xf32, #tpu.memory_space<vmem>>, vector<16xf32>,
          }
          %scan3A_505 = arith.constant 64 : i32
        } else {
        }
        %le3A_405 = arith.constant 13 : i32
        %le3A_406 = arith.cmpi sle, %min3A_220, %le3A_405 : i32
        %convert_element_type3A_407 = arith.extui %le3A_406 : i1 to i32
        %cond3A_408 = arith.constant 0 : i32
        %cond3A_409 = arith.cmpi ne, %convert_element_type3A_407, %cond3A_408 : i32
        scf.if %cond3A_409 {
          %scan3A_500 = arith.constant 0 : i32
          %scan3A_501 = arith.constant 0 : i32
          %scan3A_502 = arith.constant 64 : i32
          %scan3A_503 = arith.addi %scan3A_501, %scan3A_502 : i32
          %scan3A_504 = arith.constant 1 : i32
          scf.for %scan3A_506 = %scan3A_501 to %scan3A_503 step %scan3A_504  : i32 {
            %broadcast_in_dim3A_507 = arith.constant 0.000000e+00 : f32
            %broadcast_in_dim3A_508 = vector.broadcast %broadcast_in_dim3A_507 : f32 to vector<16xf32>
            %mul3A_509 = arith.constant 16 : i32
            %mul3A_510 = arith.muli %scan3A_506, %mul3A_509 : i32
            %swap3A = arith.constant 13 : i32
            %swap3A_511 = arith.index_cast %swap3A : i32 to index
            %swap3A_512 = arith.index_cast %mul3A_510 : i32 to index
            %swap3A_513 = tpu.vector_load %arg8[%swap3A_511, %swap3A_512] {strides = array<i32>} : memref<32x1024xf32, #tpu.memory_space<vmem>>, vector<16xf32>,
            tpu.vector_store %arg8[%swap3A_511, %swap3A_512], %broadcast_in_dim3A_508 {strides = array<i32>} : memref<32x1024xf32, #tpu.memory_space<vmem>>, vector<16xf32>,
          }
          %scan3A_505 = arith.constant 64 : i32
        } else {
        }
        %le3A_410 = arith.constant 14 : i32
        %le3A_411 = arith.cmpi sle, %min3A_220, %le3A_410 : i32
        %convert_element_type3A_412 = arith.extui %le3A_411 : i1 to i32
        %cond3A_413 = arith.constant 0 : i32
        %cond3A_414 = arith.cmpi ne, %convert_element_type3A_412, %cond3A_413 : i32
        scf.if %cond3A_414 {
          %scan3A_500 = arith.constant 0 : i32
          %scan3A_501 = arith.constant 0 : i32
          %scan3A_502 = arith.constant 64 : i32
          %scan3A_503 = arith.addi %scan3A_501, %scan3A_502 : i32
          %scan3A_504 = arith.constant 1 : i32
          scf.for %scan3A_506 = %scan3A_501 to %scan3A_503 step %scan3A_504  : i32 {
            %broadcast_in_dim3A_507 = arith.constant 0.000000e+00 : f32
            %broadcast_in_dim3A_508 = vector.broadcast %broadcast_in_dim3A_507 : f32 to vector<16xf32>
            %mul3A_509 = arith.constant 16 : i32
            %mul3A_510 = arith.muli %scan3A_506, %mul3A_509 : i32
            %swap3A = arith.constant 14 : i32
            %swap3A_511 = arith.index_cast %swap3A : i32 to index
            %swap3A_512 = arith.index_cast %mul3A_510 : i32 to index
            %swap3A_513 = tpu.vector_load %arg8[%swap3A_511, %swap3A_512] {strides = array<i32>} : memref<32x1024xf32, #tpu.memory_space<vmem>>, vector<16xf32>,
            tpu.vector_store %arg8[%swap3A_511, %swap3A_512], %broadcast_in_dim3A_508 {strides = array<i32>} : memref<32x1024xf32, #tpu.memory_space<vmem>>, vector<16xf32>,
          }
          %scan3A_505 = arith.constant 64 : i32
        } else {
        }
        %le3A_415 = arith.constant 15 : i32
        %le3A_416 = arith.cmpi sle, %min3A_220, %le3A_415 : i32
        %convert_element_type3A_417 = arith.extui %le3A_416 : i1 to i32
        %cond3A_418 = arith.constant 0 : i32
        %cond3A_419 = arith.cmpi ne, %convert_element_type3A_417, %cond3A_418 : i32
        scf.if %cond3A_419 {
          %scan3A_500 = arith.constant 0 : i32
          %scan3A_501 = arith.constant 0 : i32
          %scan3A_502 = arith.constant 64 : i32
          %scan3A_503 = arith.addi %scan3A_501, %scan3A_502 : i32
          %scan3A_504 = arith.constant 1 : i32
          scf.for %scan3A_506 = %scan3A_501 to %scan3A_503 step %scan3A_504  : i32 {
            %broadcast_in_dim3A_507 = arith.constant 0.000000e+00 : f32
            %broadcast_in_dim3A_508 = vector.broadcast %broadcast_in_dim3A_507 : f32 to vector<16xf32>
            %mul3A_509 = arith.constant 16 : i32
            %mul3A_510 = arith.muli %scan3A_506, %mul3A_509 : i32
            %swap3A = arith.constant 15 : i32
            %swap3A_511 = arith.index_cast %swap3A : i32 to index
            %swap3A_512 = arith.index_cast %mul3A_510 : i32 to index
            %swap3A_513 = tpu.vector_load %arg8[%swap3A_511, %swap3A_512] {strides = array<i32>} : memref<32x1024xf32, #tpu.memory_space<vmem>>, vector<16xf32>,
            tpu.vector_store %arg8[%swap3A_511, %swap3A_512], %broadcast_in_dim3A_508 {strides = array<i32>} : memref<32x1024xf32, #tpu.memory_space<vmem>>, vector<16xf32>,
          }
          %scan3A_505 = arith.constant 64 : i32
        } else {
        }
        %le3A_420 = arith.constant 16 : i32
        %le3A_421 = arith.cmpi sle, %min3A_220, %le3A_420 : i32
        %convert_element_type3A_422 = arith.extui %le3A_421 : i1 to i32
        %cond3A_423 = arith.constant 0 : i32
        %cond3A_424 = arith.cmpi ne, %convert_element_type3A_422, %cond3A_423 : i32
        scf.if %cond3A_424 {
          %scan3A_500 = arith.constant 0 : i32
          %scan3A_501 = arith.constant 0 : i32
          %scan3A_502 = arith.constant 64 : i32
          %scan3A_503 = arith.addi %scan3A_501, %scan3A_502 : i32
          %scan3A_504 = arith.constant 1 : i32
          scf.for %scan3A_506 = %scan3A_501 to %scan3A_503 step %scan3A_504  : i32 {
            %broadcast_in_dim3A_507 = arith.constant 0.000000e+00 : f32
            %broadcast_in_dim3A_508 = vector.broadcast %broadcast_in_dim3A_507 : f32 to vector<16xf32>
            %mul3A_509 = arith.constant 16 : i32
            %mul3A_510 = arith.muli %scan3A_506, %mul3A_509 : i32
            %swap3A = arith.constant 16 : i32
            %swap3A_511 = arith.index_cast %swap3A : i32 to index
            %swap3A_512 = arith.index_cast %mul3A_510 : i32 to index
            %swap3A_513 = tpu.vector_load %arg8[%swap3A_511, %swap3A_512] {strides = array<i32>} : memref<32x1024xf32, #tpu.memory_space<vmem>>, vector<16xf32>,
            tpu.vector_store %arg8[%swap3A_511, %swap3A_512], %broadcast_in_dim3A_508 {strides = array<i32>} : memref<32x1024xf32, #tpu.memory_space<vmem>>, vector<16xf32>,
          }
          %scan3A_505 = arith.constant 64 : i32
        } else {
        }
        %le3A_425 = arith.constant 17 : i32
        %le3A_426 = arith.cmpi sle, %min3A_220, %le3A_425 : i32
        %convert_element_type3A_427 = arith.extui %le3A_426 : i1 to i32
        %cond3A_428 = arith.constant 0 : i32
        %cond3A_429 = arith.cmpi ne, %convert_element_type3A_427, %cond3A_428 : i32
        scf.if %cond3A_429 {
          %scan3A_500 = arith.constant 0 : i32
          %scan3A_501 = arith.constant 0 : i32
          %scan3A_502 = arith.constant 64 : i32
          %scan3A_503 = arith.addi %scan3A_501, %scan3A_502 : i32
          %scan3A_504 = arith.constant 1 : i32
          scf.for %scan3A_506 = %scan3A_501 to %scan3A_503 step %scan3A_504  : i32 {
            %broadcast_in_dim3A_507 = arith.constant 0.000000e+00 : f32
            %broadcast_in_dim3A_508 = vector.broadcast %broadcast_in_dim3A_507 : f32 to vector<16xf32>
            %mul3A_509 = arith.constant 16 : i32
            %mul3A_510 = arith.muli %scan3A_506, %mul3A_509 : i32
            %swap3A = arith.constant 17 : i32
            %swap3A_511 = arith.index_cast %swap3A : i32 to index
            %swap3A_512 = arith.index_cast %mul3A_510 : i32 to index
            %swap3A_513 = tpu.vector_load %arg8[%swap3A_511, %swap3A_512] {strides = array<i32>} : memref<32x1024xf32, #tpu.memory_space<vmem>>, vector<16xf32>,
            tpu.vector_store %arg8[%swap3A_511, %swap3A_512], %broadcast_in_dim3A_508 {strides = array<i32>} : memref<32x1024xf32, #tpu.memory_space<vmem>>, vector<16xf32>,
          }
          %scan3A_505 = arith.constant 64 : i32
        } else {
        }
        %le3A_430 = arith.constant 18 : i32
        %le3A_431 = arith.cmpi sle, %min3A_220, %le3A_430 : i32
        %convert_element_type3A_432 = arith.extui %le3A_431 : i1 to i32
        %cond3A_433 = arith.constant 0 : i32
        %cond3A_434 = arith.cmpi ne, %convert_element_type3A_432, %cond3A_433 : i32
        scf.if %cond3A_434 {
          %scan3A_500 = arith.constant 0 : i32
          %scan3A_501 = arith.constant 0 : i32
          %scan3A_502 = arith.constant 64 : i32
          %scan3A_503 = arith.addi %scan3A_501, %scan3A_502 : i32
          %scan3A_504 = arith.constant 1 : i32
          scf.for %scan3A_506 = %scan3A_501 to %scan3A_503 step %scan3A_504  : i32 {
            %broadcast_in_dim3A_507 = arith.constant 0.000000e+00 : f32
            %broadcast_in_dim3A_508 = vector.broadcast %broadcast_in_dim3A_507 : f32 to vector<16xf32>
            %mul3A_509 = arith.constant 16 : i32
            %mul3A_510 = arith.muli %scan3A_506, %mul3A_509 : i32
            %swap3A = arith.constant 18 : i32
            %swap3A_511 = arith.index_cast %swap3A : i32 to index
            %swap3A_512 = arith.index_cast %mul3A_510 : i32 to index
            %swap3A_513 = tpu.vector_load %arg8[%swap3A_511, %swap3A_512] {strides = array<i32>} : memref<32x1024xf32, #tpu.memory_space<vmem>>, vector<16xf32>,
            tpu.vector_store %arg8[%swap3A_511, %swap3A_512], %broadcast_in_dim3A_508 {strides = array<i32>} : memref<32x1024xf32, #tpu.memory_space<vmem>>, vector<16xf32>,
          }
          %scan3A_505 = arith.constant 64 : i32
        } else {
        }
        %le3A_435 = arith.constant 19 : i32
        %le3A_436 = arith.cmpi sle, %min3A_220, %le3A_435 : i32
        %convert_element_type3A_437 = arith.extui %le3A_436 : i1 to i32
        %cond3A_438 = arith.constant 0 : i32
        %cond3A_439 = arith.cmpi ne, %convert_element_type3A_437, %cond3A_438 : i32
        scf.if %cond3A_439 {
          %scan3A_500 = arith.constant 0 : i32
          %scan3A_501 = arith.constant 0 : i32
          %scan3A_502 = arith.constant 64 : i32
          %scan3A_503 = arith.addi %scan3A_501, %scan3A_502 : i32
          %scan3A_504 = arith.constant 1 : i32
          scf.for %scan3A_506 = %scan3A_501 to %scan3A_503 step %scan3A_504  : i32 {
            %broadcast_in_dim3A_507 = arith.constant 0.000000e+00 : f32
            %broadcast_in_dim3A_508 = vector.broadcast %broadcast_in_dim3A_507 : f32 to vector<16xf32>
            %mul3A_509 = arith.constant 16 : i32
            %mul3A_510 = arith.muli %scan3A_506, %mul3A_509 : i32
            %swap3A = arith.constant 19 : i32
            %swap3A_511 = arith.index_cast %swap3A : i32 to index
            %swap3A_512 = arith.index_cast %mul3A_510 : i32 to index
            %swap3A_513 = tpu.vector_load %arg8[%swap3A_511, %swap3A_512] {strides = array<i32>} : memref<32x1024xf32, #tpu.memory_space<vmem>>, vector<16xf32>,
            tpu.vector_store %arg8[%swap3A_511, %swap3A_512], %broadcast_in_dim3A_508 {strides = array<i32>} : memref<32x1024xf32, #tpu.memory_space<vmem>>, vector<16xf32>,
          }
          %scan3A_505 = arith.constant 64 : i32
        } else {
        }
        %le3A_440 = arith.constant 20 : i32
        %le3A_441 = arith.cmpi sle, %min3A_220, %le3A_440 : i32
        %convert_element_type3A_442 = arith.extui %le3A_441 : i1 to i32
        %cond3A_443 = arith.constant 0 : i32
        %cond3A_444 = arith.cmpi ne, %convert_element_type3A_442, %cond3A_443 : i32
        scf.if %cond3A_444 {
          %scan3A_500 = arith.constant 0 : i32
          %scan3A_501 = arith.constant 0 : i32
          %scan3A_502 = arith.constant 64 : i32
          %scan3A_503 = arith.addi %scan3A_501, %scan3A_502 : i32
          %scan3A_504 = arith.constant 1 : i32
          scf.for %scan3A_506 = %scan3A_501 to %scan3A_503 step %scan3A_504  : i32 {
            %broadcast_in_dim3A_507 = arith.constant 0.000000e+00 : f32
            %broadcast_in_dim3A_508 = vector.broadcast %broadcast_in_dim3A_507 : f32 to vector<16xf32>
            %mul3A_509 = arith.constant 16 : i32
            %mul3A_510 = arith.muli %scan3A_506, %mul3A_509 : i32
            %swap3A = arith.constant 20 : i32
            %swap3A_511 = arith.index_cast %swap3A : i32 to index
            %swap3A_512 = arith.index_cast %mul3A_510 : i32 to index
            %swap3A_513 = tpu.vector_load %arg8[%swap3A_511, %swap3A_512] {strides = array<i32>} : memref<32x1024xf32, #tpu.memory_space<vmem>>, vector<16xf32>,
            tpu.vector_store %arg8[%swap3A_511, %swap3A_512], %broadcast_in_dim3A_508 {strides = array<i32>} : memref<32x1024xf32, #tpu.memory_space<vmem>>, vector<16xf32>,
          }
          %scan3A_505 = arith.constant 64 : i32
        } else {
        }
        %le3A_445 = arith.constant 21 : i32
        %le3A_446 = arith.cmpi sle, %min3A_220, %le3A_445 : i32
        %convert_element_type3A_447 = arith.extui %le3A_446 : i1 to i32
        %cond3A_448 = arith.constant 0 : i32
        %cond3A_449 = arith.cmpi ne, %convert_element_type3A_447, %cond3A_448 : i32
        scf.if %cond3A_449 {
          %scan3A_500 = arith.constant 0 : i32
          %scan3A_501 = arith.constant 0 : i32
          %scan3A_502 = arith.constant 64 : i32
          %scan3A_503 = arith.addi %scan3A_501, %scan3A_502 : i32
          %scan3A_504 = arith.constant 1 : i32
          scf.for %scan3A_506 = %scan3A_501 to %scan3A_503 step %scan3A_504  : i32 {
            %broadcast_in_dim3A_507 = arith.constant 0.000000e+00 : f32
            %broadcast_in_dim3A_508 = vector.broadcast %broadcast_in_dim3A_507 : f32 to vector<16xf32>
            %mul3A_509 = arith.constant 16 : i32
            %mul3A_510 = arith.muli %scan3A_506, %mul3A_509 : i32
            %swap3A = arith.constant 21 : i32
            %swap3A_511 = arith.index_cast %swap3A : i32 to index
            %swap3A_512 = arith.index_cast %mul3A_510 : i32 to index
            %swap3A_513 = tpu.vector_load %arg8[%swap3A_511, %swap3A_512] {strides = array<i32>} : memref<32x1024xf32, #tpu.memory_space<vmem>>, vector<16xf32>,
            tpu.vector_store %arg8[%swap3A_511, %swap3A_512], %broadcast_in_dim3A_508 {strides = array<i32>} : memref<32x1024xf32, #tpu.memory_space<vmem>>, vector<16xf32>,
          }
          %scan3A_505 = arith.constant 64 : i32
        } else {
        }
        %le3A_450 = arith.constant 22 : i32
        %le3A_451 = arith.cmpi sle, %min3A_220, %le3A_450 : i32
        %convert_element_type3A_452 = arith.extui %le3A_451 : i1 to i32
        %cond3A_453 = arith.constant 0 : i32
        %cond3A_454 = arith.cmpi ne, %convert_element_type3A_452, %cond3A_453 : i32
        scf.if %cond3A_454 {
          %scan3A_500 = arith.constant 0 : i32
          %scan3A_501 = arith.constant 0 : i32
          %scan3A_502 = arith.constant 64 : i32
          %scan3A_503 = arith.addi %scan3A_501, %scan3A_502 : i32
          %scan3A_504 = arith.constant 1 : i32
          scf.for %scan3A_506 = %scan3A_501 to %scan3A_503 step %scan3A_504  : i32 {
            %broadcast_in_dim3A_507 = arith.constant 0.000000e+00 : f32
            %broadcast_in_dim3A_508 = vector.broadcast %broadcast_in_dim3A_507 : f32 to vector<16xf32>
            %mul3A_509 = arith.constant 16 : i32
            %mul3A_510 = arith.muli %scan3A_506, %mul3A_509 : i32
            %swap3A = arith.constant 22 : i32
            %swap3A_511 = arith.index_cast %swap3A : i32 to index
            %swap3A_512 = arith.index_cast %mul3A_510 : i32 to index
            %swap3A_513 = tpu.vector_load %arg8[%swap3A_511, %swap3A_512] {strides = array<i32>} : memref<32x1024xf32, #tpu.memory_space<vmem>>, vector<16xf32>,
            tpu.vector_store %arg8[%swap3A_511, %swap3A_512], %broadcast_in_dim3A_508 {strides = array<i32>} : memref<32x1024xf32, #tpu.memory_space<vmem>>, vector<16xf32>,
          }
          %scan3A_505 = arith.constant 64 : i32
        } else {
        }
        %le3A_455 = arith.constant 23 : i32
        %le3A_456 = arith.cmpi sle, %min3A_220, %le3A_455 : i32
        %convert_element_type3A_457 = arith.extui %le3A_456 : i1 to i32
        %cond3A_458 = arith.constant 0 : i32
        %cond3A_459 = arith.cmpi ne, %convert_element_type3A_457, %cond3A_458 : i32
        scf.if %cond3A_459 {
          %scan3A_500 = arith.constant 0 : i32
          %scan3A_501 = arith.constant 0 : i32
          %scan3A_502 = arith.constant 64 : i32
          %scan3A_503 = arith.addi %scan3A_501, %scan3A_502 : i32
          %scan3A_504 = arith.constant 1 : i32
          scf.for %scan3A_506 = %scan3A_501 to %scan3A_503 step %scan3A_504  : i32 {
            %broadcast_in_dim3A_507 = arith.constant 0.000000e+00 : f32
            %broadcast_in_dim3A_508 = vector.broadcast %broadcast_in_dim3A_507 : f32 to vector<16xf32>
            %mul3A_509 = arith.constant 16 : i32
            %mul3A_510 = arith.muli %scan3A_506, %mul3A_509 : i32
            %swap3A = arith.constant 23 : i32
            %swap3A_511 = arith.index_cast %swap3A : i32 to index
            %swap3A_512 = arith.index_cast %mul3A_510 : i32 to index
            %swap3A_513 = tpu.vector_load %arg8[%swap3A_511, %swap3A_512] {strides = array<i32>} : memref<32x1024xf32, #tpu.memory_space<vmem>>, vector<16xf32>,
            tpu.vector_store %arg8[%swap3A_511, %swap3A_512], %broadcast_in_dim3A_508 {strides = array<i32>} : memref<32x1024xf32, #tpu.memory_space<vmem>>, vector<16xf32>,
          }
          %scan3A_505 = arith.constant 64 : i32
        } else {
        }
        %le3A_460 = arith.constant 24 : i32
        %le3A_461 = arith.cmpi sle, %min3A_220, %le3A_460 : i32
        %convert_element_type3A_462 = arith.extui %le3A_461 : i1 to i32
        %cond3A_463 = arith.constant 0 : i32
        %cond3A_464 = arith.cmpi ne, %convert_element_type3A_462, %cond3A_463 : i32
        scf.if %cond3A_464 {
          %scan3A_500 = arith.constant 0 : i32
          %scan3A_501 = arith.constant 0 : i32
          %scan3A_502 = arith.constant 64 : i32
          %scan3A_503 = arith.addi %scan3A_501, %scan3A_502 : i32
          %scan3A_504 = arith.constant 1 : i32
          scf.for %scan3A_506 = %scan3A_501 to %scan3A_503 step %scan3A_504  : i32 {
            %broadcast_in_dim3A_507 = arith.constant 0.000000e+00 : f32
            %broadcast_in_dim3A_508 = vector.broadcast %broadcast_in_dim3A_507 : f32 to vector<16xf32>
            %mul3A_509 = arith.constant 16 : i32
            %mul3A_510 = arith.muli %scan3A_506, %mul3A_509 : i32
            %swap3A = arith.constant 24 : i32
            %swap3A_511 = arith.index_cast %swap3A : i32 to index
            %swap3A_512 = arith.index_cast %mul3A_510 : i32 to index
            %swap3A_513 = tpu.vector_load %arg8[%swap3A_511, %swap3A_512] {strides = array<i32>} : memref<32x1024xf32, #tpu.memory_space<vmem>>, vector<16xf32>,
            tpu.vector_store %arg8[%swap3A_511, %swap3A_512], %broadcast_in_dim3A_508 {strides = array<i32>} : memref<32x1024xf32, #tpu.memory_space<vmem>>, vector<16xf32>,
          }
          %scan3A_505 = arith.constant 64 : i32
        } else {
        }
        %le3A_465 = arith.constant 25 : i32
        %le3A_466 = arith.cmpi sle, %min3A_220, %le3A_465 : i32
        %convert_element_type3A_467 = arith.extui %le3A_466 : i1 to i32
        %cond3A_468 = arith.constant 0 : i32
        %cond3A_469 = arith.cmpi ne, %convert_element_type3A_467, %cond3A_468 : i32
        scf.if %cond3A_469 {
          %scan3A_500 = arith.constant 0 : i32
          %scan3A_501 = arith.constant 0 : i32
          %scan3A_502 = arith.constant 64 : i32
          %scan3A_503 = arith.addi %scan3A_501, %scan3A_502 : i32
          %scan3A_504 = arith.constant 1 : i32
          scf.for %scan3A_506 = %scan3A_501 to %scan3A_503 step %scan3A_504  : i32 {
            %broadcast_in_dim3A_507 = arith.constant 0.000000e+00 : f32
            %broadcast_in_dim3A_508 = vector.broadcast %broadcast_in_dim3A_507 : f32 to vector<16xf32>
            %mul3A_509 = arith.constant 16 : i32
            %mul3A_510 = arith.muli %scan3A_506, %mul3A_509 : i32
            %swap3A = arith.constant 25 : i32
            %swap3A_511 = arith.index_cast %swap3A : i32 to index
            %swap3A_512 = arith.index_cast %mul3A_510 : i32 to index
            %swap3A_513 = tpu.vector_load %arg8[%swap3A_511, %swap3A_512] {strides = array<i32>} : memref<32x1024xf32, #tpu.memory_space<vmem>>, vector<16xf32>,
            tpu.vector_store %arg8[%swap3A_511, %swap3A_512], %broadcast_in_dim3A_508 {strides = array<i32>} : memref<32x1024xf32, #tpu.memory_space<vmem>>, vector<16xf32>,
          }
          %scan3A_505 = arith.constant 64 : i32
        } else {
        }
        %le3A_470 = arith.constant 26 : i32
        %le3A_471 = arith.cmpi sle, %min3A_220, %le3A_470 : i32
        %convert_element_type3A_472 = arith.extui %le3A_471 : i1 to i32
        %cond3A_473 = arith.constant 0 : i32
        %cond3A_474 = arith.cmpi ne, %convert_element_type3A_472, %cond3A_473 : i32
        scf.if %cond3A_474 {
          %scan3A_500 = arith.constant 0 : i32
          %scan3A_501 = arith.constant 0 : i32
          %scan3A_502 = arith.constant 64 : i32
          %scan3A_503 = arith.addi %scan3A_501, %scan3A_502 : i32
          %scan3A_504 = arith.constant 1 : i32
          scf.for %scan3A_506 = %scan3A_501 to %scan3A_503 step %scan3A_504  : i32 {
            %broadcast_in_dim3A_507 = arith.constant 0.000000e+00 : f32
            %broadcast_in_dim3A_508 = vector.broadcast %broadcast_in_dim3A_507 : f32 to vector<16xf32>
            %mul3A_509 = arith.constant 16 : i32
            %mul3A_510 = arith.muli %scan3A_506, %mul3A_509 : i32
            %swap3A = arith.constant 26 : i32
            %swap3A_511 = arith.index_cast %swap3A : i32 to index
            %swap3A_512 = arith.index_cast %mul3A_510 : i32 to index
            %swap3A_513 = tpu.vector_load %arg8[%swap3A_511, %swap3A_512] {strides = array<i32>} : memref<32x1024xf32, #tpu.memory_space<vmem>>, vector<16xf32>,
            tpu.vector_store %arg8[%swap3A_511, %swap3A_512], %broadcast_in_dim3A_508 {strides = array<i32>} : memref<32x1024xf32, #tpu.memory_space<vmem>>, vector<16xf32>,
          }
          %scan3A_505 = arith.constant 64 : i32
        } else {
        }
        %le3A_475 = arith.constant 27 : i32
        %le3A_476 = arith.cmpi sle, %min3A_220, %le3A_475 : i32
        %convert_element_type3A_477 = arith.extui %le3A_476 : i1 to i32
        %cond3A_478 = arith.constant 0 : i32
        %cond3A_479 = arith.cmpi ne, %convert_element_type3A_477, %cond3A_478 : i32
        scf.if %cond3A_479 {
          %scan3A_500 = arith.constant 0 : i32
          %scan3A_501 = arith.constant 0 : i32
          %scan3A_502 = arith.constant 64 : i32
          %scan3A_503 = arith.addi %scan3A_501, %scan3A_502 : i32
          %scan3A_504 = arith.constant 1 : i32
          scf.for %scan3A_506 = %scan3A_501 to %scan3A_503 step %scan3A_504  : i32 {
            %broadcast_in_dim3A_507 = arith.constant 0.000000e+00 : f32
            %broadcast_in_dim3A_508 = vector.broadcast %broadcast_in_dim3A_507 : f32 to vector<16xf32>
            %mul3A_509 = arith.constant 16 : i32
            %mul3A_510 = arith.muli %scan3A_506, %mul3A_509 : i32
            %swap3A = arith.constant 27 : i32
            %swap3A_511 = arith.index_cast %swap3A : i32 to index
            %swap3A_512 = arith.index_cast %mul3A_510 : i32 to index
            %swap3A_513 = tpu.vector_load %arg8[%swap3A_511, %swap3A_512] {strides = array<i32>} : memref<32x1024xf32, #tpu.memory_space<vmem>>, vector<16xf32>,
            tpu.vector_store %arg8[%swap3A_511, %swap3A_512], %broadcast_in_dim3A_508 {strides = array<i32>} : memref<32x1024xf32, #tpu.memory_space<vmem>>, vector<16xf32>,
          }
          %scan3A_505 = arith.constant 64 : i32
        } else {
        }
        %le3A_480 = arith.constant 28 : i32
        %le3A_481 = arith.cmpi sle, %min3A_220, %le3A_480 : i32
        %convert_element_type3A_482 = arith.extui %le3A_481 : i1 to i32
        %cond3A_483 = arith.constant 0 : i32
        %cond3A_484 = arith.cmpi ne, %convert_element_type3A_482, %cond3A_483 : i32
        scf.if %cond3A_484 {
          %scan3A_500 = arith.constant 0 : i32
          %scan3A_501 = arith.constant 0 : i32
          %scan3A_502 = arith.constant 64 : i32
          %scan3A_503 = arith.addi %scan3A_501, %scan3A_502 : i32
          %scan3A_504 = arith.constant 1 : i32
          scf.for %scan3A_506 = %scan3A_501 to %scan3A_503 step %scan3A_504  : i32 {
            %broadcast_in_dim3A_507 = arith.constant 0.000000e+00 : f32
            %broadcast_in_dim3A_508 = vector.broadcast %broadcast_in_dim3A_507 : f32 to vector<16xf32>
            %mul3A_509 = arith.constant 16 : i32
            %mul3A_510 = arith.muli %scan3A_506, %mul3A_509 : i32
            %swap3A = arith.constant 28 : i32
            %swap3A_511 = arith.index_cast %swap3A : i32 to index
            %swap3A_512 = arith.index_cast %mul3A_510 : i32 to index
            %swap3A_513 = tpu.vector_load %arg8[%swap3A_511, %swap3A_512] {strides = array<i32>} : memref<32x1024xf32, #tpu.memory_space<vmem>>, vector<16xf32>,
            tpu.vector_store %arg8[%swap3A_511, %swap3A_512], %broadcast_in_dim3A_508 {strides = array<i32>} : memref<32x1024xf32, #tpu.memory_space<vmem>>, vector<16xf32>,
          }
          %scan3A_505 = arith.constant 64 : i32
        } else {
        }
        %le3A_485 = arith.constant 29 : i32
        %le3A_486 = arith.cmpi sle, %min3A_220, %le3A_485 : i32
        %convert_element_type3A_487 = arith.extui %le3A_486 : i1 to i32
        %cond3A_488 = arith.constant 0 : i32
        %cond3A_489 = arith.cmpi ne, %convert_element_type3A_487, %cond3A_488 : i32
        scf.if %cond3A_489 {
          %scan3A_500 = arith.constant 0 : i32
          %scan3A_501 = arith.constant 0 : i32
          %scan3A_502 = arith.constant 64 : i32
          %scan3A_503 = arith.addi %scan3A_501, %scan3A_502 : i32
          %scan3A_504 = arith.constant 1 : i32
          scf.for %scan3A_506 = %scan3A_501 to %scan3A_503 step %scan3A_504  : i32 {
            %broadcast_in_dim3A_507 = arith.constant 0.000000e+00 : f32
            %broadcast_in_dim3A_508 = vector.broadcast %broadcast_in_dim3A_507 : f32 to vector<16xf32>
            %mul3A_509 = arith.constant 16 : i32
            %mul3A_510 = arith.muli %scan3A_506, %mul3A_509 : i32
            %swap3A = arith.constant 29 : i32
            %swap3A_511 = arith.index_cast %swap3A : i32 to index
            %swap3A_512 = arith.index_cast %mul3A_510 : i32 to index
            %swap3A_513 = tpu.vector_load %arg8[%swap3A_511, %swap3A_512] {strides = array<i32>} : memref<32x1024xf32, #tpu.memory_space<vmem>>, vector<16xf32>,
            tpu.vector_store %arg8[%swap3A_511, %swap3A_512], %broadcast_in_dim3A_508 {strides = array<i32>} : memref<32x1024xf32, #tpu.memory_space<vmem>>, vector<16xf32>,
          }
          %scan3A_505 = arith.constant 64 : i32
        } else {
        }
        %le3A_490 = arith.constant 30 : i32
        %le3A_491 = arith.cmpi sle, %min3A_220, %le3A_490 : i32
        %convert_element_type3A_492 = arith.extui %le3A_491 : i1 to i32
        %cond3A_493 = arith.constant 0 : i32
        %cond3A_494 = arith.cmpi ne, %convert_element_type3A_492, %cond3A_493 : i32
        scf.if %cond3A_494 {
          %scan3A_500 = arith.constant 0 : i32
          %scan3A_501 = arith.constant 0 : i32
          %scan3A_502 = arith.constant 64 : i32
          %scan3A_503 = arith.addi %scan3A_501, %scan3A_502 : i32
          %scan3A_504 = arith.constant 1 : i32
          scf.for %scan3A_506 = %scan3A_501 to %scan3A_503 step %scan3A_504  : i32 {
            %broadcast_in_dim3A_507 = arith.constant 0.000000e+00 : f32
            %broadcast_in_dim3A_508 = vector.broadcast %broadcast_in_dim3A_507 : f32 to vector<16xf32>
            %mul3A_509 = arith.constant 16 : i32
            %mul3A_510 = arith.muli %scan3A_506, %mul3A_509 : i32
            %swap3A = arith.constant 30 : i32
            %swap3A_511 = arith.index_cast %swap3A : i32 to index
            %swap3A_512 = arith.index_cast %mul3A_510 : i32 to index
            %swap3A_513 = tpu.vector_load %arg8[%swap3A_511, %swap3A_512] {strides = array<i32>} : memref<32x1024xf32, #tpu.memory_space<vmem>>, vector<16xf32>,
            tpu.vector_store %arg8[%swap3A_511, %swap3A_512], %broadcast_in_dim3A_508 {strides = array<i32>} : memref<32x1024xf32, #tpu.memory_space<vmem>>, vector<16xf32>,
          }
          %scan3A_505 = arith.constant 64 : i32
        } else {
        }
        %le3A_495 = arith.constant 31 : i32
        %le3A_496 = arith.cmpi sle, %min3A_220, %le3A_495 : i32
        %convert_element_type3A_497 = arith.extui %le3A_496 : i1 to i32
        %cond3A_498 = arith.constant 0 : i32
        %cond3A_499 = arith.cmpi ne, %convert_element_type3A_497, %cond3A_498 : i32
        scf.if %cond3A_499 {
          %scan3A_500 = arith.constant 0 : i32
          %scan3A_501 = arith.constant 0 : i32
          %scan3A_502 = arith.constant 64 : i32
          %scan3A_503 = arith.addi %scan3A_501, %scan3A_502 : i32
          %scan3A_504 = arith.constant 1 : i32
          scf.for %scan3A_506 = %scan3A_501 to %scan3A_503 step %scan3A_504  : i32 {
            %broadcast_in_dim3A_507 = arith.constant 0.000000e+00 : f32
            %broadcast_in_dim3A_508 = vector.broadcast %broadcast_in_dim3A_507 : f32 to vector<16xf32>
            %mul3A_509 = arith.constant 16 : i32
            %mul3A_510 = arith.muli %scan3A_506, %mul3A_509 : i32
            %swap3A = arith.constant 31 : i32
            %swap3A_511 = arith.index_cast %swap3A : i32 to index
            %swap3A_512 = arith.index_cast %mul3A_510 : i32 to index
            %swap3A_513 = tpu.vector_load %arg8[%swap3A_511, %swap3A_512] {strides = array<i32>} : memref<32x1024xf32, #tpu.memory_space<vmem>>, vector<16xf32>,
            tpu.vector_store %arg8[%swap3A_511, %swap3A_512], %broadcast_in_dim3A_508 {strides = array<i32>} : memref<32x1024xf32, #tpu.memory_space<vmem>>, vector<16xf32>,
          }
          %scan3A_505 = arith.constant 64 : i32
        } else {
        }
      } else {
      }
      %convert_element_type3A_233 = arith.extui %gt3A_221 : i1 to i32
      %cond3A_234 = arith.constant 0 : i32
      %cond3A_235 = arith.cmpi ne, %convert_element_type3A_233, %cond3A_234 : i32
      scf.if %cond3A_235 {
        %dma_start3A = arith.constant 0 : i32
        %dma_start3A_341 = tpu.memref_slice %arg5[%select_n3A_177, %mul3A_195, %dma_start3A] : memref<16x4096x1024xf32, #tpu.memory_space<hbm>> -> memref<1x32x1024xf32, #tpu.memory_space<hbm>>
        %dma_start3A_342 = tpu.memref_squeeze %dma_start3A_341 : memref<1x32x1024xf32, #tpu.memory_space<hbm>> -> memref<32x1024xf32, #tpu.memory_space<hbm>>
        %dma_start3A_343 = arith.constant 0 : i32
        %dma_start3A_344 = tpu.memref_slice %arg5[%select_n3A_177, %mul3A_195, %dma_start3A_343] : memref<16x4096x1024xf32, #tpu.memory_space<hbm>> -> memref<1x32x1024xf32, #tpu.memory_space<hbm>>
        %dma_start3A_345 = tpu.memref_squeeze %dma_start3A_344 : memref<1x32x1024xf32, #tpu.memory_space<hbm>> -> memref<32x1024xf32, #tpu.memory_space<hbm>>
        tpu.enqueue_dma source(%arg8 : memref<32x1024xf32, #tpu.memory_space<vmem>>) target(%dma_start3A_345 : memref<32x1024xf32, #tpu.memory_space<hbm>>) target_semaphore(%arg13 : memref<!tpu.dma_semaphore, #tpu.memory_space<semaphore_mem>>)
      } else {
      }
      %not3A_236 = arith.constant true
      %not3A_237 = arith.xori %gt3A_221, %not3A_236 : i1
      %convert_element_type3A_238 = arith.extui %not3A_237 : i1 to i32
      %cond3A_239 = arith.constant 0 : i32
      %cond3A_240 = arith.cmpi ne, %convert_element_type3A_238, %cond3A_239 : i32
      scf.if %cond3A_240 {
        %dma_start3A = arith.constant 0 : i32
        %dma_start3A_341 = tpu.memref_slice %arg5[%select_n3A_177, %mul3A_195, %dma_start3A] : memref<16x4096x1024xf32, #tpu.memory_space<hbm>> -> memref<1x32x1024xf32, #tpu.memory_space<hbm>>
        %dma_start3A_342 = tpu.memref_squeeze %dma_start3A_341 : memref<1x32x1024xf32, #tpu.memory_space<hbm>> -> memref<32x1024xf32, #tpu.memory_space<hbm>>
        %dma_start3A_343 = arith.constant 0 : i32
        %dma_start3A_344 = tpu.memref_slice %arg5[%select_n3A_177, %mul3A_195, %dma_start3A_343] : memref<16x4096x1024xf32, #tpu.memory_space<hbm>> -> memref<1x32x1024xf32, #tpu.memory_space<hbm>>
        %dma_start3A_345 = tpu.memref_squeeze %dma_start3A_344 : memref<1x32x1024xf32, #tpu.memory_space<hbm>> -> memref<32x1024xf32, #tpu.memory_space<hbm>>
        tpu.enqueue_dma source(%arg10 : memref<32x1024xf32, #tpu.memory_space<vmem>>) target(%dma_start3A_345 : memref<32x1024xf32, #tpu.memory_space<hbm>>) target_semaphore(%arg13 : memref<!tpu.dma_semaphore, #tpu.memory_space<semaphore_mem>>)
      } else {
      }
      %mul3A_241 = arith.constant 2 : i32
      %mul3A_242 = arith.muli %mul3A_241, %scan3A_146 : i32
      %add3A_243 = arith.constant 1 : i32
      %add3A_244 = arith.addi %mul3A_242, %add3A_243 : i32
      %eq3A_245 = arith.constant 0 : i32
      %eq3A_246 = arith.cmpi eq, %scan3A_146, %eq3A_245 : i32
      %mul3A_247 = arith.constant 32 : i32
      %mul3A_248 = arith.muli %mul3A_247, %add3A_244 : i32
      %add3A_249 = arith.addi %add3A, %mul3A_248 : i32
      %jit3A_250 = arith.constant 128 : i32
      %div3A_251 = arith.divsi %add3A_249, %jit3A_250 : i32
      %sign3A_252 = arith.constant 0 : i32
      %sign3A_253 = arith.cmpi sgt, %add3A_249, %sign3A_252 : i32
      %sign3A_254 = arith.extui %sign3A_253 : i1 to i32
      %sign3A_255 = arith.constant 0 : i32
      %sign3A_256 = arith.cmpi slt, %add3A_249, %sign3A_255 : i32
      %sign3A_257 = arith.extui %sign3A_256 : i1 to i32
      %sign3A_258 = arith.subi %sign3A_254, %sign3A_257 : i32
      %sign3A_259 = arith.constant 0 : i32
      %sign3A_260 = arith.cmpi sgt, %jit3A_250, %sign3A_259 : i32
      %sign3A_261 = arith.extui %sign3A_260 : i1 to i32
      %sign3A_262 = arith.constant 0 : i32
      %sign3A_263 = arith.cmpi slt, %jit3A_250, %sign3A_262 : i32
      %sign3A_264 = arith.extui %sign3A_263 : i1 to i32
      %sign3A_265 = arith.subi %sign3A_261, %sign3A_264 : i32
      %ne3A_266 = arith.cmpi ne, %sign3A_258, %sign3A_265 : i32
      %rem3A_267 = arith.remsi %add3A_249, %jit3A_250 : i32
      %ne3A_268 = arith.constant 0 : i32
      %ne3A_269 = arith.cmpi ne, %rem3A_267, %ne3A_268 : i32
      %and3A_270 = arith.andi %ne3A_266, %ne3A_269 : i1
      %sub3A_271 = arith.constant 1 : i32
      %sub3A_272 = arith.subi %div3A_251, %sub3A_271 : i32
      %select_n3A_273 = arith.select %and3A_270, %sub3A_272, %div3A_251 : i32
      %jit3A_274 = arith.constant 128 : i32
      %eq3A_275 = arith.constant 0 : i32
      %eq3A_276 = arith.cmpi eq, %jit3A_274, %eq3A_275 : i32
      %jit3A_277 = arith.constant 1 : i32
      %select_n3A_278 = arith.select %eq3A_276, %jit3A_277, %jit3A_274 : i32
      %rem3A_279 = arith.remsi %add3A_249, %select_n3A_278 : i32
      %ne3A_280 = arith.constant 0 : i32
      %ne3A_281 = arith.cmpi ne, %rem3A_279, %ne3A_280 : i32
      %lt3A_282 = arith.constant 0 : i32
      %lt3A_283 = arith.cmpi slt, %rem3A_279, %lt3A_282 : i32
      %lt3A_284 = arith.constant 0 : i32
      %lt3A_285 = arith.cmpi slt, %select_n3A_278, %lt3A_284 : i32
      %ne3A_286 = arith.xori %lt3A_283, %lt3A_285 : i1
      %and3A_287 = arith.andi %ne3A_286, %ne3A_281 : i1
      %add3A_288 = arith.addi %rem3A_279, %select_n3A_278 : i32
      %select_n3A_289 = arith.select %and3A_287, %add3A_288, %rem3A_279 : i32
      %mul3A_290 = arith.constant 32 : i32
      %mul3A_291 = arith.muli %select_n3A_289, %mul3A_290 : i32
      %eq3A_292 = vector.broadcast %select_n3A_273 : i32 to vector<16xi32>
      %eq3A_293 = arith.cmpi eq, %iota3A, %eq3A_292 : vector<16xi32>
      %get3A_294 = arith.constant 0 : index
      %get3A_295 = tpu.vector_load %arg6[%get3A_294] {strides = array<i32>} : memref<16xi32, #tpu.memory_space<vmem>>, vector<16xi32>,
      %jit3A_296 = arith.constant 0 : i32
      %broadcast_in_dim3A_297 = vector.broadcast %jit3A_296 : i32 to vector<16xi32>
      %select_n3A_298 = arith.select %eq3A_293, %get3A_295, %broadcast_in_dim3A_297 : vector<16xi1>, vector<16xi32>
      %reduce_sum3A_299 = arith.constant true
      %reduce_sum3A_300 = vector.broadcast %reduce_sum3A_299 : i1 to vector<16xi1>
      %reduce_sum3A_301 = tpu.scan <sum>, %select_n3A_298 masked %reduce_sum3A_300 : vector<16xi32>, vector<16xi1> -> vector<16xi32>
      %reduce_sum3A_302 = vector.extract %reduce_sum3A_301[15] : i32 from vector<16xi32>
      %get3A_303 = arith.constant 0 : index
      %get3A_304 = tpu.vector_load %arg7[%get3A_303] {strides = array<i32>} : memref<16xi32, #tpu.memory_space<vmem>>, vector<16xi32>,
      %jit3A_305 = arith.constant 0 : i32
      %broadcast_in_dim3A_306 = vector.broadcast %jit3A_305 : i32 to vector<16xi32>
      %select_n3A_307 = arith.select %eq3A_293, %get3A_304, %broadcast_in_dim3A_306 : vector<16xi1>, vector<16xi32>
      %reduce_sum3A_308 = arith.constant true
      %reduce_sum3A_309 = vector.broadcast %reduce_sum3A_308 : i1 to vector<16xi1>
      %reduce_sum3A_310 = tpu.scan <sum>, %select_n3A_307 masked %reduce_sum3A_309 : vector<16xi32>, vector<16xi1> -> vector<16xi32>
      %reduce_sum3A_311 = vector.extract %reduce_sum3A_310[15] : i32 from vector<16xi32>
      %sub3A_312 = arith.subi %reduce_sum3A_311, %mul3A_291 : i32
      %jit3A_313 = arith.constant 0 : i32
      %jit3A_314 = arith.constant 32 : i32
      %max3A_315 = arith.maxsi %jit3A_313, %sub3A_312 : i32
      %min3A_316 = arith.minsi %jit3A_314, %max3A_315 : i32
      %gt3A_317 = arith.constant 0 : i32
      %gt3A_318 = arith.cmpi sgt, %min3A_316, %gt3A_317 : i32
      %not3A_319 = arith.constant true
      %not3A_320 = arith.xori %eq3A_246, %not3A_319 : i1
      %convert_element_type3A_321 = arith.extui %not3A_320 : i1 to i32
      %cond3A_322 = arith.constant 0 : i32
      %cond3A_323 = arith.cmpi ne, %convert_element_type3A_321, %cond3A_322 : i32
      scf.if %cond3A_323 {
        %dma_wait3A_341 = arith.constant 0 : i32
        %dma_wait3A_342 = tpu.memref_slice %arg5[%select_n3A_273, %mul3A_291, %dma_wait3A_341] : memref<16x4096x1024xf32, #tpu.memory_space<hbm>> -> memref<1x32x1024xf32, #tpu.memory_space<hbm>>
        %dma_wait3A_343 = tpu.memref_squeeze %dma_wait3A_342 : memref<1x32x1024xf32, #tpu.memory_space<hbm>> -> memref<32x1024xf32, #tpu.memory_space<hbm>>
        %dma_wait3A_344 = arith.constant 0 : i32
        %dma_wait3A_345 = tpu.memref_slice %arg5[%select_n3A_273, %mul3A_291, %dma_wait3A_344] : memref<16x4096x1024xf32, #tpu.memory_space<hbm>> -> memref<1x32x1024xf32, #tpu.memory_space<hbm>>
        %dma_wait3A_346 = tpu.memref_squeeze %dma_wait3A_345 : memref<1x32x1024xf32, #tpu.memory_space<hbm>> -> memref<32x1024xf32, #tpu.memory_space<hbm>>
        tpu.wait_dma2 semaphore(%arg14 : memref<!tpu.dma_semaphore, #tpu.memory_space<semaphore_mem>>) src(%arg9 : memref<32x1024xf32, #tpu.memory_space<vmem>>) dst(%dma_wait3A_346 : memref<32x1024xf32, #tpu.memory_space<hbm>>)
      } else {
      }
      %convert_element_type3A_324 = arith.extui %gt3A_318 : i1 to i32
      %cond3A_325 = arith.constant 0 : i32
      %cond3A_326 = arith.cmpi ne, %convert_element_type3A_324, %cond3A_325 : i32
      scf.if %cond3A_326 {
        %dma_start3A = arith.constant 0 : i32
        %dma_start3A_341 = tpu.memref_slice %arg2[%reduce_sum3A_302, %mul3A_291, %dma_start3A] : memref<16x4096x1024xf32, #tpu.memory_space<hbm>> -> memref<1x32x1024xf32, #tpu.memory_space<hbm>>
        %dma_start3A_342 = tpu.memref_squeeze %dma_start3A_341 : memref<1x32x1024xf32, #tpu.memory_space<hbm>> -> memref<32x1024xf32, #tpu.memory_space<hbm>>
        %dma_start3A_343 = arith.constant 0 : i32
        %dma_start3A_344 = tpu.memref_slice %arg2[%reduce_sum3A_302, %mul3A_291, %dma_start3A_343] : memref<16x4096x1024xf32, #tpu.memory_space<hbm>> -> memref<1x32x1024xf32, #tpu.memory_space<hbm>>
        %dma_start3A_345 = tpu.memref_squeeze %dma_start3A_344 : memref<1x32x1024xf32, #tpu.memory_space<hbm>> -> memref<32x1024xf32, #tpu.memory_space<hbm>>
        tpu.enqueue_dma source(%dma_start3A_345 : memref<32x1024xf32, #tpu.memory_space<hbm>>) target(%arg9 : memref<32x1024xf32, #tpu.memory_space<vmem>>) target_semaphore(%arg12 : memref<!tpu.dma_semaphore, #tpu.memory_space<semaphore_mem>>)
        %dma_wait3A_346 = arith.constant 0 : i32
        %dma_wait3A_347 = tpu.memref_slice %arg2[%reduce_sum3A_302, %mul3A_291, %dma_wait3A_346] : memref<16x4096x1024xf32, #tpu.memory_space<hbm>> -> memref<1x32x1024xf32, #tpu.memory_space<hbm>>
        %dma_wait3A_348 = tpu.memref_squeeze %dma_wait3A_347 : memref<1x32x1024xf32, #tpu.memory_space<hbm>> -> memref<32x1024xf32, #tpu.memory_space<hbm>>
        %dma_wait3A_349 = arith.constant 0 : i32
        %dma_wait3A_350 = tpu.memref_slice %arg2[%reduce_sum3A_302, %mul3A_291, %dma_wait3A_349] : memref<16x4096x1024xf32, #tpu.memory_space<hbm>> -> memref<1x32x1024xf32, #tpu.memory_space<hbm>>
        %dma_wait3A_351 = tpu.memref_squeeze %dma_wait3A_350 : memref<1x32x1024xf32, #tpu.memory_space<hbm>> -> memref<32x1024xf32, #tpu.memory_space<hbm>>
        tpu.wait_dma2 semaphore(%arg12 : memref<!tpu.dma_semaphore, #tpu.memory_space<semaphore_mem>>) src(%dma_wait3A_351 : memref<32x1024xf32, #tpu.memory_space<hbm>>) dst(%arg9 : memref<32x1024xf32, #tpu.memory_space<vmem>>)
      } else {
      }
      %lt3A_327 = arith.constant 32 : i32
      %lt3A_328 = arith.cmpi slt, %min3A_316, %lt3A_327 : i32
      %and3A_329 = arith.andi %gt3A_318, %lt3A_328 : i1
      %convert_element_type3A_330 = arith.extui %and3A_329 : i1 to i32
      %cond3A_331 = arith.constant 0 : i32
      %cond3A_332 = arith.cmpi ne, %convert_element_type3A_330, %cond3A_331 : i32
      scf.if %cond3A_332 {
        %le3A = arith.constant 0 : i32
        %le3A_341 = arith.cmpi sle, %min3A_316, %le3A : i32
        %convert_element_type3A_342 = arith.extui %le3A_341 : i1 to i32
        %cond3A_343 = arith.constant 0 : i32
        %cond3A_344 = arith.cmpi ne, %convert_element_type3A_342, %cond3A_343 : i32
        scf.if %cond3A_344 {
          %scan3A_500 = arith.constant 0 : i32
          %scan3A_501 = arith.constant 0 : i32
          %scan3A_502 = arith.constant 64 : i32
          %scan3A_503 = arith.addi %scan3A_501, %scan3A_502 : i32
          %scan3A_504 = arith.constant 1 : i32
          scf.for %scan3A_506 = %scan3A_501 to %scan3A_503 step %scan3A_504  : i32 {
            %broadcast_in_dim3A_507 = arith.constant 0.000000e+00 : f32
            %broadcast_in_dim3A_508 = vector.broadcast %broadcast_in_dim3A_507 : f32 to vector<16xf32>
            %mul3A_509 = arith.constant 16 : i32
            %mul3A_510 = arith.muli %scan3A_506, %mul3A_509 : i32
            %swap3A = arith.constant 0 : i32
            %swap3A_511 = arith.index_cast %swap3A : i32 to index
            %swap3A_512 = arith.index_cast %mul3A_510 : i32 to index
            %swap3A_513 = tpu.vector_load %arg9[%swap3A_511, %swap3A_512] {strides = array<i32>} : memref<32x1024xf32, #tpu.memory_space<vmem>>, vector<16xf32>,
            tpu.vector_store %arg9[%swap3A_511, %swap3A_512], %broadcast_in_dim3A_508 {strides = array<i32>} : memref<32x1024xf32, #tpu.memory_space<vmem>>, vector<16xf32>,
          }
          %scan3A_505 = arith.constant 64 : i32
        } else {
        }
        %le3A_345 = arith.constant 1 : i32
        %le3A_346 = arith.cmpi sle, %min3A_316, %le3A_345 : i32
        %convert_element_type3A_347 = arith.extui %le3A_346 : i1 to i32
        %cond3A_348 = arith.constant 0 : i32
        %cond3A_349 = arith.cmpi ne, %convert_element_type3A_347, %cond3A_348 : i32
        scf.if %cond3A_349 {
          %scan3A_500 = arith.constant 0 : i32
          %scan3A_501 = arith.constant 0 : i32
          %scan3A_502 = arith.constant 64 : i32
          %scan3A_503 = arith.addi %scan3A_501, %scan3A_502 : i32
          %scan3A_504 = arith.constant 1 : i32
          scf.for %scan3A_506 = %scan3A_501 to %scan3A_503 step %scan3A_504  : i32 {
            %broadcast_in_dim3A_507 = arith.constant 0.000000e+00 : f32
            %broadcast_in_dim3A_508 = vector.broadcast %broadcast_in_dim3A_507 : f32 to vector<16xf32>
            %mul3A_509 = arith.constant 16 : i32
            %mul3A_510 = arith.muli %scan3A_506, %mul3A_509 : i32
            %swap3A = arith.constant 1 : i32
            %swap3A_511 = arith.index_cast %swap3A : i32 to index
            %swap3A_512 = arith.index_cast %mul3A_510 : i32 to index
            %swap3A_513 = tpu.vector_load %arg9[%swap3A_511, %swap3A_512] {strides = array<i32>} : memref<32x1024xf32, #tpu.memory_space<vmem>>, vector<16xf32>,
            tpu.vector_store %arg9[%swap3A_511, %swap3A_512], %broadcast_in_dim3A_508 {strides = array<i32>} : memref<32x1024xf32, #tpu.memory_space<vmem>>, vector<16xf32>,
          }
          %scan3A_505 = arith.constant 64 : i32
        } else {
        }
        %le3A_350 = arith.constant 2 : i32
        %le3A_351 = arith.cmpi sle, %min3A_316, %le3A_350 : i32
        %convert_element_type3A_352 = arith.extui %le3A_351 : i1 to i32
        %cond3A_353 = arith.constant 0 : i32
        %cond3A_354 = arith.cmpi ne, %convert_element_type3A_352, %cond3A_353 : i32
        scf.if %cond3A_354 {
          %scan3A_500 = arith.constant 0 : i32
          %scan3A_501 = arith.constant 0 : i32
          %scan3A_502 = arith.constant 64 : i32
          %scan3A_503 = arith.addi %scan3A_501, %scan3A_502 : i32
          %scan3A_504 = arith.constant 1 : i32
          scf.for %scan3A_506 = %scan3A_501 to %scan3A_503 step %scan3A_504  : i32 {
            %broadcast_in_dim3A_507 = arith.constant 0.000000e+00 : f32
            %broadcast_in_dim3A_508 = vector.broadcast %broadcast_in_dim3A_507 : f32 to vector<16xf32>
            %mul3A_509 = arith.constant 16 : i32
            %mul3A_510 = arith.muli %scan3A_506, %mul3A_509 : i32
            %swap3A = arith.constant 2 : i32
            %swap3A_511 = arith.index_cast %swap3A : i32 to index
            %swap3A_512 = arith.index_cast %mul3A_510 : i32 to index
            %swap3A_513 = tpu.vector_load %arg9[%swap3A_511, %swap3A_512] {strides = array<i32>} : memref<32x1024xf32, #tpu.memory_space<vmem>>, vector<16xf32>,
            tpu.vector_store %arg9[%swap3A_511, %swap3A_512], %broadcast_in_dim3A_508 {strides = array<i32>} : memref<32x1024xf32, #tpu.memory_space<vmem>>, vector<16xf32>,
          }
          %scan3A_505 = arith.constant 64 : i32
        } else {
        }
        %le3A_355 = arith.constant 3 : i32
        %le3A_356 = arith.cmpi sle, %min3A_316, %le3A_355 : i32
        %convert_element_type3A_357 = arith.extui %le3A_356 : i1 to i32
        %cond3A_358 = arith.constant 0 : i32
        %cond3A_359 = arith.cmpi ne, %convert_element_type3A_357, %cond3A_358 : i32
        scf.if %cond3A_359 {
          %scan3A_500 = arith.constant 0 : i32
          %scan3A_501 = arith.constant 0 : i32
          %scan3A_502 = arith.constant 64 : i32
          %scan3A_503 = arith.addi %scan3A_501, %scan3A_502 : i32
          %scan3A_504 = arith.constant 1 : i32
          scf.for %scan3A_506 = %scan3A_501 to %scan3A_503 step %scan3A_504  : i32 {
            %broadcast_in_dim3A_507 = arith.constant 0.000000e+00 : f32
            %broadcast_in_dim3A_508 = vector.broadcast %broadcast_in_dim3A_507 : f32 to vector<16xf32>
            %mul3A_509 = arith.constant 16 : i32
            %mul3A_510 = arith.muli %scan3A_506, %mul3A_509 : i32
            %swap3A = arith.constant 3 : i32
            %swap3A_511 = arith.index_cast %swap3A : i32 to index
            %swap3A_512 = arith.index_cast %mul3A_510 : i32 to index
            %swap3A_513 = tpu.vector_load %arg9[%swap3A_511, %swap3A_512] {strides = array<i32>} : memref<32x1024xf32, #tpu.memory_space<vmem>>, vector<16xf32>,
            tpu.vector_store %arg9[%swap3A_511, %swap3A_512], %broadcast_in_dim3A_508 {strides = array<i32>} : memref<32x1024xf32, #tpu.memory_space<vmem>>, vector<16xf32>,
          }
          %scan3A_505 = arith.constant 64 : i32
        } else {
        }
        %le3A_360 = arith.constant 4 : i32
        %le3A_361 = arith.cmpi sle, %min3A_316, %le3A_360 : i32
        %convert_element_type3A_362 = arith.extui %le3A_361 : i1 to i32
        %cond3A_363 = arith.constant 0 : i32
        %cond3A_364 = arith.cmpi ne, %convert_element_type3A_362, %cond3A_363 : i32
        scf.if %cond3A_364 {
          %scan3A_500 = arith.constant 0 : i32
          %scan3A_501 = arith.constant 0 : i32
          %scan3A_502 = arith.constant 64 : i32
          %scan3A_503 = arith.addi %scan3A_501, %scan3A_502 : i32
          %scan3A_504 = arith.constant 1 : i32
          scf.for %scan3A_506 = %scan3A_501 to %scan3A_503 step %scan3A_504  : i32 {
            %broadcast_in_dim3A_507 = arith.constant 0.000000e+00 : f32
            %broadcast_in_dim3A_508 = vector.broadcast %broadcast_in_dim3A_507 : f32 to vector<16xf32>
            %mul3A_509 = arith.constant 16 : i32
            %mul3A_510 = arith.muli %scan3A_506, %mul3A_509 : i32
            %swap3A = arith.constant 4 : i32
            %swap3A_511 = arith.index_cast %swap3A : i32 to index
            %swap3A_512 = arith.index_cast %mul3A_510 : i32 to index
            %swap3A_513 = tpu.vector_load %arg9[%swap3A_511, %swap3A_512] {strides = array<i32>} : memref<32x1024xf32, #tpu.memory_space<vmem>>, vector<16xf32>,
            tpu.vector_store %arg9[%swap3A_511, %swap3A_512], %broadcast_in_dim3A_508 {strides = array<i32>} : memref<32x1024xf32, #tpu.memory_space<vmem>>, vector<16xf32>,
          }
          %scan3A_505 = arith.constant 64 : i32
        } else {
        }
        %le3A_365 = arith.constant 5 : i32
        %le3A_366 = arith.cmpi sle, %min3A_316, %le3A_365 : i32
        %convert_element_type3A_367 = arith.extui %le3A_366 : i1 to i32
        %cond3A_368 = arith.constant 0 : i32
        %cond3A_369 = arith.cmpi ne, %convert_element_type3A_367, %cond3A_368 : i32
        scf.if %cond3A_369 {
          %scan3A_500 = arith.constant 0 : i32
          %scan3A_501 = arith.constant 0 : i32
          %scan3A_502 = arith.constant 64 : i32
          %scan3A_503 = arith.addi %scan3A_501, %scan3A_502 : i32
          %scan3A_504 = arith.constant 1 : i32
          scf.for %scan3A_506 = %scan3A_501 to %scan3A_503 step %scan3A_504  : i32 {
            %broadcast_in_dim3A_507 = arith.constant 0.000000e+00 : f32
            %broadcast_in_dim3A_508 = vector.broadcast %broadcast_in_dim3A_507 : f32 to vector<16xf32>
            %mul3A_509 = arith.constant 16 : i32
            %mul3A_510 = arith.muli %scan3A_506, %mul3A_509 : i32
            %swap3A = arith.constant 5 : i32
            %swap3A_511 = arith.index_cast %swap3A : i32 to index
            %swap3A_512 = arith.index_cast %mul3A_510 : i32 to index
            %swap3A_513 = tpu.vector_load %arg9[%swap3A_511, %swap3A_512] {strides = array<i32>} : memref<32x1024xf32, #tpu.memory_space<vmem>>, vector<16xf32>,
            tpu.vector_store %arg9[%swap3A_511, %swap3A_512], %broadcast_in_dim3A_508 {strides = array<i32>} : memref<32x1024xf32, #tpu.memory_space<vmem>>, vector<16xf32>,
          }
          %scan3A_505 = arith.constant 64 : i32
        } else {
        }
        %le3A_370 = arith.constant 6 : i32
        %le3A_371 = arith.cmpi sle, %min3A_316, %le3A_370 : i32
        %convert_element_type3A_372 = arith.extui %le3A_371 : i1 to i32
        %cond3A_373 = arith.constant 0 : i32
        %cond3A_374 = arith.cmpi ne, %convert_element_type3A_372, %cond3A_373 : i32
        scf.if %cond3A_374 {
          %scan3A_500 = arith.constant 0 : i32
          %scan3A_501 = arith.constant 0 : i32
          %scan3A_502 = arith.constant 64 : i32
          %scan3A_503 = arith.addi %scan3A_501, %scan3A_502 : i32
          %scan3A_504 = arith.constant 1 : i32
          scf.for %scan3A_506 = %scan3A_501 to %scan3A_503 step %scan3A_504  : i32 {
            %broadcast_in_dim3A_507 = arith.constant 0.000000e+00 : f32
            %broadcast_in_dim3A_508 = vector.broadcast %broadcast_in_dim3A_507 : f32 to vector<16xf32>
            %mul3A_509 = arith.constant 16 : i32
            %mul3A_510 = arith.muli %scan3A_506, %mul3A_509 : i32
            %swap3A = arith.constant 6 : i32
            %swap3A_511 = arith.index_cast %swap3A : i32 to index
            %swap3A_512 = arith.index_cast %mul3A_510 : i32 to index
            %swap3A_513 = tpu.vector_load %arg9[%swap3A_511, %swap3A_512] {strides = array<i32>} : memref<32x1024xf32, #tpu.memory_space<vmem>>, vector<16xf32>,
            tpu.vector_store %arg9[%swap3A_511, %swap3A_512], %broadcast_in_dim3A_508 {strides = array<i32>} : memref<32x1024xf32, #tpu.memory_space<vmem>>, vector<16xf32>,
          }
          %scan3A_505 = arith.constant 64 : i32
        } else {
        }
        %le3A_375 = arith.constant 7 : i32
        %le3A_376 = arith.cmpi sle, %min3A_316, %le3A_375 : i32
        %convert_element_type3A_377 = arith.extui %le3A_376 : i1 to i32
        %cond3A_378 = arith.constant 0 : i32
        %cond3A_379 = arith.cmpi ne, %convert_element_type3A_377, %cond3A_378 : i32
        scf.if %cond3A_379 {
          %scan3A_500 = arith.constant 0 : i32
          %scan3A_501 = arith.constant 0 : i32
          %scan3A_502 = arith.constant 64 : i32
          %scan3A_503 = arith.addi %scan3A_501, %scan3A_502 : i32
          %scan3A_504 = arith.constant 1 : i32
          scf.for %scan3A_506 = %scan3A_501 to %scan3A_503 step %scan3A_504  : i32 {
            %broadcast_in_dim3A_507 = arith.constant 0.000000e+00 : f32
            %broadcast_in_dim3A_508 = vector.broadcast %broadcast_in_dim3A_507 : f32 to vector<16xf32>
            %mul3A_509 = arith.constant 16 : i32
            %mul3A_510 = arith.muli %scan3A_506, %mul3A_509 : i32
            %swap3A = arith.constant 7 : i32
            %swap3A_511 = arith.index_cast %swap3A : i32 to index
            %swap3A_512 = arith.index_cast %mul3A_510 : i32 to index
            %swap3A_513 = tpu.vector_load %arg9[%swap3A_511, %swap3A_512] {strides = array<i32>} : memref<32x1024xf32, #tpu.memory_space<vmem>>, vector<16xf32>,
            tpu.vector_store %arg9[%swap3A_511, %swap3A_512], %broadcast_in_dim3A_508 {strides = array<i32>} : memref<32x1024xf32, #tpu.memory_space<vmem>>, vector<16xf32>,
          }
          %scan3A_505 = arith.constant 64 : i32
        } else {
        }
        %le3A_380 = arith.constant 8 : i32
        %le3A_381 = arith.cmpi sle, %min3A_316, %le3A_380 : i32
        %convert_element_type3A_382 = arith.extui %le3A_381 : i1 to i32
        %cond3A_383 = arith.constant 0 : i32
        %cond3A_384 = arith.cmpi ne, %convert_element_type3A_382, %cond3A_383 : i32
        scf.if %cond3A_384 {
          %scan3A_500 = arith.constant 0 : i32
          %scan3A_501 = arith.constant 0 : i32
          %scan3A_502 = arith.constant 64 : i32
          %scan3A_503 = arith.addi %scan3A_501, %scan3A_502 : i32
          %scan3A_504 = arith.constant 1 : i32
          scf.for %scan3A_506 = %scan3A_501 to %scan3A_503 step %scan3A_504  : i32 {
            %broadcast_in_dim3A_507 = arith.constant 0.000000e+00 : f32
            %broadcast_in_dim3A_508 = vector.broadcast %broadcast_in_dim3A_507 : f32 to vector<16xf32>
            %mul3A_509 = arith.constant 16 : i32
            %mul3A_510 = arith.muli %scan3A_506, %mul3A_509 : i32
            %swap3A = arith.constant 8 : i32
            %swap3A_511 = arith.index_cast %swap3A : i32 to index
            %swap3A_512 = arith.index_cast %mul3A_510 : i32 to index
            %swap3A_513 = tpu.vector_load %arg9[%swap3A_511, %swap3A_512] {strides = array<i32>} : memref<32x1024xf32, #tpu.memory_space<vmem>>, vector<16xf32>,
            tpu.vector_store %arg9[%swap3A_511, %swap3A_512], %broadcast_in_dim3A_508 {strides = array<i32>} : memref<32x1024xf32, #tpu.memory_space<vmem>>, vector<16xf32>,
          }
          %scan3A_505 = arith.constant 64 : i32
        } else {
        }
        %le3A_385 = arith.constant 9 : i32
        %le3A_386 = arith.cmpi sle, %min3A_316, %le3A_385 : i32
        %convert_element_type3A_387 = arith.extui %le3A_386 : i1 to i32
        %cond3A_388 = arith.constant 0 : i32
        %cond3A_389 = arith.cmpi ne, %convert_element_type3A_387, %cond3A_388 : i32
        scf.if %cond3A_389 {
          %scan3A_500 = arith.constant 0 : i32
          %scan3A_501 = arith.constant 0 : i32
          %scan3A_502 = arith.constant 64 : i32
          %scan3A_503 = arith.addi %scan3A_501, %scan3A_502 : i32
          %scan3A_504 = arith.constant 1 : i32
          scf.for %scan3A_506 = %scan3A_501 to %scan3A_503 step %scan3A_504  : i32 {
            %broadcast_in_dim3A_507 = arith.constant 0.000000e+00 : f32
            %broadcast_in_dim3A_508 = vector.broadcast %broadcast_in_dim3A_507 : f32 to vector<16xf32>
            %mul3A_509 = arith.constant 16 : i32
            %mul3A_510 = arith.muli %scan3A_506, %mul3A_509 : i32
            %swap3A = arith.constant 9 : i32
            %swap3A_511 = arith.index_cast %swap3A : i32 to index
            %swap3A_512 = arith.index_cast %mul3A_510 : i32 to index
            %swap3A_513 = tpu.vector_load %arg9[%swap3A_511, %swap3A_512] {strides = array<i32>} : memref<32x1024xf32, #tpu.memory_space<vmem>>, vector<16xf32>,
            tpu.vector_store %arg9[%swap3A_511, %swap3A_512], %broadcast_in_dim3A_508 {strides = array<i32>} : memref<32x1024xf32, #tpu.memory_space<vmem>>, vector<16xf32>,
          }
          %scan3A_505 = arith.constant 64 : i32
        } else {
        }
        %le3A_390 = arith.constant 10 : i32
        %le3A_391 = arith.cmpi sle, %min3A_316, %le3A_390 : i32
        %convert_element_type3A_392 = arith.extui %le3A_391 : i1 to i32
        %cond3A_393 = arith.constant 0 : i32
        %cond3A_394 = arith.cmpi ne, %convert_element_type3A_392, %cond3A_393 : i32
        scf.if %cond3A_394 {
          %scan3A_500 = arith.constant 0 : i32
          %scan3A_501 = arith.constant 0 : i32
          %scan3A_502 = arith.constant 64 : i32
          %scan3A_503 = arith.addi %scan3A_501, %scan3A_502 : i32
          %scan3A_504 = arith.constant 1 : i32
          scf.for %scan3A_506 = %scan3A_501 to %scan3A_503 step %scan3A_504  : i32 {
            %broadcast_in_dim3A_507 = arith.constant 0.000000e+00 : f32
            %broadcast_in_dim3A_508 = vector.broadcast %broadcast_in_dim3A_507 : f32 to vector<16xf32>
            %mul3A_509 = arith.constant 16 : i32
            %mul3A_510 = arith.muli %scan3A_506, %mul3A_509 : i32
            %swap3A = arith.constant 10 : i32
            %swap3A_511 = arith.index_cast %swap3A : i32 to index
            %swap3A_512 = arith.index_cast %mul3A_510 : i32 to index
            %swap3A_513 = tpu.vector_load %arg9[%swap3A_511, %swap3A_512] {strides = array<i32>} : memref<32x1024xf32, #tpu.memory_space<vmem>>, vector<16xf32>,
            tpu.vector_store %arg9[%swap3A_511, %swap3A_512], %broadcast_in_dim3A_508 {strides = array<i32>} : memref<32x1024xf32, #tpu.memory_space<vmem>>, vector<16xf32>,
          }
          %scan3A_505 = arith.constant 64 : i32
        } else {
        }
        %le3A_395 = arith.constant 11 : i32
        %le3A_396 = arith.cmpi sle, %min3A_316, %le3A_395 : i32
        %convert_element_type3A_397 = arith.extui %le3A_396 : i1 to i32
        %cond3A_398 = arith.constant 0 : i32
        %cond3A_399 = arith.cmpi ne, %convert_element_type3A_397, %cond3A_398 : i32
        scf.if %cond3A_399 {
          %scan3A_500 = arith.constant 0 : i32
          %scan3A_501 = arith.constant 0 : i32
          %scan3A_502 = arith.constant 64 : i32
          %scan3A_503 = arith.addi %scan3A_501, %scan3A_502 : i32
          %scan3A_504 = arith.constant 1 : i32
          scf.for %scan3A_506 = %scan3A_501 to %scan3A_503 step %scan3A_504  : i32 {
            %broadcast_in_dim3A_507 = arith.constant 0.000000e+00 : f32
            %broadcast_in_dim3A_508 = vector.broadcast %broadcast_in_dim3A_507 : f32 to vector<16xf32>
            %mul3A_509 = arith.constant 16 : i32
            %mul3A_510 = arith.muli %scan3A_506, %mul3A_509 : i32
            %swap3A = arith.constant 11 : i32
            %swap3A_511 = arith.index_cast %swap3A : i32 to index
            %swap3A_512 = arith.index_cast %mul3A_510 : i32 to index
            %swap3A_513 = tpu.vector_load %arg9[%swap3A_511, %swap3A_512] {strides = array<i32>} : memref<32x1024xf32, #tpu.memory_space<vmem>>, vector<16xf32>,
            tpu.vector_store %arg9[%swap3A_511, %swap3A_512], %broadcast_in_dim3A_508 {strides = array<i32>} : memref<32x1024xf32, #tpu.memory_space<vmem>>, vector<16xf32>,
          }
          %scan3A_505 = arith.constant 64 : i32
        } else {
        }
        %le3A_400 = arith.constant 12 : i32
        %le3A_401 = arith.cmpi sle, %min3A_316, %le3A_400 : i32
        %convert_element_type3A_402 = arith.extui %le3A_401 : i1 to i32
        %cond3A_403 = arith.constant 0 : i32
        %cond3A_404 = arith.cmpi ne, %convert_element_type3A_402, %cond3A_403 : i32
        scf.if %cond3A_404 {
          %scan3A_500 = arith.constant 0 : i32
          %scan3A_501 = arith.constant 0 : i32
          %scan3A_502 = arith.constant 64 : i32
          %scan3A_503 = arith.addi %scan3A_501, %scan3A_502 : i32
          %scan3A_504 = arith.constant 1 : i32
          scf.for %scan3A_506 = %scan3A_501 to %scan3A_503 step %scan3A_504  : i32 {
            %broadcast_in_dim3A_507 = arith.constant 0.000000e+00 : f32
            %broadcast_in_dim3A_508 = vector.broadcast %broadcast_in_dim3A_507 : f32 to vector<16xf32>
            %mul3A_509 = arith.constant 16 : i32
            %mul3A_510 = arith.muli %scan3A_506, %mul3A_509 : i32
            %swap3A = arith.constant 12 : i32
            %swap3A_511 = arith.index_cast %swap3A : i32 to index
            %swap3A_512 = arith.index_cast %mul3A_510 : i32 to index
            %swap3A_513 = tpu.vector_load %arg9[%swap3A_511, %swap3A_512] {strides = array<i32>} : memref<32x1024xf32, #tpu.memory_space<vmem>>, vector<16xf32>,
            tpu.vector_store %arg9[%swap3A_511, %swap3A_512], %broadcast_in_dim3A_508 {strides = array<i32>} : memref<32x1024xf32, #tpu.memory_space<vmem>>, vector<16xf32>,
          }
          %scan3A_505 = arith.constant 64 : i32
        } else {
        }
        %le3A_405 = arith.constant 13 : i32
        %le3A_406 = arith.cmpi sle, %min3A_316, %le3A_405 : i32
        %convert_element_type3A_407 = arith.extui %le3A_406 : i1 to i32
        %cond3A_408 = arith.constant 0 : i32
        %cond3A_409 = arith.cmpi ne, %convert_element_type3A_407, %cond3A_408 : i32
        scf.if %cond3A_409 {
          %scan3A_500 = arith.constant 0 : i32
          %scan3A_501 = arith.constant 0 : i32
          %scan3A_502 = arith.constant 64 : i32
          %scan3A_503 = arith.addi %scan3A_501, %scan3A_502 : i32
          %scan3A_504 = arith.constant 1 : i32
          scf.for %scan3A_506 = %scan3A_501 to %scan3A_503 step %scan3A_504  : i32 {
            %broadcast_in_dim3A_507 = arith.constant 0.000000e+00 : f32
            %broadcast_in_dim3A_508 = vector.broadcast %broadcast_in_dim3A_507 : f32 to vector<16xf32>
            %mul3A_509 = arith.constant 16 : i32
            %mul3A_510 = arith.muli %scan3A_506, %mul3A_509 : i32
            %swap3A = arith.constant 13 : i32
            %swap3A_511 = arith.index_cast %swap3A : i32 to index
            %swap3A_512 = arith.index_cast %mul3A_510 : i32 to index
            %swap3A_513 = tpu.vector_load %arg9[%swap3A_511, %swap3A_512] {strides = array<i32>} : memref<32x1024xf32, #tpu.memory_space<vmem>>, vector<16xf32>,
            tpu.vector_store %arg9[%swap3A_511, %swap3A_512], %broadcast_in_dim3A_508 {strides = array<i32>} : memref<32x1024xf32, #tpu.memory_space<vmem>>, vector<16xf32>,
          }
          %scan3A_505 = arith.constant 64 : i32
        } else {
        }
        %le3A_410 = arith.constant 14 : i32
        %le3A_411 = arith.cmpi sle, %min3A_316, %le3A_410 : i32
        %convert_element_type3A_412 = arith.extui %le3A_411 : i1 to i32
        %cond3A_413 = arith.constant 0 : i32
        %cond3A_414 = arith.cmpi ne, %convert_element_type3A_412, %cond3A_413 : i32
        scf.if %cond3A_414 {
          %scan3A_500 = arith.constant 0 : i32
          %scan3A_501 = arith.constant 0 : i32
          %scan3A_502 = arith.constant 64 : i32
          %scan3A_503 = arith.addi %scan3A_501, %scan3A_502 : i32
          %scan3A_504 = arith.constant 1 : i32
          scf.for %scan3A_506 = %scan3A_501 to %scan3A_503 step %scan3A_504  : i32 {
            %broadcast_in_dim3A_507 = arith.constant 0.000000e+00 : f32
            %broadcast_in_dim3A_508 = vector.broadcast %broadcast_in_dim3A_507 : f32 to vector<16xf32>
            %mul3A_509 = arith.constant 16 : i32
            %mul3A_510 = arith.muli %scan3A_506, %mul3A_509 : i32
            %swap3A = arith.constant 14 : i32
            %swap3A_511 = arith.index_cast %swap3A : i32 to index
            %swap3A_512 = arith.index_cast %mul3A_510 : i32 to index
            %swap3A_513 = tpu.vector_load %arg9[%swap3A_511, %swap3A_512] {strides = array<i32>} : memref<32x1024xf32, #tpu.memory_space<vmem>>, vector<16xf32>,
            tpu.vector_store %arg9[%swap3A_511, %swap3A_512], %broadcast_in_dim3A_508 {strides = array<i32>} : memref<32x1024xf32, #tpu.memory_space<vmem>>, vector<16xf32>,
          }
          %scan3A_505 = arith.constant 64 : i32
        } else {
        }
        %le3A_415 = arith.constant 15 : i32
        %le3A_416 = arith.cmpi sle, %min3A_316, %le3A_415 : i32
        %convert_element_type3A_417 = arith.extui %le3A_416 : i1 to i32
        %cond3A_418 = arith.constant 0 : i32
        %cond3A_419 = arith.cmpi ne, %convert_element_type3A_417, %cond3A_418 : i32
        scf.if %cond3A_419 {
          %scan3A_500 = arith.constant 0 : i32
          %scan3A_501 = arith.constant 0 : i32
          %scan3A_502 = arith.constant 64 : i32
          %scan3A_503 = arith.addi %scan3A_501, %scan3A_502 : i32
          %scan3A_504 = arith.constant 1 : i32
          scf.for %scan3A_506 = %scan3A_501 to %scan3A_503 step %scan3A_504  : i32 {
            %broadcast_in_dim3A_507 = arith.constant 0.000000e+00 : f32
            %broadcast_in_dim3A_508 = vector.broadcast %broadcast_in_dim3A_507 : f32 to vector<16xf32>
            %mul3A_509 = arith.constant 16 : i32
            %mul3A_510 = arith.muli %scan3A_506, %mul3A_509 : i32
            %swap3A = arith.constant 15 : i32
            %swap3A_511 = arith.index_cast %swap3A : i32 to index
            %swap3A_512 = arith.index_cast %mul3A_510 : i32 to index
            %swap3A_513 = tpu.vector_load %arg9[%swap3A_511, %swap3A_512] {strides = array<i32>} : memref<32x1024xf32, #tpu.memory_space<vmem>>, vector<16xf32>,
            tpu.vector_store %arg9[%swap3A_511, %swap3A_512], %broadcast_in_dim3A_508 {strides = array<i32>} : memref<32x1024xf32, #tpu.memory_space<vmem>>, vector<16xf32>,
          }
          %scan3A_505 = arith.constant 64 : i32
        } else {
        }
        %le3A_420 = arith.constant 16 : i32
        %le3A_421 = arith.cmpi sle, %min3A_316, %le3A_420 : i32
        %convert_element_type3A_422 = arith.extui %le3A_421 : i1 to i32
        %cond3A_423 = arith.constant 0 : i32
        %cond3A_424 = arith.cmpi ne, %convert_element_type3A_422, %cond3A_423 : i32
        scf.if %cond3A_424 {
          %scan3A_500 = arith.constant 0 : i32
          %scan3A_501 = arith.constant 0 : i32
          %scan3A_502 = arith.constant 64 : i32
          %scan3A_503 = arith.addi %scan3A_501, %scan3A_502 : i32
          %scan3A_504 = arith.constant 1 : i32
          scf.for %scan3A_506 = %scan3A_501 to %scan3A_503 step %scan3A_504  : i32 {
            %broadcast_in_dim3A_507 = arith.constant 0.000000e+00 : f32
            %broadcast_in_dim3A_508 = vector.broadcast %broadcast_in_dim3A_507 : f32 to vector<16xf32>
            %mul3A_509 = arith.constant 16 : i32
            %mul3A_510 = arith.muli %scan3A_506, %mul3A_509 : i32
            %swap3A = arith.constant 16 : i32
            %swap3A_511 = arith.index_cast %swap3A : i32 to index
            %swap3A_512 = arith.index_cast %mul3A_510 : i32 to index
            %swap3A_513 = tpu.vector_load %arg9[%swap3A_511, %swap3A_512] {strides = array<i32>} : memref<32x1024xf32, #tpu.memory_space<vmem>>, vector<16xf32>,
            tpu.vector_store %arg9[%swap3A_511, %swap3A_512], %broadcast_in_dim3A_508 {strides = array<i32>} : memref<32x1024xf32, #tpu.memory_space<vmem>>, vector<16xf32>,
          }
          %scan3A_505 = arith.constant 64 : i32
        } else {
        }
        %le3A_425 = arith.constant 17 : i32
        %le3A_426 = arith.cmpi sle, %min3A_316, %le3A_425 : i32
        %convert_element_type3A_427 = arith.extui %le3A_426 : i1 to i32
        %cond3A_428 = arith.constant 0 : i32
        %cond3A_429 = arith.cmpi ne, %convert_element_type3A_427, %cond3A_428 : i32
        scf.if %cond3A_429 {
          %scan3A_500 = arith.constant 0 : i32
          %scan3A_501 = arith.constant 0 : i32
          %scan3A_502 = arith.constant 64 : i32
          %scan3A_503 = arith.addi %scan3A_501, %scan3A_502 : i32
          %scan3A_504 = arith.constant 1 : i32
          scf.for %scan3A_506 = %scan3A_501 to %scan3A_503 step %scan3A_504  : i32 {
            %broadcast_in_dim3A_507 = arith.constant 0.000000e+00 : f32
            %broadcast_in_dim3A_508 = vector.broadcast %broadcast_in_dim3A_507 : f32 to vector<16xf32>
            %mul3A_509 = arith.constant 16 : i32
            %mul3A_510 = arith.muli %scan3A_506, %mul3A_509 : i32
            %swap3A = arith.constant 17 : i32
            %swap3A_511 = arith.index_cast %swap3A : i32 to index
            %swap3A_512 = arith.index_cast %mul3A_510 : i32 to index
            %swap3A_513 = tpu.vector_load %arg9[%swap3A_511, %swap3A_512] {strides = array<i32>} : memref<32x1024xf32, #tpu.memory_space<vmem>>, vector<16xf32>,
            tpu.vector_store %arg9[%swap3A_511, %swap3A_512], %broadcast_in_dim3A_508 {strides = array<i32>} : memref<32x1024xf32, #tpu.memory_space<vmem>>, vector<16xf32>,
          }
          %scan3A_505 = arith.constant 64 : i32
        } else {
        }
        %le3A_430 = arith.constant 18 : i32
        %le3A_431 = arith.cmpi sle, %min3A_316, %le3A_430 : i32
        %convert_element_type3A_432 = arith.extui %le3A_431 : i1 to i32
        %cond3A_433 = arith.constant 0 : i32
        %cond3A_434 = arith.cmpi ne, %convert_element_type3A_432, %cond3A_433 : i32
        scf.if %cond3A_434 {
          %scan3A_500 = arith.constant 0 : i32
          %scan3A_501 = arith.constant 0 : i32
          %scan3A_502 = arith.constant 64 : i32
          %scan3A_503 = arith.addi %scan3A_501, %scan3A_502 : i32
          %scan3A_504 = arith.constant 1 : i32
          scf.for %scan3A_506 = %scan3A_501 to %scan3A_503 step %scan3A_504  : i32 {
            %broadcast_in_dim3A_507 = arith.constant 0.000000e+00 : f32
            %broadcast_in_dim3A_508 = vector.broadcast %broadcast_in_dim3A_507 : f32 to vector<16xf32>
            %mul3A_509 = arith.constant 16 : i32
            %mul3A_510 = arith.muli %scan3A_506, %mul3A_509 : i32
            %swap3A = arith.constant 18 : i32
            %swap3A_511 = arith.index_cast %swap3A : i32 to index
            %swap3A_512 = arith.index_cast %mul3A_510 : i32 to index
            %swap3A_513 = tpu.vector_load %arg9[%swap3A_511, %swap3A_512] {strides = array<i32>} : memref<32x1024xf32, #tpu.memory_space<vmem>>, vector<16xf32>,
            tpu.vector_store %arg9[%swap3A_511, %swap3A_512], %broadcast_in_dim3A_508 {strides = array<i32>} : memref<32x1024xf32, #tpu.memory_space<vmem>>, vector<16xf32>,
          }
          %scan3A_505 = arith.constant 64 : i32
        } else {
        }
        %le3A_435 = arith.constant 19 : i32
        %le3A_436 = arith.cmpi sle, %min3A_316, %le3A_435 : i32
        %convert_element_type3A_437 = arith.extui %le3A_436 : i1 to i32
        %cond3A_438 = arith.constant 0 : i32
        %cond3A_439 = arith.cmpi ne, %convert_element_type3A_437, %cond3A_438 : i32
        scf.if %cond3A_439 {
          %scan3A_500 = arith.constant 0 : i32
          %scan3A_501 = arith.constant 0 : i32
          %scan3A_502 = arith.constant 64 : i32
          %scan3A_503 = arith.addi %scan3A_501, %scan3A_502 : i32
          %scan3A_504 = arith.constant 1 : i32
          scf.for %scan3A_506 = %scan3A_501 to %scan3A_503 step %scan3A_504  : i32 {
            %broadcast_in_dim3A_507 = arith.constant 0.000000e+00 : f32
            %broadcast_in_dim3A_508 = vector.broadcast %broadcast_in_dim3A_507 : f32 to vector<16xf32>
            %mul3A_509 = arith.constant 16 : i32
            %mul3A_510 = arith.muli %scan3A_506, %mul3A_509 : i32
            %swap3A = arith.constant 19 : i32
            %swap3A_511 = arith.index_cast %swap3A : i32 to index
            %swap3A_512 = arith.index_cast %mul3A_510 : i32 to index
            %swap3A_513 = tpu.vector_load %arg9[%swap3A_511, %swap3A_512] {strides = array<i32>} : memref<32x1024xf32, #tpu.memory_space<vmem>>, vector<16xf32>,
            tpu.vector_store %arg9[%swap3A_511, %swap3A_512], %broadcast_in_dim3A_508 {strides = array<i32>} : memref<32x1024xf32, #tpu.memory_space<vmem>>, vector<16xf32>,
          }
          %scan3A_505 = arith.constant 64 : i32
        } else {
        }
        %le3A_440 = arith.constant 20 : i32
        %le3A_441 = arith.cmpi sle, %min3A_316, %le3A_440 : i32
        %convert_element_type3A_442 = arith.extui %le3A_441 : i1 to i32
        %cond3A_443 = arith.constant 0 : i32
        %cond3A_444 = arith.cmpi ne, %convert_element_type3A_442, %cond3A_443 : i32
        scf.if %cond3A_444 {
          %scan3A_500 = arith.constant 0 : i32
          %scan3A_501 = arith.constant 0 : i32
          %scan3A_502 = arith.constant 64 : i32
          %scan3A_503 = arith.addi %scan3A_501, %scan3A_502 : i32
          %scan3A_504 = arith.constant 1 : i32
          scf.for %scan3A_506 = %scan3A_501 to %scan3A_503 step %scan3A_504  : i32 {
            %broadcast_in_dim3A_507 = arith.constant 0.000000e+00 : f32
            %broadcast_in_dim3A_508 = vector.broadcast %broadcast_in_dim3A_507 : f32 to vector<16xf32>
            %mul3A_509 = arith.constant 16 : i32
            %mul3A_510 = arith.muli %scan3A_506, %mul3A_509 : i32
            %swap3A = arith.constant 20 : i32
            %swap3A_511 = arith.index_cast %swap3A : i32 to index
            %swap3A_512 = arith.index_cast %mul3A_510 : i32 to index
            %swap3A_513 = tpu.vector_load %arg9[%swap3A_511, %swap3A_512] {strides = array<i32>} : memref<32x1024xf32, #tpu.memory_space<vmem>>, vector<16xf32>,
            tpu.vector_store %arg9[%swap3A_511, %swap3A_512], %broadcast_in_dim3A_508 {strides = array<i32>} : memref<32x1024xf32, #tpu.memory_space<vmem>>, vector<16xf32>,
          }
          %scan3A_505 = arith.constant 64 : i32
        } else {
        }
        %le3A_445 = arith.constant 21 : i32
        %le3A_446 = arith.cmpi sle, %min3A_316, %le3A_445 : i32
        %convert_element_type3A_447 = arith.extui %le3A_446 : i1 to i32
        %cond3A_448 = arith.constant 0 : i32
        %cond3A_449 = arith.cmpi ne, %convert_element_type3A_447, %cond3A_448 : i32
        scf.if %cond3A_449 {
          %scan3A_500 = arith.constant 0 : i32
          %scan3A_501 = arith.constant 0 : i32
          %scan3A_502 = arith.constant 64 : i32
          %scan3A_503 = arith.addi %scan3A_501, %scan3A_502 : i32
          %scan3A_504 = arith.constant 1 : i32
          scf.for %scan3A_506 = %scan3A_501 to %scan3A_503 step %scan3A_504  : i32 {
            %broadcast_in_dim3A_507 = arith.constant 0.000000e+00 : f32
            %broadcast_in_dim3A_508 = vector.broadcast %broadcast_in_dim3A_507 : f32 to vector<16xf32>
            %mul3A_509 = arith.constant 16 : i32
            %mul3A_510 = arith.muli %scan3A_506, %mul3A_509 : i32
            %swap3A = arith.constant 21 : i32
            %swap3A_511 = arith.index_cast %swap3A : i32 to index
            %swap3A_512 = arith.index_cast %mul3A_510 : i32 to index
            %swap3A_513 = tpu.vector_load %arg9[%swap3A_511, %swap3A_512] {strides = array<i32>} : memref<32x1024xf32, #tpu.memory_space<vmem>>, vector<16xf32>,
            tpu.vector_store %arg9[%swap3A_511, %swap3A_512], %broadcast_in_dim3A_508 {strides = array<i32>} : memref<32x1024xf32, #tpu.memory_space<vmem>>, vector<16xf32>,
          }
          %scan3A_505 = arith.constant 64 : i32
        } else {
        }
        %le3A_450 = arith.constant 22 : i32
        %le3A_451 = arith.cmpi sle, %min3A_316, %le3A_450 : i32
        %convert_element_type3A_452 = arith.extui %le3A_451 : i1 to i32
        %cond3A_453 = arith.constant 0 : i32
        %cond3A_454 = arith.cmpi ne, %convert_element_type3A_452, %cond3A_453 : i32
        scf.if %cond3A_454 {
          %scan3A_500 = arith.constant 0 : i32
          %scan3A_501 = arith.constant 0 : i32
          %scan3A_502 = arith.constant 64 : i32
          %scan3A_503 = arith.addi %scan3A_501, %scan3A_502 : i32
          %scan3A_504 = arith.constant 1 : i32
          scf.for %scan3A_506 = %scan3A_501 to %scan3A_503 step %scan3A_504  : i32 {
            %broadcast_in_dim3A_507 = arith.constant 0.000000e+00 : f32
            %broadcast_in_dim3A_508 = vector.broadcast %broadcast_in_dim3A_507 : f32 to vector<16xf32>
            %mul3A_509 = arith.constant 16 : i32
            %mul3A_510 = arith.muli %scan3A_506, %mul3A_509 : i32
            %swap3A = arith.constant 22 : i32
            %swap3A_511 = arith.index_cast %swap3A : i32 to index
            %swap3A_512 = arith.index_cast %mul3A_510 : i32 to index
            %swap3A_513 = tpu.vector_load %arg9[%swap3A_511, %swap3A_512] {strides = array<i32>} : memref<32x1024xf32, #tpu.memory_space<vmem>>, vector<16xf32>,
            tpu.vector_store %arg9[%swap3A_511, %swap3A_512], %broadcast_in_dim3A_508 {strides = array<i32>} : memref<32x1024xf32, #tpu.memory_space<vmem>>, vector<16xf32>,
          }
          %scan3A_505 = arith.constant 64 : i32
        } else {
        }
        %le3A_455 = arith.constant 23 : i32
        %le3A_456 = arith.cmpi sle, %min3A_316, %le3A_455 : i32
        %convert_element_type3A_457 = arith.extui %le3A_456 : i1 to i32
        %cond3A_458 = arith.constant 0 : i32
        %cond3A_459 = arith.cmpi ne, %convert_element_type3A_457, %cond3A_458 : i32
        scf.if %cond3A_459 {
          %scan3A_500 = arith.constant 0 : i32
          %scan3A_501 = arith.constant 0 : i32
          %scan3A_502 = arith.constant 64 : i32
          %scan3A_503 = arith.addi %scan3A_501, %scan3A_502 : i32
          %scan3A_504 = arith.constant 1 : i32
          scf.for %scan3A_506 = %scan3A_501 to %scan3A_503 step %scan3A_504  : i32 {
            %broadcast_in_dim3A_507 = arith.constant 0.000000e+00 : f32
            %broadcast_in_dim3A_508 = vector.broadcast %broadcast_in_dim3A_507 : f32 to vector<16xf32>
            %mul3A_509 = arith.constant 16 : i32
            %mul3A_510 = arith.muli %scan3A_506, %mul3A_509 : i32
            %swap3A = arith.constant 23 : i32
            %swap3A_511 = arith.index_cast %swap3A : i32 to index
            %swap3A_512 = arith.index_cast %mul3A_510 : i32 to index
            %swap3A_513 = tpu.vector_load %arg9[%swap3A_511, %swap3A_512] {strides = array<i32>} : memref<32x1024xf32, #tpu.memory_space<vmem>>, vector<16xf32>,
            tpu.vector_store %arg9[%swap3A_511, %swap3A_512], %broadcast_in_dim3A_508 {strides = array<i32>} : memref<32x1024xf32, #tpu.memory_space<vmem>>, vector<16xf32>,
          }
          %scan3A_505 = arith.constant 64 : i32
        } else {
        }
        %le3A_460 = arith.constant 24 : i32
        %le3A_461 = arith.cmpi sle, %min3A_316, %le3A_460 : i32
        %convert_element_type3A_462 = arith.extui %le3A_461 : i1 to i32
        %cond3A_463 = arith.constant 0 : i32
        %cond3A_464 = arith.cmpi ne, %convert_element_type3A_462, %cond3A_463 : i32
        scf.if %cond3A_464 {
          %scan3A_500 = arith.constant 0 : i32
          %scan3A_501 = arith.constant 0 : i32
          %scan3A_502 = arith.constant 64 : i32
          %scan3A_503 = arith.addi %scan3A_501, %scan3A_502 : i32
          %scan3A_504 = arith.constant 1 : i32
          scf.for %scan3A_506 = %scan3A_501 to %scan3A_503 step %scan3A_504  : i32 {
            %broadcast_in_dim3A_507 = arith.constant 0.000000e+00 : f32
            %broadcast_in_dim3A_508 = vector.broadcast %broadcast_in_dim3A_507 : f32 to vector<16xf32>
            %mul3A_509 = arith.constant 16 : i32
            %mul3A_510 = arith.muli %scan3A_506, %mul3A_509 : i32
            %swap3A = arith.constant 24 : i32
            %swap3A_511 = arith.index_cast %swap3A : i32 to index
            %swap3A_512 = arith.index_cast %mul3A_510 : i32 to index
            %swap3A_513 = tpu.vector_load %arg9[%swap3A_511, %swap3A_512] {strides = array<i32>} : memref<32x1024xf32, #tpu.memory_space<vmem>>, vector<16xf32>,
            tpu.vector_store %arg9[%swap3A_511, %swap3A_512], %broadcast_in_dim3A_508 {strides = array<i32>} : memref<32x1024xf32, #tpu.memory_space<vmem>>, vector<16xf32>,
          }
          %scan3A_505 = arith.constant 64 : i32
        } else {
        }
        %le3A_465 = arith.constant 25 : i32
        %le3A_466 = arith.cmpi sle, %min3A_316, %le3A_465 : i32
        %convert_element_type3A_467 = arith.extui %le3A_466 : i1 to i32
        %cond3A_468 = arith.constant 0 : i32
        %cond3A_469 = arith.cmpi ne, %convert_element_type3A_467, %cond3A_468 : i32
        scf.if %cond3A_469 {
          %scan3A_500 = arith.constant 0 : i32
          %scan3A_501 = arith.constant 0 : i32
          %scan3A_502 = arith.constant 64 : i32
          %scan3A_503 = arith.addi %scan3A_501, %scan3A_502 : i32
          %scan3A_504 = arith.constant 1 : i32
          scf.for %scan3A_506 = %scan3A_501 to %scan3A_503 step %scan3A_504  : i32 {
            %broadcast_in_dim3A_507 = arith.constant 0.000000e+00 : f32
            %broadcast_in_dim3A_508 = vector.broadcast %broadcast_in_dim3A_507 : f32 to vector<16xf32>
            %mul3A_509 = arith.constant 16 : i32
            %mul3A_510 = arith.muli %scan3A_506, %mul3A_509 : i32
            %swap3A = arith.constant 25 : i32
            %swap3A_511 = arith.index_cast %swap3A : i32 to index
            %swap3A_512 = arith.index_cast %mul3A_510 : i32 to index
            %swap3A_513 = tpu.vector_load %arg9[%swap3A_511, %swap3A_512] {strides = array<i32>} : memref<32x1024xf32, #tpu.memory_space<vmem>>, vector<16xf32>,
            tpu.vector_store %arg9[%swap3A_511, %swap3A_512], %broadcast_in_dim3A_508 {strides = array<i32>} : memref<32x1024xf32, #tpu.memory_space<vmem>>, vector<16xf32>,
          }
          %scan3A_505 = arith.constant 64 : i32
        } else {
        }
        %le3A_470 = arith.constant 26 : i32
        %le3A_471 = arith.cmpi sle, %min3A_316, %le3A_470 : i32
        %convert_element_type3A_472 = arith.extui %le3A_471 : i1 to i32
        %cond3A_473 = arith.constant 0 : i32
        %cond3A_474 = arith.cmpi ne, %convert_element_type3A_472, %cond3A_473 : i32
        scf.if %cond3A_474 {
          %scan3A_500 = arith.constant 0 : i32
          %scan3A_501 = arith.constant 0 : i32
          %scan3A_502 = arith.constant 64 : i32
          %scan3A_503 = arith.addi %scan3A_501, %scan3A_502 : i32
          %scan3A_504 = arith.constant 1 : i32
          scf.for %scan3A_506 = %scan3A_501 to %scan3A_503 step %scan3A_504  : i32 {
            %broadcast_in_dim3A_507 = arith.constant 0.000000e+00 : f32
            %broadcast_in_dim3A_508 = vector.broadcast %broadcast_in_dim3A_507 : f32 to vector<16xf32>
            %mul3A_509 = arith.constant 16 : i32
            %mul3A_510 = arith.muli %scan3A_506, %mul3A_509 : i32
            %swap3A = arith.constant 26 : i32
            %swap3A_511 = arith.index_cast %swap3A : i32 to index
            %swap3A_512 = arith.index_cast %mul3A_510 : i32 to index
            %swap3A_513 = tpu.vector_load %arg9[%swap3A_511, %swap3A_512] {strides = array<i32>} : memref<32x1024xf32, #tpu.memory_space<vmem>>, vector<16xf32>,
            tpu.vector_store %arg9[%swap3A_511, %swap3A_512], %broadcast_in_dim3A_508 {strides = array<i32>} : memref<32x1024xf32, #tpu.memory_space<vmem>>, vector<16xf32>,
          }
          %scan3A_505 = arith.constant 64 : i32
        } else {
        }
        %le3A_475 = arith.constant 27 : i32
        %le3A_476 = arith.cmpi sle, %min3A_316, %le3A_475 : i32
        %convert_element_type3A_477 = arith.extui %le3A_476 : i1 to i32
        %cond3A_478 = arith.constant 0 : i32
        %cond3A_479 = arith.cmpi ne, %convert_element_type3A_477, %cond3A_478 : i32
        scf.if %cond3A_479 {
          %scan3A_500 = arith.constant 0 : i32
          %scan3A_501 = arith.constant 0 : i32
          %scan3A_502 = arith.constant 64 : i32
          %scan3A_503 = arith.addi %scan3A_501, %scan3A_502 : i32
          %scan3A_504 = arith.constant 1 : i32
          scf.for %scan3A_506 = %scan3A_501 to %scan3A_503 step %scan3A_504  : i32 {
            %broadcast_in_dim3A_507 = arith.constant 0.000000e+00 : f32
            %broadcast_in_dim3A_508 = vector.broadcast %broadcast_in_dim3A_507 : f32 to vector<16xf32>
            %mul3A_509 = arith.constant 16 : i32
            %mul3A_510 = arith.muli %scan3A_506, %mul3A_509 : i32
            %swap3A = arith.constant 27 : i32
            %swap3A_511 = arith.index_cast %swap3A : i32 to index
            %swap3A_512 = arith.index_cast %mul3A_510 : i32 to index
            %swap3A_513 = tpu.vector_load %arg9[%swap3A_511, %swap3A_512] {strides = array<i32>} : memref<32x1024xf32, #tpu.memory_space<vmem>>, vector<16xf32>,
            tpu.vector_store %arg9[%swap3A_511, %swap3A_512], %broadcast_in_dim3A_508 {strides = array<i32>} : memref<32x1024xf32, #tpu.memory_space<vmem>>, vector<16xf32>,
          }
          %scan3A_505 = arith.constant 64 : i32
        } else {
        }
        %le3A_480 = arith.constant 28 : i32
        %le3A_481 = arith.cmpi sle, %min3A_316, %le3A_480 : i32
        %convert_element_type3A_482 = arith.extui %le3A_481 : i1 to i32
        %cond3A_483 = arith.constant 0 : i32
        %cond3A_484 = arith.cmpi ne, %convert_element_type3A_482, %cond3A_483 : i32
        scf.if %cond3A_484 {
          %scan3A_500 = arith.constant 0 : i32
          %scan3A_501 = arith.constant 0 : i32
          %scan3A_502 = arith.constant 64 : i32
          %scan3A_503 = arith.addi %scan3A_501, %scan3A_502 : i32
          %scan3A_504 = arith.constant 1 : i32
          scf.for %scan3A_506 = %scan3A_501 to %scan3A_503 step %scan3A_504  : i32 {
            %broadcast_in_dim3A_507 = arith.constant 0.000000e+00 : f32
            %broadcast_in_dim3A_508 = vector.broadcast %broadcast_in_dim3A_507 : f32 to vector<16xf32>
            %mul3A_509 = arith.constant 16 : i32
            %mul3A_510 = arith.muli %scan3A_506, %mul3A_509 : i32
            %swap3A = arith.constant 28 : i32
            %swap3A_511 = arith.index_cast %swap3A : i32 to index
            %swap3A_512 = arith.index_cast %mul3A_510 : i32 to index
            %swap3A_513 = tpu.vector_load %arg9[%swap3A_511, %swap3A_512] {strides = array<i32>} : memref<32x1024xf32, #tpu.memory_space<vmem>>, vector<16xf32>,
            tpu.vector_store %arg9[%swap3A_511, %swap3A_512], %broadcast_in_dim3A_508 {strides = array<i32>} : memref<32x1024xf32, #tpu.memory_space<vmem>>, vector<16xf32>,
          }
          %scan3A_505 = arith.constant 64 : i32
        } else {
        }
        %le3A_485 = arith.constant 29 : i32
        %le3A_486 = arith.cmpi sle, %min3A_316, %le3A_485 : i32
        %convert_element_type3A_487 = arith.extui %le3A_486 : i1 to i32
        %cond3A_488 = arith.constant 0 : i32
        %cond3A_489 = arith.cmpi ne, %convert_element_type3A_487, %cond3A_488 : i32
        scf.if %cond3A_489 {
          %scan3A_500 = arith.constant 0 : i32
          %scan3A_501 = arith.constant 0 : i32
          %scan3A_502 = arith.constant 64 : i32
          %scan3A_503 = arith.addi %scan3A_501, %scan3A_502 : i32
          %scan3A_504 = arith.constant 1 : i32
          scf.for %scan3A_506 = %scan3A_501 to %scan3A_503 step %scan3A_504  : i32 {
            %broadcast_in_dim3A_507 = arith.constant 0.000000e+00 : f32
            %broadcast_in_dim3A_508 = vector.broadcast %broadcast_in_dim3A_507 : f32 to vector<16xf32>
            %mul3A_509 = arith.constant 16 : i32
            %mul3A_510 = arith.muli %scan3A_506, %mul3A_509 : i32
            %swap3A = arith.constant 29 : i32
            %swap3A_511 = arith.index_cast %swap3A : i32 to index
            %swap3A_512 = arith.index_cast %mul3A_510 : i32 to index
            %swap3A_513 = tpu.vector_load %arg9[%swap3A_511, %swap3A_512] {strides = array<i32>} : memref<32x1024xf32, #tpu.memory_space<vmem>>, vector<16xf32>,
            tpu.vector_store %arg9[%swap3A_511, %swap3A_512], %broadcast_in_dim3A_508 {strides = array<i32>} : memref<32x1024xf32, #tpu.memory_space<vmem>>, vector<16xf32>,
          }
          %scan3A_505 = arith.constant 64 : i32
        } else {
        }
        %le3A_490 = arith.constant 30 : i32
        %le3A_491 = arith.cmpi sle, %min3A_316, %le3A_490 : i32
        %convert_element_type3A_492 = arith.extui %le3A_491 : i1 to i32
        %cond3A_493 = arith.constant 0 : i32
        %cond3A_494 = arith.cmpi ne, %convert_element_type3A_492, %cond3A_493 : i32
        scf.if %cond3A_494 {
          %scan3A_500 = arith.constant 0 : i32
          %scan3A_501 = arith.constant 0 : i32
          %scan3A_502 = arith.constant 64 : i32
          %scan3A_503 = arith.addi %scan3A_501, %scan3A_502 : i32
          %scan3A_504 = arith.constant 1 : i32
          scf.for %scan3A_506 = %scan3A_501 to %scan3A_503 step %scan3A_504  : i32 {
            %broadcast_in_dim3A_507 = arith.constant 0.000000e+00 : f32
            %broadcast_in_dim3A_508 = vector.broadcast %broadcast_in_dim3A_507 : f32 to vector<16xf32>
            %mul3A_509 = arith.constant 16 : i32
            %mul3A_510 = arith.muli %scan3A_506, %mul3A_509 : i32
            %swap3A = arith.constant 30 : i32
            %swap3A_511 = arith.index_cast %swap3A : i32 to index
            %swap3A_512 = arith.index_cast %mul3A_510 : i32 to index
            %swap3A_513 = tpu.vector_load %arg9[%swap3A_511, %swap3A_512] {strides = array<i32>} : memref<32x1024xf32, #tpu.memory_space<vmem>>, vector<16xf32>,
            tpu.vector_store %arg9[%swap3A_511, %swap3A_512], %broadcast_in_dim3A_508 {strides = array<i32>} : memref<32x1024xf32, #tpu.memory_space<vmem>>, vector<16xf32>,
          }
          %scan3A_505 = arith.constant 64 : i32
        } else {
        }
        %le3A_495 = arith.constant 31 : i32
        %le3A_496 = arith.cmpi sle, %min3A_316, %le3A_495 : i32
        %convert_element_type3A_497 = arith.extui %le3A_496 : i1 to i32
        %cond3A_498 = arith.constant 0 : i32
        %cond3A_499 = arith.cmpi ne, %convert_element_type3A_497, %cond3A_498 : i32
        scf.if %cond3A_499 {
          %scan3A_500 = arith.constant 0 : i32
          %scan3A_501 = arith.constant 0 : i32
          %scan3A_502 = arith.constant 64 : i32
          %scan3A_503 = arith.addi %scan3A_501, %scan3A_502 : i32
          %scan3A_504 = arith.constant 1 : i32
          scf.for %scan3A_506 = %scan3A_501 to %scan3A_503 step %scan3A_504  : i32 {
            %broadcast_in_dim3A_507 = arith.constant 0.000000e+00 : f32
            %broadcast_in_dim3A_508 = vector.broadcast %broadcast_in_dim3A_507 : f32 to vector<16xf32>
            %mul3A_509 = arith.constant 16 : i32
            %mul3A_510 = arith.muli %scan3A_506, %mul3A_509 : i32
            %swap3A = arith.constant 31 : i32
            %swap3A_511 = arith.index_cast %swap3A : i32 to index
            %swap3A_512 = arith.index_cast %mul3A_510 : i32 to index
            %swap3A_513 = tpu.vector_load %arg9[%swap3A_511, %swap3A_512] {strides = array<i32>} : memref<32x1024xf32, #tpu.memory_space<vmem>>, vector<16xf32>,
            tpu.vector_store %arg9[%swap3A_511, %swap3A_512], %broadcast_in_dim3A_508 {strides = array<i32>} : memref<32x1024xf32, #tpu.memory_space<vmem>>, vector<16xf32>,
          }
          %scan3A_505 = arith.constant 64 : i32
        } else {
        }
      } else {
      }
      %convert_element_type3A_333 = arith.extui %gt3A_318 : i1 to i32
      %cond3A_334 = arith.constant 0 : i32
      %cond3A_335 = arith.cmpi ne, %convert_element_type3A_333, %cond3A_334 : i32
      scf.if %cond3A_335 {
        %dma_start3A = arith.constant 0 : i32
        %dma_start3A_341 = tpu.memref_slice %arg5[%select_n3A_273, %mul3A_291, %dma_start3A] : memref<16x4096x1024xf32, #tpu.memory_space<hbm>> -> memref<1x32x1024xf32, #tpu.memory_space<hbm>>
        %dma_start3A_342 = tpu.memref_squeeze %dma_start3A_341 : memref<1x32x1024xf32, #tpu.memory_space<hbm>> -> memref<32x1024xf32, #tpu.memory_space<hbm>>
        %dma_start3A_343 = arith.constant 0 : i32
        %dma_start3A_344 = tpu.memref_slice %arg5[%select_n3A_273, %mul3A_291, %dma_start3A_343] : memref<16x4096x1024xf32, #tpu.memory_space<hbm>> -> memref<1x32x1024xf32, #tpu.memory_space<hbm>>
        %dma_start3A_345 = tpu.memref_squeeze %dma_start3A_344 : memref<1x32x1024xf32, #tpu.memory_space<hbm>> -> memref<32x1024xf32, #tpu.memory_space<hbm>>
        tpu.enqueue_dma source(%arg9 : memref<32x1024xf32, #tpu.memory_space<vmem>>) target(%dma_start3A_345 : memref<32x1024xf32, #tpu.memory_space<hbm>>) target_semaphore(%arg14 : memref<!tpu.dma_semaphore, #tpu.memory_space<semaphore_mem>>)
      } else {
      }
      %not3A_336 = arith.constant true
      %not3A_337 = arith.xori %gt3A_318, %not3A_336 : i1
      %convert_element_type3A_338 = arith.extui %not3A_337 : i1 to i32
      %cond3A_339 = arith.constant 0 : i32
      %cond3A_340 = arith.cmpi ne, %convert_element_type3A_338, %cond3A_339 : i32
      scf.if %cond3A_340 {
        %dma_start3A = arith.constant 0 : i32
        %dma_start3A_341 = tpu.memref_slice %arg5[%select_n3A_273, %mul3A_291, %dma_start3A] : memref<16x4096x1024xf32, #tpu.memory_space<hbm>> -> memref<1x32x1024xf32, #tpu.memory_space<hbm>>
        %dma_start3A_342 = tpu.memref_squeeze %dma_start3A_341 : memref<1x32x1024xf32, #tpu.memory_space<hbm>> -> memref<32x1024xf32, #tpu.memory_space<hbm>>
        %dma_start3A_343 = arith.constant 0 : i32
        %dma_start3A_344 = tpu.memref_slice %arg5[%select_n3A_273, %mul3A_291, %dma_start3A_343] : memref<16x4096x1024xf32, #tpu.memory_space<hbm>> -> memref<1x32x1024xf32, #tpu.memory_space<hbm>>
        %dma_start3A_345 = tpu.memref_squeeze %dma_start3A_344 : memref<1x32x1024xf32, #tpu.memory_space<hbm>> -> memref<32x1024xf32, #tpu.memory_space<hbm>>
        tpu.enqueue_dma source(%arg10 : memref<32x1024xf32, #tpu.memory_space<vmem>>) target(%dma_start3A_345 : memref<32x1024xf32, #tpu.memory_space<hbm>>) target_semaphore(%arg14 : memref<!tpu.dma_semaphore, #tpu.memory_space<semaphore_mem>>)
      } else {
      }
    }
    %scan3A_11 = arith.constant 32 : i32
    %add3A_12 = arith.constant 1984 : i32
    %add3A_13 = arith.addi %add3A, %add3A_12 : i32
    %jit3A = arith.constant 128 : i32
    %div3A = arith.divsi %add3A_13, %jit3A : i32
    %sign3A = arith.constant 0 : i32
    %sign3A_14 = arith.cmpi sgt, %add3A_13, %sign3A : i32
    %sign3A_15 = arith.extui %sign3A_14 : i1 to i32
    %sign3A_16 = arith.constant 0 : i32
    %sign3A_17 = arith.cmpi slt, %add3A_13, %sign3A_16 : i32
    %sign3A_18 = arith.extui %sign3A_17 : i1 to i32
    %sign3A_19 = arith.subi %sign3A_15, %sign3A_18 : i32
    %sign3A_20 = arith.constant 0 : i32
    %sign3A_21 = arith.cmpi sgt, %jit3A, %sign3A_20 : i32
    %sign3A_22 = arith.extui %sign3A_21 : i1 to i32
    %sign3A_23 = arith.constant 0 : i32
    %sign3A_24 = arith.cmpi slt, %jit3A, %sign3A_23 : i32
    %sign3A_25 = arith.extui %sign3A_24 : i1 to i32
    %sign3A_26 = arith.subi %sign3A_22, %sign3A_25 : i32
    %ne3A = arith.cmpi ne, %sign3A_19, %sign3A_26 : i32
    %rem3A = arith.remsi %add3A_13, %jit3A : i32
    %ne3A_27 = arith.constant 0 : i32
    %ne3A_28 = arith.cmpi ne, %rem3A, %ne3A_27 : i32
    %and3A = arith.andi %ne3A, %ne3A_28 : i1
    %sub3A = arith.constant 1 : i32
    %sub3A_29 = arith.subi %div3A, %sub3A : i32
    %select_n3A = arith.select %and3A, %sub3A_29, %div3A : i32
    %jit3A_30 = arith.constant 128 : i32
    %eq3A = arith.constant 0 : i32
    %eq3A_31 = arith.cmpi eq, %jit3A_30, %eq3A : i32
    %jit3A_32 = arith.constant 1 : i32
    %select_n3A_33 = arith.select %eq3A_31, %jit3A_32, %jit3A_30 : i32
    %rem3A_34 = arith.remsi %add3A_13, %select_n3A_33 : i32
    %ne3A_35 = arith.constant 0 : i32
    %ne3A_36 = arith.cmpi ne, %rem3A_34, %ne3A_35 : i32
    %lt3A = arith.constant 0 : i32
    %lt3A_37 = arith.cmpi slt, %rem3A_34, %lt3A : i32
    %lt3A_38 = arith.constant 0 : i32
    %lt3A_39 = arith.cmpi slt, %select_n3A_33, %lt3A_38 : i32
    %ne3A_40 = arith.xori %lt3A_37, %lt3A_39 : i1
    %and3A_41 = arith.andi %ne3A_40, %ne3A_36 : i1
    %add3A_42 = arith.addi %rem3A_34, %select_n3A_33 : i32
    %select_n3A_43 = arith.select %and3A_41, %add3A_42, %rem3A_34 : i32
    %mul3A_44 = arith.constant 32 : i32
    %mul3A_45 = arith.muli %select_n3A_43, %mul3A_44 : i32
    %eq3A_46 = vector.broadcast %select_n3A : i32 to vector<16xi32>
    %eq3A_47 = arith.cmpi eq, %iota3A, %eq3A_46 : vector<16xi32>
    %get3A = arith.constant 0 : index
    %get3A_48 = tpu.vector_load %arg6[%get3A] {strides = array<i32>} : memref<16xi32, #tpu.memory_space<vmem>>, vector<16xi32>,
    %jit3A_49 = arith.constant 0 : i32
    %broadcast_in_dim3A = vector.broadcast %jit3A_49 : i32 to vector<16xi32>
    %select_n3A_50 = arith.select %eq3A_47, %get3A_48, %broadcast_in_dim3A : vector<16xi1>, vector<16xi32>
    %reduce_sum3A = arith.constant true
    %reduce_sum3A_51 = vector.broadcast %reduce_sum3A : i1 to vector<16xi1>
    %reduce_sum3A_52 = tpu.scan <sum>, %select_n3A_50 masked %reduce_sum3A_51 : vector<16xi32>, vector<16xi1> -> vector<16xi32>
    %reduce_sum3A_53 = vector.extract %reduce_sum3A_52[15] : i32 from vector<16xi32>
    %get3A_54 = arith.constant 0 : index
    %get3A_55 = tpu.vector_load %arg7[%get3A_54] {strides = array<i32>} : memref<16xi32, #tpu.memory_space<vmem>>, vector<16xi32>,
    %jit3A_56 = arith.constant 0 : i32
    %broadcast_in_dim3A_57 = vector.broadcast %jit3A_56 : i32 to vector<16xi32>
    %select_n3A_58 = arith.select %eq3A_47, %get3A_55, %broadcast_in_dim3A_57 : vector<16xi1>, vector<16xi32>
    %reduce_sum3A_59 = arith.constant true
    %reduce_sum3A_60 = vector.broadcast %reduce_sum3A_59 : i1 to vector<16xi1>
    %reduce_sum3A_61 = tpu.scan <sum>, %select_n3A_58 masked %reduce_sum3A_60 : vector<16xi32>, vector<16xi1> -> vector<16xi32>
    %reduce_sum3A_62 = vector.extract %reduce_sum3A_61[15] : i32 from vector<16xi32>
    %sub3A_63 = arith.subi %reduce_sum3A_62, %mul3A_45 : i32
    %jit3A_64 = arith.constant 0 : i32
    %jit3A_65 = arith.constant 32 : i32
    %max3A = arith.maxsi %jit3A_64, %sub3A_63 : i32
    %min3A = arith.minsi %jit3A_65, %max3A : i32
    %dma_wait3A = arith.constant 0 : i32
    %dma_wait3A_66 = tpu.memref_slice %arg5[%select_n3A, %mul3A_45, %dma_wait3A] : memref<16x4096x1024xf32, #tpu.memory_space<hbm>> -> memref<1x32x1024xf32, #tpu.memory_space<hbm>>
    %dma_wait3A_67 = tpu.memref_squeeze %dma_wait3A_66 : memref<1x32x1024xf32, #tpu.memory_space<hbm>> -> memref<32x1024xf32, #tpu.memory_space<hbm>>
    %dma_wait3A_68 = arith.constant 0 : i32
    %dma_wait3A_69 = tpu.memref_slice %arg5[%select_n3A, %mul3A_45, %dma_wait3A_68] : memref<16x4096x1024xf32, #tpu.memory_space<hbm>> -> memref<1x32x1024xf32, #tpu.memory_space<hbm>>
    %dma_wait3A_70 = tpu.memref_squeeze %dma_wait3A_69 : memref<1x32x1024xf32, #tpu.memory_space<hbm>> -> memref<32x1024xf32, #tpu.memory_space<hbm>>
    tpu.wait_dma2 semaphore(%arg13 : memref<!tpu.dma_semaphore, #tpu.memory_space<semaphore_mem>>) src(%arg8 : memref<32x1024xf32, #tpu.memory_space<vmem>>) dst(%dma_wait3A_70 : memref<32x1024xf32, #tpu.memory_space<hbm>>)
    %add3A_71 = arith.constant 2016 : i32
    %add3A_72 = arith.addi %add3A, %add3A_71 : i32
    %jit3A_73 = arith.constant 128 : i32
    %div3A_74 = arith.divsi %add3A_72, %jit3A_73 : i32
    %sign3A_75 = arith.constant 0 : i32
    %sign3A_76 = arith.cmpi sgt, %add3A_72, %sign3A_75 : i32
    %sign3A_77 = arith.extui %sign3A_76 : i1 to i32
    %sign3A_78 = arith.constant 0 : i32
    %sign3A_79 = arith.cmpi slt, %add3A_72, %sign3A_78 : i32
    %sign3A_80 = arith.extui %sign3A_79 : i1 to i32
    %sign3A_81 = arith.subi %sign3A_77, %sign3A_80 : i32
    %sign3A_82 = arith.constant 0 : i32
    %sign3A_83 = arith.cmpi sgt, %jit3A_73, %sign3A_82 : i32
    %sign3A_84 = arith.extui %sign3A_83 : i1 to i32
    %sign3A_85 = arith.constant 0 : i32
    %sign3A_86 = arith.cmpi slt, %jit3A_73, %sign3A_85 : i32
    %sign3A_87 = arith.extui %sign3A_86 : i1 to i32
    %sign3A_88 = arith.subi %sign3A_84, %sign3A_87 : i32
    %ne3A_89 = arith.cmpi ne, %sign3A_81, %sign3A_88 : i32
    %rem3A_90 = arith.remsi %add3A_72, %jit3A_73 : i32
    %ne3A_91 = arith.constant 0 : i32
    %ne3A_92 = arith.cmpi ne, %rem3A_90, %ne3A_91 : i32
    %and3A_93 = arith.andi %ne3A_89, %ne3A_92 : i1
    %sub3A_94 = arith.constant 1 : i32
    %sub3A_95 = arith.subi %div3A_74, %sub3A_94 : i32
    %select_n3A_96 = arith.select %and3A_93, %sub3A_95, %div3A_74 : i32
    %jit3A_97 = arith.constant 128 : i32
    %eq3A_98 = arith.constant 0 : i32
    %eq3A_99 = arith.cmpi eq, %jit3A_97, %eq3A_98 : i32
    %jit3A_100 = arith.constant 1 : i32
    %select_n3A_101 = arith.select %eq3A_99, %jit3A_100, %jit3A_97 : i32
    %rem3A_102 = arith.remsi %add3A_72, %select_n3A_101 : i32
    %ne3A_103 = arith.constant 0 : i32
    %ne3A_104 = arith.cmpi ne, %rem3A_102, %ne3A_103 : i32
    %lt3A_105 = arith.constant 0 : i32
    %lt3A_106 = arith.cmpi slt, %rem3A_102, %lt3A_105 : i32
    %lt3A_107 = arith.constant 0 : i32
    %lt3A_108 = arith.cmpi slt, %select_n3A_101, %lt3A_107 : i32
    %ne3A_109 = arith.xori %lt3A_106, %lt3A_108 : i1
    %and3A_110 = arith.andi %ne3A_109, %ne3A_104 : i1
    %add3A_111 = arith.addi %rem3A_102, %select_n3A_101 : i32
    %select_n3A_112 = arith.select %and3A_110, %add3A_111, %rem3A_102 : i32
    %mul3A_113 = arith.constant 32 : i32
    %mul3A_114 = arith.muli %select_n3A_112, %mul3A_113 : i32
    %eq3A_115 = vector.broadcast %select_n3A_96 : i32 to vector<16xi32>
    %eq3A_116 = arith.cmpi eq, %iota3A, %eq3A_115 : vector<16xi32>
    %get3A_117 = arith.constant 0 : index
    %get3A_118 = tpu.vector_load %arg6[%get3A_117] {strides = array<i32>} : memref<16xi32, #tpu.memory_space<vmem>>, vector<16xi32>,
    %jit3A_119 = arith.constant 0 : i32
    %broadcast_in_dim3A_120 = vector.broadcast %jit3A_119 : i32 to vector<16xi32>
    %select_n3A_121 = arith.select %eq3A_116, %get3A_118, %broadcast_in_dim3A_120 : vector<16xi1>, vector<16xi32>
    %reduce_sum3A_122 = arith.constant true
    %reduce_sum3A_123 = vector.broadcast %reduce_sum3A_122 : i1 to vector<16xi1>
    %reduce_sum3A_124 = tpu.scan <sum>, %select_n3A_121 masked %reduce_sum3A_123 : vector<16xi32>, vector<16xi1> -> vector<16xi32>
    %reduce_sum3A_125 = vector.extract %reduce_sum3A_124[15] : i32 from vector<16xi32>
    %get3A_126 = arith.constant 0 : index
    %get3A_127 = tpu.vector_load %arg7[%get3A_126] {strides = array<i32>} : memref<16xi32, #tpu.memory_space<vmem>>, vector<16xi32>,
    %jit3A_128 = arith.constant 0 : i32
    %broadcast_in_dim3A_129 = vector.broadcast %jit3A_128 : i32 to vector<16xi32>
    %select_n3A_130 = arith.select %eq3A_116, %get3A_127, %broadcast_in_dim3A_129 : vector<16xi1>, vector<16xi32>
    %reduce_sum3A_131 = arith.constant true
    %reduce_sum3A_132 = vector.broadcast %reduce_sum3A_131 : i1 to vector<16xi1>
    %reduce_sum3A_133 = tpu.scan <sum>, %select_n3A_130 masked %reduce_sum3A_132 : vector<16xi32>, vector<16xi1> -> vector<16xi32>
    %reduce_sum3A_134 = vector.extract %reduce_sum3A_133[15] : i32 from vector<16xi32>
    %sub3A_135 = arith.subi %reduce_sum3A_134, %mul3A_114 : i32
    %jit3A_136 = arith.constant 0 : i32
    %jit3A_137 = arith.constant 32 : i32
    %max3A_138 = arith.maxsi %jit3A_136, %sub3A_135 : i32
    %min3A_139 = arith.minsi %jit3A_137, %max3A_138 : i32
    %dma_wait3A_140 = arith.constant 0 : i32
    %dma_wait3A_141 = tpu.memref_slice %arg5[%select_n3A_96, %mul3A_114, %dma_wait3A_140] : memref<16x4096x1024xf32, #tpu.memory_space<hbm>> -> memref<1x32x1024xf32, #tpu.memory_space<hbm>>
    %dma_wait3A_142 = tpu.memref_squeeze %dma_wait3A_141 : memref<1x32x1024xf32, #tpu.memory_space<hbm>> -> memref<32x1024xf32, #tpu.memory_space<hbm>>
    %dma_wait3A_143 = arith.constant 0 : i32
    %dma_wait3A_144 = tpu.memref_slice %arg5[%select_n3A_96, %mul3A_114, %dma_wait3A_143] : memref<16x4096x1024xf32, #tpu.memory_space<hbm>> -> memref<1x32x1024xf32, #tpu.memory_space<hbm>>
    %dma_wait3A_145 = tpu.memref_squeeze %dma_wait3A_144 : memref<1x32x1024xf32, #tpu.memory_space<hbm>> -> memref<32x1024xf32, #tpu.memory_space<hbm>>
    tpu.wait_dma2 semaphore(%arg14 : memref<!tpu.dma_semaphore, #tpu.memory_space<semaphore_mem>>) src(%arg9 : memref<32x1024xf32, #tpu.memory_space<vmem>>) dst(%dma_wait3A_145 : memref<32x1024xf32, #tpu.memory_space<hbm>>)
    return
  }
}

</mosaic_0001>

<sc_bundles>
// kernel: kernel.4.cloned.1.call-start
scs
__scs_entry_jumppad:
0x0: {  	(pc) =	sbr.rel $0x88, $3  }
0x1: {  	(tag) =	ssettag $0x0;
	lr =	simm.s32 $0x1  }
0x2: {  	[smem:$0x3F9F] =	sst lr;
	_ =	strace $0xD0000000  }
0x3: {  	_ = 	snop  }
0x4: {  	_ = 	snop  }
0x5: {  	_ = 	snop  }
0x6: {  	_ = 	snop  }
0x7: {  	_ = 	snop  }
__scs_overlays_trampoline_lowered:
0x8: {  	[smem:$0x3FAE] =	sst s0  }
0x9: {  	[smem:$0x3FAF] =	sst s1  }
0xa: {  	[smem:$0x3FB0] =	sst s2  }
0xb: {  	[smem:$0x3FB1] =	sst s3  }
0xc: {  	[smem:$0x3FB2] =	sst s4  }
0xd: {  	[smem:$0x3FB3] =	sst s5  }
0xe: {  	[smem:$0x3FB4] =	sst s6  }
0xf: {  	[smem:$0x3FB5] =	sst s7  }
0x10: {  	[smem:$0x3FB6] =	sst s8  }
0x11: {  	[smem:$0x3FB7] =	sst s9;
	s0 =	simm.s32 @!p0 $0x0  }
0x12: {  	s1 =	sld [smem:$0x3F9D];
	s0 =	simm.s32 @p0 $0x1  }
0x13: {  	[smem:$0x3FB8] =	sst s0;
	s0 =	simm.s32 @!p1 $0x0  }
0x14: {  	s2 =	sld [smem:$0x3F9C];
	s0 =	simm.s32 @p1 $0x1  }
0x15: {  	[smem:$0x3FB9] =	sst s0;
	s0 =	simm.s32 @!p2 $0x0  }
0x16: {  	s3 =	sld [smem:$0x3FDB];
	s0 =	simm.s32 @p2 $0x1  }
0x17: {  	s4 =	simm.s32 $0x1BF5;
	[smem:$0x3FBB] =	sst s0  }
0x18: {  	s0 =	sld [smem:$0x3F9E];
	_ =	swait.ge [sflag:s4], $0x0  }
0x19: {  	s7 =	sld [smem:$0x3F9F]  }
0x1a: {  	s8 =	sadd.s32 $0xFFFFE003, lr  }
0x1b: {  	s9 =	sadd.s32 $0xFFFFFEF7, lr;
	s5 =	simm.s32 $0xFFFFFFFF;
	p2 =	slt.u32 s8, $0xFFFFF086  }
0x1c: {  	p1 =	slt.u32 s9, $0xF7A;
	s5 =	simm.s32 @!p2 $0x0  }
0x1d: {  	s5 =	simm.s32 @p1 $0x1;
	p0 =	seq.s32 s7, s2  }
0x1e: {  	s7 =	smul.u32 @!p0 $0xF7A, s2;
	p2 =	seq.s32 @!p0 s5, $0x0  }
0x1f: {  	s9 =	smul.u32 $0xF7A, s1;
	s8 =	simm.s32 @!p0 $0x1BF5;
	p2 =	por !p2, p0  }
0x20: {  	[sflag:s8] =	ssyncset.s32 @!p0 $0xFFFFF086;
	s6 =	sadd.s32 @!p0 s3, s7;
	s7 =	simm.s32 @!p0 $0x108  }
0x21: {  	s3 =	sadd.s32 s3, s9;
	s6 =	sadd.s32 @!p0 $0x88, s6;
	s7 =	simm.s32 @p2 $0x1082  }
0x22: {  	[simem:s7], [sflag:s8] =	dma.local @!p0 [hbm:s6], $0xF7A  }
0x23: {  	s9 =	sor.u32 $0xD0000000, s2;
	s6 =	simm.s32 $0x108;
	_ =	swait.ge @!p0 [sflag:s8], $0x0  }
0x24: {  	s3 =	sadd.s32 $0x88, s3;
	s6 =	simm.s32 @!p1 $0x1082;
	[sflag:s4] =	ssyncset.s32 $0xFFFFF086  }
0x25: {  	[simem:s6], [sflag:s4] =	dma.local [hbm:s3], $0xF7A  }
0x26: {  	[smem:$0x3F9F] =	sst s1;
	(tag) =	ssettag s2;
	_ =	strace s9  }
0x27: {  	s1 =	sld [smem:$0x3FAF]  }
0x28: {  	s2 =	sld [smem:$0x3FB0]  }
0x29: {  	s4 =	sld [smem:$0x3FB2]  }
0x2a: {  	p0 =	seq.s32 s5, $0x0;
	s5 =	sld [smem:$0x3FB3]  }
0x2b: {  	s6 =	sld [smem:$0x3FB4]  }
0x2c: {  	s7 =	sld [smem:$0x3FB5]  }
0x2d: {  	s3 =	simm.s32 $0x108;
	s8 =	sld [smem:$0x3FB6]  }
0x2e: {  	s3 =	simm.s32 @!p0 $0x1082;
	s9 =	sld [smem:$0x3FB7]  }
0x2f: {  	lr =	sadd.s32 s0, s3;
	s0 =	sld [smem:$0x3FAE]  }
0x30: {  	s3 =	sld [smem:$0x3FB1]  }
0x31: {  	[smem:$0x3FBA] =	sst s10  }
0x32: {  	s10 =	sld [smem:$0x3FB8];
	_ =	sdelay $0x3  }
0x33: {  	p0 =	seq.s32 s10, $0x1;
	s10 =	sld [smem:$0x3FBA];
	_ =	sdelay $0x3  }
0x34: {  	[smem:$0x3FBA] =	sst s10  }
0x35: {  	s10 =	sld [smem:$0x3FB9];
	_ =	sdelay $0x3  }
0x36: {  	p1 =	seq.s32 s10, $0x1;
	s10 =	sld [smem:$0x3FBA];
	_ =	sdelay $0x3  }
0x37: {  	[smem:$0x3FBA] =	sst s10  }
0x38: {  	s10 =	sld [smem:$0x3FBB]  }
0x39: {  	_ = 	snop;
	(pc) =	sbr.ind lr, $3  }
0x3a: {  	_ = 	snop  }
0x3b: {  	_ = 	snop  }
0x3c: {  	p2 =	seq.s32 s10, $0x1;
	s10 =	sld [smem:$0x3FBA]  }
0x3d: {  	_ =	shalt  }
0x3e: {  	_ =	shalt  }
0x3f: {  	_ =	shalt  }
0x40: {  	_ =	shalt  }
0x41: {  	_ =	shalt  }
0x42: {  	_ =	shalt  }
0x43: {  	_ =	shalt  }
0x44: {  	_ =	shalt  }
0x45: {  	_ =	shalt  }
0x46: {  	_ =	shalt  }
0x47: {  	_ =	shalt  }
0x48: {  	_ =	shalt  }
0x49: {  	_ =	shalt  }
0x4a: {  	_ =	shalt  }
0x4b: {  	_ =	shalt  }
0x4c: {  	_ =	shalt  }
0x4d: {  	_ =	shalt  }
0x4e: {  	_ =	shalt  }
0x4f: {  	_ =	shalt  }
0x50: {  	_ =	shalt  }
0x51: {  	_ =	shalt  }
0x52: {  	_ =	shalt  }
0x53: {  	_ =	shalt  }
0x54: {  	_ =	shalt  }
0x55: {  	_ =	shalt  }
0x56: {  	_ =	shalt  }
0x57: {  	_ =	shalt  }
0x58: {  	_ =	shalt  }
0x59: {  	_ =	shalt  }
0x5a: {  	_ =	shalt  }
0x5b: {  	_ =	shalt  }
0x5c: {  	_ =	shalt  }
0x5d: {  	_ =	shalt  }
0x5e: {  	_ =	shalt  }
0x5f: {  	_ =	shalt  }
0x60: {  	_ =	shalt  }
0x61: {  	_ =	shalt  }
0x62: {  	_ =	shalt  }
0x63: {  	_ =	shalt  }
0x64: {  	_ =	shalt  }
0x65: {  	_ =	shalt  }
0x66: {  	_ =	shalt  }
0x67: {  	_ =	shalt  }
0x68: {  	_ =	shalt  }
0x69: {  	_ =	shalt  }
0x6a: {  	_ =	shalt  }
0x6b: {  	_ =	shalt  }
0x6c: {  	_ =	shalt  }
0x6d: {  	_ =	shalt  }
0x6e: {  	_ =	shalt  }
0x6f: {  	_ =	shalt  }
0x70: {  	_ =	shalt  }
0x71: {  	_ =	shalt  }
0x72: {  	_ =	shalt  }
0x73: {  	_ =	shalt  }
0x74: {  	_ =	shalt  }
0x75: {  	_ =	shalt  }
0x76: {  	_ =	shalt  }
0x77: {  	_ =	shalt  }
0x78: {  	_ =	shalt  }
0x79: {  	_ =	shalt  }
0x7a: {  	_ =	shalt  }
0x7b: {  	_ =	shalt  }
0x7c: {  	_ =	shalt  }
0x7d: {  	_ =	shalt  }
0x7e: {  	_ =	shalt  }
0x7f: {  	_ =	shalt  }
0x80: {  	_ =	shalt  }
0x81: {  	_ =	shalt  }
0x82: {  	_ =	shalt  }
0x83: {  	_ =	shalt  }
0x84: {  	_ =	shalt  }
0x85: {  	_ =	shalt  }
0x86: {  	_ =	shalt  }
0x87: {  	_ =	shalt  }
.Lfunc_end0:
.L_simem_size_0:
called_computation_lowered:
.L_overlay_start_0:
0x88: {  	s2 =	sld [smem:$0x3FD9]  }
0x89: {  	s3 =	sld [smem:$0x3FFE];
	_ =	sdelay $0x1  }
0x8a: {  	s1 =	srdreg.scid  }
0x8b: {  	s0 =	sand.u32 $0x1, s1  }
0x8c: {  	s15 =	sshll.u32 s0, $0xA;
	s2 =	sadd.s32 s3, s2  }
0x8d: {  	s2 =	sadd.s32 s2, s15  }
0x8e: {  	[smem:$0x3FC6] =	sst s2  }
0x8f: {  	_ = 	snop  }
0x90: {  	s2 =	sld [smem:$0x3FD0];
	_ =	sdelay $0x2  }
0x91: {  	s16 =	simm.s32 $0xA;
	s4 =	simm.s32 $0x10  }
0x92: {  	[smem:s4], [sflag:s16] =	dma.local [hbm:s2], $0x1  }
0x93: {  	_ =	swait.eq [sflag:s16], $0x1  }
0x94: {  	s17 =	sld [smem:$0x10]  }
0x95: {  	s18 =	sld [smem:$0x11]  }
0x96: {  	s5 =	sld [smem:$0x12];
	[sflag:s16] =	ssyncset.done $0x0  }
0x97: {  	s6 =	sld [smem:$0x13];
	[sflag:s16] =	ssyncadd.s32 $0xFFFFFFFF  }
0x98: {  	s19 =	sld [smem:$0x14];
	(tm) =	ssettm $0x1  }
0x99: {  	s7 =	sld [smem:$0x3FFB];
	_ =	sdelay $0x3  }
0x9a: {  	_ =	strace s7  }
0x9b: {  	s7 =	sld [smem:$0x3FFC];
	_ =	sdelay $0x3  }
0x9c: {  	_ =	strace s7  }
0x9d: {  	s7 =	sld [smem:$0x3FFD];
	_ =	sdelay $0x3  }
0x9e: {  	_ =	strace s7  }
0x9f: {  	_ =	strace $0x8FFFFFFF  }
0xa0: {  	s20 =	sld [smem:$0x3FDB];
	_ =	sdelay $0x1  }
0xa1: {  	s8 =	simm.s32 $_scs_section_size  }
0xa2: {  	s9 =	simm.s32 $_size__tile_overlayer_lowered;
	s10 =	simm.s32 $_tile_overlayer_lowered  }
0xa3: {  	s23 =	simm.s32 $0x1BFF;
	s22 =	sshll.u32 s10, $0x1;
	s7 =	sadd.s32 s8, s20  }
0xa4: {  	s11 =	simm.s32 $0x0;
	s21 =	sshll.u32 s9, $0x1;
	s9 =	sadd.s32 s22, s7  }
0xa5: {  	[timem:s11], [sflag:s23] =	dma.local [hbm:s9], s21  }
0xa6: {  	_ =	swait.ge [sflag:s23], s21  }
0xa7: {  	s8 =	ssub.s32 $0x0, s21;
	[sflag:s23] =	ssyncset.done $0x0  }
0xa8: {  	[sflag:s23] =	ssyncadd.s32 s8;
	_ =	sdelay $0x1  }
0xa9: {  	s24 =	simm.s32 $0x1B8B  }
0xaa: {  	_ =	swait.ge [sflag:s24], $0x1  }
0xab: {  	[sflag:s24] =	ssyncset.done $0x0  }
0xac: {  	s25 =	simm.s32 $0x1B8E;
	[sflag:s24] =	ssyncadd.s32 $0xFFFFFFFF  }
0xad: {  	s26 =	simm.s32 $execute0_lowered;
	[smem:$0x3FD2] =	sst s25  }
0xae: {  	s8 =	sshll.u32 s26, $0x1;
	_ =	strace $0x80000046;
	[dreg:$0x1] =	wrdreg $0xFFFFFFFF  }
0xaf: {  	s28 =	simm.s32 $_size_execute0_lowered;
	s7 =	sadd.s32 s7, s8;
	[dreg:$0x0] =	wrdreg $0x0  }
0xb0: {  	s8 =	sshll.u32 s28, $0x1;
	[dreg:$0x2] =	wrdreg s7  }
0xb1: {  	[dreg:$0x3] =	wrdreg s8  }
0xb2: {  	[dreg:$0x4] =	wrdreg $0xC0  }
0xb3: {  	_ =	task [dreg:s11], $0x5FFFF  }
0xb4: {  	[dreg:$0x1] =	wrdreg $0xFFFFFFFF  }
0xb5: {  	[dreg:$0x0] =	wrdreg $0x60  }
0xb6: {  	[dreg:$0x2] =	wrdreg s17  }
0xb7: {  	[dreg:$0x3] =	wrdreg s18  }
0xb8: {  	[dreg:$0x4] =	wrdreg s6  }
0xb9: {  	[dreg:$0x5] =	wrdreg s5  }
0xba: {  	[dreg:$0x6] =	wrdreg s19  }
0xbb: {  	[dreg:$0x7] =	wrdreg $0x9  }
0xbc: {  	_ =	task.clear_ibuf [dreg:s11], $0x8FFFF;
	_ =	strace $0x90000046  }
0xbd: {  	s29 =	simm.s32 $0x9;
	_ =	strace $0x80000048  }
0xbe: {  	_ =	swait.ge [sflag:s29], $0x1  }
0xbf: {  	[sflag:s29] =	ssyncadd.s32 $0xFFFFFFFF  }
0xc0: {  	_ =	strace $0x90000048  }
0xc1: {  	_ =	sfence  }
0xc2: {  	s30 =	sld [smem:$0x0];
	_ =	sdelay $0x2  }
0xc3: {  	s31 =	sshll.u32 s1, $0xD;
	s1 =	sshrl.u32 s1, $0x2  }
0xc4: {  	s3 =	sand.u32 $0x4000, s31;
	s1 =	sadd.s32 s1, s30  }
0xc5: {  	s0 =	sor.u32 s3, s0;
	s1 =	sshll.u32 s1, $0x11  }
0xc6: {  	s0 =	sor.u32 s1, s0  }
0xc7: {  	s0 =	sadd.s32 $0x8F2B, s0  }
0xc8: {  	[sflag:s0] =	ssyncadd.remote.s32 $0x1  }
0xc9: {  	_ =	sfence.sel $0xFFFF  }
0xca: {  	[dreg:$0x0] =	wrdreg $0xFFFFFFFF;
	(pc) =	sbr.abs _section_cstart, $3  }
0xcb: {  	[dreg:$0x1] =	wrdreg $0xFFFFFFFF  }
0xcc: {  	_ =	task.clear_ibuf [dreg:s11], $0x2FFFF;
	_ =	strace $0x9FFFFFFF  }
0xcd: {  	(tm) =	ssettm $0x7FFFFFFF  }
tec
execute0_lowered:
.L_overlay_start_1:
0x0: {  	(tag) =	ssettag $0x1  }
0x1: {  	s2 =	srdreg.scid  }
0x2: {  	s7 =	sand.u32 $0x1, s2;
	s2 =	stileid.u32  }
0x3: {  	s8 =	sshll.u32 s2, $0x1;
	s9 =	ssub.s32 $0x0, s7  }
0x4: {  	s0 =	rddreg [dreg:$0x0];
	p0 =	sne.s32 s8, s9  }
.Ltmp0:
0x5: {  	s1 =	rddreg [dreg:$0x1];
	(pc) =	sbr.rel @p0 .LBB2_3-.Ltmp0, $4  }
0x6: {  	s3 =	rddreg [dreg:$0x2]  }
0x7: {  	s5 =	rddreg [dreg:$0x3]  }
0x8: {  	s6 =	rddreg [dreg:$0x4]  }
0x9: {  	s4 =	rddreg [dreg:$0x5];
	_ =	strace $0x80000047  }
0xa: {  	s7 =	ssub.s32 $0x2, s7;
	v0 =	vlaneseq.u32;
	s9 =	simm.s32 $0x1  }
0xb: {  	s10 =	simm.s32 $0x10000;
	s11 =	simm.s32 $0x10010;
	s8 =	sshrl.u32 s7, $0x1;
	v3 =	vmul.u32 $0x1000, v0;
	v4 =	vmul.u32 $0xFFFFFFFF, v0  }
0xc: {  	v2 =	vimm.s32 $0x0;
	s12 =	simm.s32 $0x10020;
	s13 =	simm.s32 $0x10030;
	s7 =	ssub.s32 s7, s8  }
0xd: {  	s14 =	simm.s32 $0x10040;
	s8 =	simm.s32 $0x0;
	s7 =	smax.u32 s7, $0x1;
	v1 =	vor.u32 $0xFFF, v3;
	v3 =	vadd.s32 $0xFFFFFFFF, v3;
	v4 =	vadd.s32 $0x8000000F, v4  }
.LBB2_2:
0xe: {  	[tilespmem:s8], [sflag:$0x1] =	stream.linear.gather [hbm4b:s0+s8], $0x10000, $0x38;
	[tilespmem:$0x10050] =	vst v63  }
0xf: {  	_ =	swait.ge [sflag:s9], $0x10000  }
0x10: {  	[sflag:s9] =	ssyncset.done $0x0  }
0x11: {  	[sflag:s9] =	ssyncadd.s32 $0xFFFF0000  }
0x12: {  	v5 =	vld.idx.msk [tilespmem:v1+s8+$0x0], $0xffff;
	_ =	sdelay $0x4  }
0x13: {  	vm0 =	vgt.s32 v5, $0x0  }
0x14: {  	v5 =	vsel vm0, $0x1000, v2  }
0x15: {  	v6 =	vor.u32 $0x800, v5  }
0x16: {  	v7 =	vmin.u32 v6, $0x1000  }
0x17: {  	v7 =	vadd.s32 v3, v7;
	_ =	sdelay $0x4  }
0x18: {  	v7 =	vld.idx.msk [tilespmem:v7+s8+$0x0], $0xffff;
	_ =	sdelay $0x4  }
0x19: {  	vm14 =	vlt.u32 v6, $0x1001;
	vm1 =	vgt.s32 v7, $0x0  }
0x1a: {  	vm0 =	vmand vm1, vm14  }
0x1b: {  	v5 =	vsel vm0, v6, v5  }
0x1c: {  	v6 =	vor.u32 $0x400, v5  }
0x1d: {  	v7 =	vmin.u32 v6, $0x1000  }
0x1e: {  	v7 =	vadd.s32 v3, v7;
	_ =	sdelay $0x4  }
0x1f: {  	v7 =	vld.idx.msk [tilespmem:v7+s8+$0x0], $0xffff;
	_ =	sdelay $0x4  }
0x20: {  	vm15 =	vlt.u32 v6, $0x1001;
	vm4 =	vgt.s32 v7, $0x0  }
0x21: {  	vm0 =	vmand vm4, vm15  }
0x22: {  	v5 =	vsel vm0, v6, v5  }
0x23: {  	v6 =	vor.u32 $0x200, v5  }
0x24: {  	v7 =	vmin.u32 v6, $0x1000  }
0x25: {  	v7 =	vadd.s32 v3, v7;
	_ =	sdelay $0x4  }
0x26: {  	v7 =	vld.idx.msk [tilespmem:v7+s8+$0x0], $0xffff;
	_ =	sdelay $0x4  }
0x27: {  	vm5 =	vlt.u32 v6, $0x1001;
	vm6 =	vgt.s32 v7, $0x0  }
0x28: {  	vm0 =	vmand vm6, vm5  }
0x29: {  	v5 =	vsel vm0, v6, v5  }
0x2a: {  	v6 =	vadd.s32 $0x100, v5  }
0x2b: {  	v7 =	vmin.u32 v6, $0x1000  }
0x2c: {  	v7 =	vadd.s32 v3, v7;
	_ =	sdelay $0x4  }
0x2d: {  	v7 =	vld.idx.msk [tilespmem:v7+s8+$0x0], $0xffff;
	_ =	sdelay $0x4  }
0x2e: {  	vm0 =	vlt.u32 v5, $0xF01;
	vm7 =	vgt.s32 v7, $0x0  }
0x2f: {  	vm0 =	vmand vm7, vm0  }
0x30: {  	v5 =	vsel vm0, v6, v5  }
0x31: {  	v6 =	vadd.s32 $0x80, v5  }
0x32: {  	v7 =	vmin.u32 v6, $0x1000  }
0x33: {  	v7 =	vadd.s32 v3, v7;
	_ =	sdelay $0x4  }
0x34: {  	v7 =	vld.idx.msk [tilespmem:v7+s8+$0x0], $0xffff;
	_ =	sdelay $0x4  }
0x35: {  	vm0 =	vlt.u32 v5, $0xF81;
	vm8 =	vgt.s32 v7, $0x0  }
0x36: {  	vm0 =	vmand vm8, vm0  }
0x37: {  	v5 =	vsel vm0, v6, v5  }
0x38: {  	v6 =	vadd.s32 $0x40, v5  }
0x39: {  	v7 =	vmin.u32 v6, $0x1000  }
0x3a: {  	v7 =	vadd.s32 v3, v7;
	_ =	sdelay $0x4  }
0x3b: {  	v7 =	vld.idx.msk [tilespmem:v7+s8+$0x0], $0xffff;
	_ =	sdelay $0x4  }
0x3c: {  	vm0 =	vlt.u32 v5, $0xFC1;
	vm9 =	vgt.s32 v7, $0x0  }
0x3d: {  	vm0 =	vmand vm9, vm0  }
0x3e: {  	v5 =	vsel vm0, v6, v5  }
0x3f: {  	v6 =	vadd.s32 $0x20, v5  }
0x40: {  	v7 =	vmin.u32 v6, $0x1000  }
0x41: {  	v7 =	vadd.s32 v3, v7;
	_ =	sdelay $0x4  }
0x42: {  	v7 =	vld.idx.msk [tilespmem:v7+s8+$0x0], $0xffff;
	_ =	sdelay $0x4  }
0x43: {  	vm0 =	vlt.u32 v5, $0xFE1;
	vm10 =	vgt.s32 v7, $0x0  }
0x44: {  	vm0 =	vmand vm10, vm0  }
0x45: {  	v5 =	vsel vm0, v6, v5  }
0x46: {  	v6 =	vadd.s32 $0x10, v5  }
0x47: {  	v7 =	vmin.u32 v6, $0x1000  }
0x48: {  	v7 =	vadd.s32 v3, v7;
	_ =	sdelay $0x4  }
0x49: {  	v7 =	vld.idx.msk [tilespmem:v7+s8+$0x0], $0xffff;
	_ =	sdelay $0x4  }
0x4a: {  	vm0 =	vlt.u32 v5, $0xFF1;
	vm11 =	vgt.s32 v7, $0x0  }
0x4b: {  	vm0 =	vmand vm11, vm0  }
0x4c: {  	v5 =	vsel vm0, v6, v5  }
0x4d: {  	v6 =	vadd.s32 $0x8, v5  }
0x4e: {  	v7 =	vmin.u32 v6, $0x1000  }
0x4f: {  	v7 =	vadd.s32 v3, v7;
	_ =	sdelay $0x4  }
0x50: {  	v7 =	vld.idx.msk [tilespmem:v7+s8+$0x0], $0xffff;
	_ =	sdelay $0x4  }
0x51: {  	vm0 =	vlt.u32 v5, $0xFF9;
	vm12 =	vgt.s32 v7, $0x0  }
0x52: {  	vm0 =	vmand vm12, vm0  }
0x53: {  	v5 =	vsel vm0, v6, v5  }
0x54: {  	v6 =	vadd.s32 $0x4, v5  }
0x55: {  	v7 =	vmin.u32 v6, $0x1000  }
0x56: {  	v7 =	vadd.s32 v3, v7;
	_ =	sdelay $0x4  }
0x57: {  	v7 =	vld.idx.msk [tilespmem:v7+s8+$0x0], $0xffff;
	_ =	sdelay $0x4  }
0x58: {  	vm0 =	vlt.u32 v5, $0xFFD;
	vm13 =	vgt.s32 v7, $0x0  }
0x59: {  	vm0 =	vmand vm13, vm0  }
0x5a: {  	v5 =	vsel vm0, v6, v5  }
0x5b: {  	v6 =	vadd.s32 $0x2, v5  }
0x5c: {  	v7 =	vmin.u32 v6, $0x1000  }
0x5d: {  	v7 =	vadd.s32 v3, v7;
	_ =	sdelay $0x4  }
0x5e: {  	v7 =	vld.idx.msk [tilespmem:v7+s8+$0x0], $0xffff;
	_ =	sdelay $0x4  }
0x5f: {  	vm0 =	vlt.u32 v5, $0xFFF;
	vm14 =	vgt.s32 v7, $0x0  }
0x60: {  	vm0 =	vmand vm14, vm0  }
0x61: {  	v5 =	vsel vm0, v6, v5  }
0x62: {  	v6 =	vadd.s32 $0x1, v5  }
0x63: {  	v7 =	vmin.u32 v6, $0x1000  }
0x64: {  	v7 =	vadd.s32 v3, v7;
	_ =	sdelay $0x4  }
0x65: {  	v7 =	vld.idx.msk [tilespmem:v7+s8+$0x0], $0xffff;
	_ =	sdelay $0x4  }
0x66: {  	vm0 =	vlt.u32 v5, $0x1000;
	vm15 =	vgt.s32 v7, $0x0  }
0x67: {  	vm0 =	vmand vm15, vm0  }
0x68: {  	v5 =	vsel vm0, v6, v5  }
0x69: {  	v6 =	vshll.u32 v5, $0x4  }
0x6a: {  	v6 =	vor.u32 v4, v6  }
0x6b: {  	(xrf1) =	vsort.dscd.msk.u32 $0xffff, v6, v0;
	_ =	sdelay $0xb  }
0x6c: {  	vm0 =	vne.s32 v5, $0x0  }
0x6d: {  	v5 =	vsel vm0, $0x1, v2  }
0x6e: {  	(xrf0) =	vadd.scan.msk.s32 $0xffff, v5;
	v6, v7, _ =	vpop (xrf1);
	_ =	sdelay $0x1  }
0x6f: {  	v6 =	vshrl.u32 v6, $0x4  }
0x70: {  	[tilespmem:$0x10000] =	vst v0;
	v6 =	vxor.u32 $0x8000000, v6  }
0x71: {  	[tilespmem:v7+s10+$0x0] =	vst.idx.msk $0xffff, v0  }
0x72: {  	v5 =	vld [tilespmem:$0x10000]  }
0x73: {  	[tilespmem:$0x10010] =	vst v6;
	v6, _, _ =	vpop (xrf0)  }
0x74: {  	v6 =	vbroadcast v6, $0xF  }
0x75: {  	[tilespmem:$0x10020] =	vst v7  }
0x76: {  	[tilespmem:$0x10040] =	vst v6  }
0x77: {  	[tilespmem:$0x10030] =	vst v5  }
0x78: {  	[hbm4b:s1+s8] =	stream.linear.scatter [tilespmem:s11], [sflag:$0x1], $0x10, $0x38;
	[tilespmem:$0x10050] =	vst v63  }
0x79: {  	_ =	swait.ge [sflag:s9], $0x10  }
0x7a: {  	[sflag:s9] =	ssyncset.done $0x0  }
0x7b: {  	[sflag:s9] =	ssyncadd.s32 $0xFFFFFFF0  }
0x7c: {  	[hbm4b:s3+s8] =	stream.linear.scatter [tilespmem:s12], [sflag:$0x1], $0x10, $0x38;
	[tilespmem:$0x10050] =	vst v63  }
0x7d: {  	_ =	swait.ge [sflag:s9], $0x10  }
0x7e: {  	[sflag:s9] =	ssyncset.done $0x0  }
0x7f: {  	[sflag:s9] =	ssyncadd.s32 $0xFFFFFFF0  }
0x80: {  	[hbm4b:s5+s8] =	stream.linear.scatter [tilespmem:s13], [sflag:$0x1], $0x10, $0x38;
	[tilespmem:$0x10050] =	vst v63  }
0x81: {  	_ =	swait.ge [sflag:s9], $0x10  }
0x82: {  	p0 =	sne.s32 s7, $0x1;
	[sflag:s9] =	ssyncset.done $0x0  }
.Ltmp1:
0x83: {  	[sflag:s9] =	ssyncadd.s32 $0xFFFFFFF0;
	(pc) =	sbr.rel @p0 .LBB2_2-.Ltmp1, $4  }
0x84: {  	[hbm4b:s6+s8] =	stream.linear.scatter [tilespmem:s14], [sflag:$0x1], $0x10, $0x38;
	[tilespmem:$0x10050] =	vst v63  }
0x85: {  	_ =	swait.ge [sflag:s9], $0x10  }
0x86: {  	[sflag:s9] =	ssyncset.done $0x0  }
0x87: {  	s7 =	sadd.s32 $0xFFFFFFFF, s7;
	[sflag:s9] =	ssyncadd.s32 $0xFFFFFFF0  }
.LBB2_3:
0x88: {  	_ =	sfence.sel $0x180000  }
0x89: {  	[bflag:$0x0] =	sbarrier.arrive $0xFFFF  }
0x8a: {  	p0 =	sne.s32 s2, $0x0;
	_ =	strace $0x90000047  }
0x8b: {  	s0 =	sadd.s32 @!p0 $0x100000, s4;
	[bflag:$0x2] =	sbarrier.arrive $0xFFFF  }
0x8c: {  	[sflag:s0] =	ssyncadd.tile.s32 @!p0 $0x1;
	_ =	shalt  }
.Lfunc_end2:
_tile_overlayer_lowered:
.L_overlay_start_2:
0x8d: {  	(tag) =	ssettag $0x2  }
0x8e: {  	s0 =	rddreg [dreg:$0x0];
	s2 =	stileid.u32  }
0x8f: {  	s1 =	rddreg [dreg:$0x1];
	p0 =	sne.s32 s2, $0x0  }
0x90: {  	s3 =	rddreg [dreg:$0x2];
	[bflag:$0x3] =	sbarrier.arrive $0xFFFF;
	s2 =	simm.s32 @!p0 $0x1C01  }
0x91: {  	[timem:s3], [sflag:s2] =	dma.local @!p0 [hbm:s0], s1  }
0x92: {  	s0 =	simm.s32 @!p0 $0x1  }
0x93: {  	_ =	swait.ge @!p0 [sflag:s0], s1  }
0x94: {  	s1 =	ssub.s32 @!p0 $0x0, s1;
	[sflag:s0] =	ssyncset.done @!p0 $0x0  }
0x95: {  	[sflag:s0] =	ssyncadd.s32 @!p0 s1  }
0x96: {  	[bflag:$0x3] =	sbarrier.arrive $0xFFFF  }
0x97: {  	_ =	shalt  }

// kernel: kernel.7.cloned.1.call-start
scs
__scs_entry_jumppad:
0x0: {  	(pc) =	sbr.rel $0x88, $3  }
0x1: {  	(tag) =	ssettag $0x0;
	lr =	simm.s32 $0x1  }
0x2: {  	[smem:$0x3F9F] =	sst lr;
	_ =	strace $0xD0000000  }
0x3: {  	_ = 	snop  }
0x4: {  	_ = 	snop  }
0x5: {  	_ = 	snop  }
0x6: {  	_ = 	snop  }
0x7: {  	_ = 	snop  }
__scs_overlays_trampoline_lowered:
0x8: {  	[smem:$0x3FAE] =	sst s0  }
0x9: {  	[smem:$0x3FAF] =	sst s1  }
0xa: {  	[smem:$0x3FB0] =	sst s2  }
0xb: {  	[smem:$0x3FB1] =	sst s3  }
0xc: {  	[smem:$0x3FB2] =	sst s4  }
0xd: {  	[smem:$0x3FB3] =	sst s5  }
0xe: {  	[smem:$0x3FB4] =	sst s6  }
0xf: {  	[smem:$0x3FB5] =	sst s7  }
0x10: {  	[smem:$0x3FB6] =	sst s8  }
0x11: {  	[smem:$0x3FB7] =	sst s9;
	s0 =	simm.s32 @!p0 $0x0  }
0x12: {  	s1 =	sld [smem:$0x3F9D];
	s0 =	simm.s32 @p0 $0x1  }
0x13: {  	[smem:$0x3FB8] =	sst s0;
	s0 =	simm.s32 @!p1 $0x0  }
0x14: {  	s2 =	sld [smem:$0x3F9C];
	s0 =	simm.s32 @p1 $0x1  }
0x15: {  	[smem:$0x3FB9] =	sst s0;
	s0 =	simm.s32 @!p2 $0x0  }
0x16: {  	s3 =	sld [smem:$0x3FDB];
	s0 =	simm.s32 @p2 $0x1  }
0x17: {  	s4 =	simm.s32 $0x1BF5;
	[smem:$0x3FBB] =	sst s0  }
0x18: {  	s0 =	sld [smem:$0x3F9E];
	_ =	swait.ge [sflag:s4], $0x0  }
0x19: {  	s7 =	sld [smem:$0x3F9F]  }
0x1a: {  	s8 =	sadd.s32 $0xFFFFE003, lr  }
0x1b: {  	s9 =	sadd.s32 $0xFFFFFEF7, lr;
	s5 =	simm.s32 $0xFFFFFFFF;
	p2 =	slt.u32 s8, $0xFFFFF086  }
0x1c: {  	p1 =	slt.u32 s9, $0xF7A;
	s5 =	simm.s32 @!p2 $0x0  }
0x1d: {  	s5 =	simm.s32 @p1 $0x1;
	p0 =	seq.s32 s7, s2  }
0x1e: {  	s7 =	smul.u32 @!p0 $0xF7A, s2;
	p2 =	seq.s32 @!p0 s5, $0x0  }
0x1f: {  	s9 =	smul.u32 $0xF7A, s1;
	s8 =	simm.s32 @!p0 $0x1BF5;
	p2 =	por !p2, p0  }
0x20: {  	[sflag:s8] =	ssyncset.s32 @!p0 $0xFFFFF086;
	s6 =	sadd.s32 @!p0 s3, s7;
	s7 =	simm.s32 @!p0 $0x108  }
0x21: {  	s3 =	sadd.s32 s3, s9;
	s6 =	sadd.s32 @!p0 $0x88, s6;
	s7 =	simm.s32 @p2 $0x1082  }
0x22: {  	[simem:s7], [sflag:s8] =	dma.local @!p0 [hbm:s6], $0xF7A  }
0x23: {  	s9 =	sor.u32 $0xD0000000, s2;
	s6 =	simm.s32 $0x108;
	_ =	swait.ge @!p0 [sflag:s8], $0x0  }
0x24: {  	s3 =	sadd.s32 $0x88, s3;
	s6 =	simm.s32 @!p1 $0x1082;
	[sflag:s4] =	ssyncset.s32 $0xFFFFF086  }
0x25: {  	[simem:s6], [sflag:s4] =	dma.local [hbm:s3], $0xF7A  }
0x26: {  	[smem:$0x3F9F] =	sst s1;
	(tag) =	ssettag s2;
	_ =	strace s9  }
0x27: {  	s1 =	sld [smem:$0x3FAF]  }
0x28: {  	s2 =	sld [smem:$0x3FB0]  }
0x29: {  	s4 =	sld [smem:$0x3FB2]  }
0x2a: {  	p0 =	seq.s32 s5, $0x0;
	s5 =	sld [smem:$0x3FB3]  }
0x2b: {  	s6 =	sld [smem:$0x3FB4]  }
0x2c: {  	s7 =	sld [smem:$0x3FB5]  }
0x2d: {  	s3 =	simm.s32 $0x108;
	s8 =	sld [smem:$0x3FB6]  }
0x2e: {  	s3 =	simm.s32 @!p0 $0x1082;
	s9 =	sld [smem:$0x3FB7]  }
0x2f: {  	lr =	sadd.s32 s0, s3;
	s0 =	sld [smem:$0x3FAE]  }
0x30: {  	s3 =	sld [smem:$0x3FB1]  }
0x31: {  	[smem:$0x3FBA] =	sst s10  }
0x32: {  	s10 =	sld [smem:$0x3FB8];
	_ =	sdelay $0x3  }
0x33: {  	p0 =	seq.s32 s10, $0x1;
	s10 =	sld [smem:$0x3FBA];
	_ =	sdelay $0x3  }
0x34: {  	[smem:$0x3FBA] =	sst s10  }
0x35: {  	s10 =	sld [smem:$0x3FB9];
	_ =	sdelay $0x3  }
0x36: {  	p1 =	seq.s32 s10, $0x1;
	s10 =	sld [smem:$0x3FBA];
	_ =	sdelay $0x3  }
0x37: {  	[smem:$0x3FBA] =	sst s10  }
0x38: {  	s10 =	sld [smem:$0x3FBB]  }
0x39: {  	_ = 	snop;
	(pc) =	sbr.ind lr, $3  }
0x3a: {  	_ = 	snop  }
0x3b: {  	_ = 	snop  }
0x3c: {  	p2 =	seq.s32 s10, $0x1;
	s10 =	sld [smem:$0x3FBA]  }
0x3d: {  	_ =	shalt  }
0x3e: {  	_ =	shalt  }
0x3f: {  	_ =	shalt  }
0x40: {  	_ =	shalt  }
0x41: {  	_ =	shalt  }
0x42: {  	_ =	shalt  }
0x43: {  	_ =	shalt  }
0x44: {  	_ =	shalt  }
0x45: {  	_ =	shalt  }
0x46: {  	_ =	shalt  }
0x47: {  	_ =	shalt  }
0x48: {  	_ =	shalt  }
0x49: {  	_ =	shalt  }
0x4a: {  	_ =	shalt  }
0x4b: {  	_ =	shalt  }
0x4c: {  	_ =	shalt  }
0x4d: {  	_ =	shalt  }
0x4e: {  	_ =	shalt  }
0x4f: {  	_ =	shalt  }
0x50: {  	_ =	shalt  }
0x51: {  	_ =	shalt  }
0x52: {  	_ =	shalt  }
0x53: {  	_ =	shalt  }
0x54: {  	_ =	shalt  }
0x55: {  	_ =	shalt  }
0x56: {  	_ =	shalt  }
0x57: {  	_ =	shalt  }
0x58: {  	_ =	shalt  }
0x59: {  	_ =	shalt  }
0x5a: {  	_ =	shalt  }
0x5b: {  	_ =	shalt  }
0x5c: {  	_ =	shalt  }
0x5d: {  	_ =	shalt  }
0x5e: {  	_ =	shalt  }
0x5f: {  	_ =	shalt  }
0x60: {  	_ =	shalt  }
0x61: {  	_ =	shalt  }
0x62: {  	_ =	shalt  }
0x63: {  	_ =	shalt  }
0x64: {  	_ =	shalt  }
0x65: {  	_ =	shalt  }
0x66: {  	_ =	shalt  }
0x67: {  	_ =	shalt  }
0x68: {  	_ =	shalt  }
0x69: {  	_ =	shalt  }
0x6a: {  	_ =	shalt  }
0x6b: {  	_ =	shalt  }
0x6c: {  	_ =	shalt  }
0x6d: {  	_ =	shalt  }
0x6e: {  	_ =	shalt  }
0x6f: {  	_ =	shalt  }
0x70: {  	_ =	shalt  }
0x71: {  	_ =	shalt  }
0x72: {  	_ =	shalt  }
0x73: {  	_ =	shalt  }
0x74: {  	_ =	shalt  }
0x75: {  	_ =	shalt  }
0x76: {  	_ =	shalt  }
0x77: {  	_ =	shalt  }
0x78: {  	_ =	shalt  }
0x79: {  	_ =	shalt  }
0x7a: {  	_ =	shalt  }
0x7b: {  	_ =	shalt  }
0x7c: {  	_ =	shalt  }
0x7d: {  	_ =	shalt  }
0x7e: {  	_ =	shalt  }
0x7f: {  	_ =	shalt  }
0x80: {  	_ =	shalt  }
0x81: {  	_ =	shalt  }
0x82: {  	_ =	shalt  }
0x83: {  	_ =	shalt  }
0x84: {  	_ =	shalt  }
0x85: {  	_ =	shalt  }
0x86: {  	_ =	shalt  }
0x87: {  	_ =	shalt  }
.Lfunc_end0:
.L_simem_size_0:
called_computation.1_lowered:
.L_overlay_start_0:
0x88: {  	s2 =	sld [smem:$0x3FD9]  }
0x89: {  	s3 =	sld [smem:$0x3FFE];
	_ =	sdelay $0x1  }
0x8a: {  	s1 =	srdreg.scid  }
0x8b: {  	s0 =	sand.u32 $0x1, s1  }
0x8c: {  	s15 =	sshll.u32 s0, $0xA;
	s2 =	sadd.s32 s3, s2  }
0x8d: {  	s2 =	sadd.s32 s2, s15  }
0x8e: {  	[smem:$0x3FC6] =	sst s2  }
0x8f: {  	_ = 	snop  }
0x90: {  	s2 =	sld [smem:$0x3FD0];
	_ =	sdelay $0x2  }
0x91: {  	s4 =	simm.s32 $0xA;
	s5 =	simm.s32 $0x10;
	s16 =	sld [smem:$0x3FC9]  }
0x92: {  	[smem:s5], [sflag:s4] =	dma.local [hbm:s2], $0x1  }
0x93: {  	_ =	swait.eq [sflag:s4], $0x1  }
0x94: {  	s17 =	sld [smem:$0x10];
	[sflag:s4] =	ssyncset.done $0x0  }
0x95: {  	s18 =	sld [smem:$0x11];
	[sflag:s4] =	ssyncadd.s32 $0xFFFFFFFF  }
0x96: {  	s19 =	sld [smem:$0x13];
	(tm) =	ssettm $0x1  }
0x97: {  	s6 =	sld [smem:$0x3FFB];
	_ =	sdelay $0x3  }
0x98: {  	_ =	strace s6  }
0x99: {  	s6 =	sld [smem:$0x3FFC];
	_ =	sdelay $0x3  }
0x9a: {  	_ =	strace s6  }
0x9b: {  	s6 =	sld [smem:$0x3FFD];
	_ =	sdelay $0x3  }
0x9c: {  	_ =	strace s6  }
0x9d: {  	_ =	strace $0x8FFFFFFF  }
0x9e: {  	s20 =	sld [smem:$0x3FDB];
	_ =	sdelay $0x1  }
0x9f: {  	s7 =	simm.s32 $_scs_section_size  }
0xa0: {  	s8 =	simm.s32 $_size__tile_overlayer_lowered;
	s9 =	simm.s32 $_tile_overlayer_lowered  }
0xa1: {  	s23 =	simm.s32 $0x1BFF;
	s22 =	sshll.u32 s9, $0x1;
	s6 =	sadd.s32 s7, s20  }
0xa2: {  	s10 =	simm.s32 $0x0;
	s21 =	sshll.u32 s8, $0x1;
	s8 =	sadd.s32 s22, s6  }
0xa3: {  	[timem:s10], [sflag:s23] =	dma.local [hbm:s8], s21  }
0xa4: {  	_ =	swait.ge [sflag:s23], s21  }
0xa5: {  	s7 =	ssub.s32 $0x0, s21;
	[sflag:s23] =	ssyncset.done $0x0  }
0xa6: {  	[sflag:s23] =	ssyncadd.s32 s7;
	_ =	sdelay $0x1  }
0xa7: {  	s24 =	simm.s32 $0x1B8B  }
0xa8: {  	_ =	swait.ge [sflag:s24], $0x1  }
0xa9: {  	[sflag:s24] =	ssyncset.done $0x0  }
0xaa: {  	s25 =	simm.s32 $0x1B8E;
	[sflag:s24] =	ssyncadd.s32 $0xFFFFFFFF  }
0xab: {  	s26 =	simm.s32 $execute0_lowered;
	[smem:$0x3FD2] =	sst s25  }
0xac: {  	s7 =	sshll.u32 s26, $0x1;
	_ =	strace $0x80000049;
	[dreg:$0x1] =	wrdreg $0xFFFFFFFF  }
0xad: {  	s28 =	simm.s32 $_size_execute0_lowered;
	s6 =	sadd.s32 s6, s7;
	[dreg:$0x0] =	wrdreg $0x0  }
0xae: {  	s7 =	sshll.u32 s28, $0x1;
	[dreg:$0x2] =	wrdreg s6  }
0xaf: {  	[dreg:$0x3] =	wrdreg s7  }
0xb0: {  	[dreg:$0x4] =	wrdreg $0xC0  }
0xb1: {  	_ =	task [dreg:s10], $0x5FFFF  }
0xb2: {  	[dreg:$0x1] =	wrdreg $0xFFFFFFFF  }
0xb3: {  	[dreg:$0x0] =	wrdreg $0x60  }
0xb4: {  	[dreg:$0x2] =	wrdreg s16  }
0xb5: {  	[dreg:$0x3] =	wrdreg s19  }
0xb6: {  	[dreg:$0x4] =	wrdreg s18  }
0xb7: {  	[dreg:$0x5] =	wrdreg s17  }
0xb8: {  	[dreg:$0x6] =	wrdreg $0x9  }
0xb9: {  	_ =	task.clear_ibuf [dreg:s10], $0x7FFFF;
	_ =	strace $0x90000049  }
0xba: {  	s29 =	simm.s32 $0x9;
	_ =	strace $0x8000004B  }
0xbb: {  	_ =	swait.ge [sflag:s29], $0x1  }
0xbc: {  	[sflag:s29] =	ssyncadd.s32 $0xFFFFFFFF  }
0xbd: {  	_ =	strace $0x9000004B  }
0xbe: {  	_ =	sfence  }
0xbf: {  	s30 =	sld [smem:$0x0];
	_ =	sdelay $0x2  }
0xc0: {  	s31 =	sshll.u32 s1, $0xD;
	s1 =	sshrl.u32 s1, $0x2  }
0xc1: {  	s3 =	sand.u32 $0x4000, s31;
	s1 =	sadd.s32 s1, s30  }
0xc2: {  	s0 =	sor.u32 s3, s0;
	s1 =	sshll.u32 s1, $0x11  }
0xc3: {  	s0 =	sor.u32 s1, s0  }
0xc4: {  	s0 =	sadd.s32 $0x8F2B, s0  }
0xc5: {  	[sflag:s0] =	ssyncadd.remote.s32 $0x1  }
0xc6: {  	_ =	sfence.sel $0xFFFF  }
0xc7: {  	[dreg:$0x0] =	wrdreg $0xFFFFFFFF;
	(pc) =	sbr.abs _section_cstart, $3  }
0xc8: {  	[dreg:$0x1] =	wrdreg $0xFFFFFFFF  }
0xc9: {  	_ =	task.clear_ibuf [dreg:s10], $0x2FFFF;
	_ =	strace $0x9FFFFFFF  }
0xca: {  	(tm) =	ssettm $0x7FFFFFFF  }
0xcb: {  	_ =	shalt  }
tec
execute0_lowered:
.L_overlay_start_1:
0x0: {  	(tag) =	ssettag $0x1  }
0x1: {  	s1 =	rddreg [dreg:$0x0]  }
0x2: {  	s2 =	rddreg [dreg:$0x1]  }
0x3: {  	s3 =	rddreg [dreg:$0x2];
	s0 =	srdreg.scid  }
0x4: {  	s5 =	rddreg [dreg:$0x3];
	s4 =	stileid.u32;
	s6 =	simm.s32 $0x0  }
0x5: {  	s11 =	simm.s32 $0x80;
	s12 =	simm.s32 $0x3;
	s13 =	simm.s32 $0x4  }
.Ltmp0:
0x6: {  	s14 =	simm.s32 $0x0;
	s7 =	sand.u32 $0x1, s0;
	(pc) =	sbr.rel .LBB2_1-.Ltmp0, $4  }
0x7: {  	s0 =	rddreg [dreg:$0x4];
	s10 =	sshll.u32 s4, $0x1;
	s8 =	ssub.s32 $0x2, s7  }
0x8: {  	[smem:$0x7FF] =	sst s6;
	s31 =	sor.u32 s7, s10;
	s9 =	sshrl.u32 s8, $0x1  }
0x9: {  	_ =	strace $0x8000004A;
	s10 =	simm.s32 $0x5;
	s8 =	ssub.s32 s8, s9  }
0xa: {  	v0 =	vimm.f32 $0.0e+00;
	v1 =	vlaneseq.u32;
	s7 =	sshll.u32 s31, $0x5;
	s9 =	sor.u32 $0x20, s31;
	s8 =	smax.u32 s8, $0x1  }
.LBB2_199:
0xb: {  	s14 =	sadd.s32 $0x1, s14  }
0xc: {  	_ =	swait.ge [sflag:s12], $0x8000;
	p0 =	sne.s32 s14, s8  }
.Ltmp1:
0xd: {  	[sflag:s12] =	ssyncset.done $0x0;
	(pc) =	sbr.rel @!p0 .LBB2_200-.Ltmp1, $4  }
0xe: {  	[sflag:s12] =	ssyncadd.s32 $0xFFFF8000  }
0xf: {  	_ =	swait.ge [sflag:s13], $0x8000  }
0x10: {  	[sflag:s13] =	ssyncset.done $0x0  }
0x11: {  	[sflag:s13] =	ssyncadd.s32 $0xFFFF8000  }
.LBB2_1:
0x12: {  	[tilespmem:s6], [sflag:$0x5] =	stream.linear.gather [hbm4b:s2+s6], $0x80, $0x38;
	[tilespmem:$0x18100] =	vst v63  }
0x13: {  	_ =	swait.ge [sflag:s10], $0x80  }
0x14: {  	[sflag:s10] =	ssyncset.done $0x0  }
0x15: {  	[sflag:s10] =	ssyncadd.s32 $0xFFFFFF80  }
0x16: {  	[tilespmem:s11], [sflag:$0x5] =	stream.linear.gather [hbm4b:s3+s6], $0x80, $0x38;
	[tilespmem:$0x18100] =	vst v63  }
0x17: {  	_ =	swait.ge [sflag:s10], $0x80  }
0x18: {  	[sflag:s10] =	ssyncset.done $0x0  }
0x19: {  	s15 =	simm.s32 $0x0;
	[sflag:s10] =	ssyncadd.s32 $0xFFFFFF80  }
.LBB2_2:
0x1a: {  	s16 =	sshll.u32 s15, $0xA;
	s17 =	sshll.u32 s15, $0x7  }
0x1b: {  	s16 =	sand.u32 $0x6000, s16;
	s17 =	sand.u32 $0x380, s17  }
0x1c: {  	s17 =	sor.u32 s17, s16;
	s16 =	simm.s32 $0x0  }
0x1d: {  	s17 =	sadd.s32 $0x10100, s17;
	s18 =	sand.u32 $0x1C00, s16  }
0x1e: {  	s19 =	sand.u32 $0x70, s16;
	s20 =	sadd.s32 s18, s17  }
0x1f: {  	s18 =	simm.s32 $0x10;
	s19 =	sadd.s32 s19, s20  }
.LBB2_3:
0x20: {  	p0 =	sne.s32 s18, $0x3F0  }
0x21: {  	[tilespmem:s19+$0x0] =	vst v0;
	s16 =	sadd.s32 $0x80, s16;
	s19 =	smov.u32 s18;
	s18 =	sadd.s32 $0x10, s18  }
.Ltmp2:
0x22: {  	(pc) =	sbr.rel @p0 .LBB2_3-.Ltmp2, $4  }
0x23: {  	_ = 	snop  }
0x24: {  	s20 =	sand.u32 $0x1C00, s16  }
0x25: {  	s19 =	sand.u32 $0x70, s19;
	s20 =	sadd.s32 s20, s17  }
0x26: {  	s19 =	sadd.s32 s19, s20  }
0x27: {  	s15 =	sadd.s32 $0x1, s15  }
0x28: {  	p0 =	sne.s32 s15, $0x20  }
.Ltmp3:
0x29: {  	_ = 	snop;
	(pc) =	sbr.rel @p0 .LBB2_2-.Ltmp3, $2  }
0x2a: {  	_ =	sdelay $0x2  }
0x2b: {  	[tilespmem:s19+$0x0] =	vst v0  }
.Ltmp4:
0x2c: {  	(pc) =	sbr.rel .LBB2_6-.Ltmp4, $2  }
0x2d: {  	_ =	sdelay $0x2  }
0x2e: {  	s15 =	simm.s32 $0x0  }
.LBB2_103:
0x2f: {  	s19 =	simm.s32 @p1 $0x10100  }
.LBB2_198:
0x30: {  	s15 =	sadd.s32 $0x1, s15  }
0x31: {  	p0 =	sne.s32 s15, $0x20  }
.Ltmp5:
0x32: {  	_ = 	snop;
	(pc) =	sbr.rel @!p0 .LBB2_199-.Ltmp5, $4  }
0x33: {  	_ = 	snop  }
0x34: {  	s17 =	sshll.u32 s17, $0xC  }
0x35: {  	s16 =	sadd.s32 s17, s16  }
0x36: {  	[hbm4b:s16+s6] =	stream.linear.scatter [tilespmem:s19], [sflag:$0x4], $0x8000, $0x38;
	[tilespmem:$0x18100] =	vst v63  }
.LBB2_6:
0x37: {  	v2 =	vld [tilespmem:$0x0]  }
0x38: {  	v3 =	vld [tilespmem:$0x80]  }
0x39: {  	s16 =	sshrl.u32 s15, $0x1  }
0x3a: {  	v4 =	vmov s16  }
0x3b: {  	vm0 =	veq.s32 v4, v1  }
0x3c: {  	v2 =	vnsel vm0, $0x0, v2  }
0x3d: {  	(xrf0) =	vadd.scan.msk.s32 $0xffff, v2;
	v2 =	vnsel vm0, $0x0, v3  }
0x3e: {  	(xrf0) =	vadd.scan.msk.s32 $0xffff, v2;
	_ =	sdelay $0x4  }
0x3f: {  	v2, _, _ =	vpop (xrf0)  }
0x40: {  	(v2sf) =	vpush v2, $0xF;
	v2, _, _ =	vpop (xrf0)  }
0x41: {  	(v2sf) =	vpush v2, $0xF;
	_ =	sdelay $0xc  }
0x42: {  	s17 =	sshll.u32 s15, $0xB  }
0x43: {  	s17 =	sand.u32 $0x800, s17;
	s19 =	spop (v2sf)  }
0x44: {  	p0 =	seq.s32 s15, $0x0;
	s17 =	sor.u32 s7, s17;
	s18 =	spop (v2sf)  }
0x45: {  	s20 =	simm.s32 @!p0 $0x3;
	s18 =	ssub.s32 s18, s17  }
0x46: {  	_ =	swait.ge @!p0 [sflag:s20], $0x8000;
	p1 =	slt.s32 s18, $0x1  }
0x47: {  	[sflag:s20] =	ssyncset.done @!p0 $0x0;
	s19 =	sshll.u32 @!p1 s19, $0x16;
	s21 =	sshll.u32 @!p1 s17, $0xA  }
0x48: {  	[sflag:s20] =	ssyncadd.s32 @!p0 $0xFFFF8000;
	s19 =	sor.u32 @!p1 s21, s19  }
0x49: {  	p2 =	sgt.u32 @!p1 s18, $0x1F;
	s21 =	simm.s32 @!p1 $0x0;
	s19 =	sshrl.u32 @!p1 s19, $0x3  }
0x4a: {  	p2 =	por p1, p2;
	s20 =	sadd.s32 @!p1 s1, s19;
	s19 =	simm.s32 @!p1 $0x100  }
0x4b: {  	[tilespmem:s19], [sflag:$0x1] =	stream.linear.gather @!p1 [hbm4b:s20+s21], $0x8000, $0x38;
	[tilespmem:$0x18100] =	vst v63  }
.Ltmp6:
0x4c: {  	_ = 	snop;
	(pc) =	sbr.rel @p2 .LBB2_7-.Ltmp6, $4  }
0x4d: {  	s20 =	simm.s32 @!p1 $0x1  }
0x4e: {  	_ =	swait.ge @!p1 [sflag:s20], $0x8000  }
0x4f: {  	[sflag:s20] =	ssyncset.done @!p1 $0x0  }
0x50: {  	[sflag:s20] =	ssyncadd.s32 @!p1 $0xFFFF8000  }
0x51: {  	p1 =	sne.s32 s18, $0x1  }
.Ltmp7:
0x52: {  	_ = 	snop;
	(pc) =	sbr.rel @p1 .LBB2_11-.Ltmp7, $2  }
0x53: {  	_ =	sdelay $0x2  }
0x54: {  	s19 =	simm.s32 $0x0  }
0x55: {  	s18 =	sand.u32 $0x70, s19;
	s20 =	sand.u32 $0x1C00, s19  }
0x56: {  	s20 =	sor.u32 s18, s20  }
0x57: {  	s18 =	sadd.s32 $0x10, s19;
	[tilespmem:s20+$0x180] =	vst v0  }
.LBB2_10:
0x58: {  	p1 =	seq.s32 s18, $0x3F0  }
.Ltmp8:
0x59: {  	_ = 	snop;
	(pc) =	sbr.rel @!p1 .LBB2_10-.Ltmp8, $4  }
0x5a: {  	s19 =	sadd.s32 $0x80, s19  }
0x5b: {  	s20 =	sand.u32 $0x70, s18;
	s21 =	sand.u32 $0x1C00, s19  }
0x5c: {  	s20 =	sor.u32 s20, s21  }
0x5d: {  	s18 =	sadd.s32 $0x10, s18;
	[tilespmem:s20+$0x180] =	vst v0  }
.Ltmp9:
0x5e: {  	_ = 	snop;
	(pc) =	sbr.rel .LBB2_12-.Ltmp9, $1  }
0x5f: {  	_ =	sdelay $0x3  }
.LBB2_7:
.Ltmp10:
0x60: {  	(pc) =	sbr.rel .LBB2_102-.Ltmp10, $2  }
0x61: {  	_ =	sdelay $0x2  }
0x62: {  	s19 =	simm.s32 @p1 $0x10100  }
.LBB2_11:
0x63: {  	p1 =	sgt.u32 s18, $0x2  }
.Ltmp11:
0x64: {  	_ = 	snop;
	(pc) =	sbr.rel @p1 .LBB2_14-.Ltmp11, $1  }
0x65: {  	_ =	sdelay $0x3  }
.LBB2_12:
0x66: {  	s18 =	simm.s32 $0x0  }
0x67: {  	s19 =	sand.u32 $0x70, s18;
	s20 =	sand.u32 $0x1C00, s18  }
0x68: {  	s20 =	sor.u32 s19, s20  }
0x69: {  	s19 =	simm.s32 $0x10;
	[tilespmem:s20+$0x200] =	vst v0  }
.LBB2_13:
0x6a: {  	p1 =	seq.s32 s19, $0x3F0  }
.Ltmp12:
0x6b: {  	_ = 	snop;
	(pc) =	sbr.rel @!p1 .LBB2_13-.Ltmp12, $4  }
0x6c: {  	s18 =	sadd.s32 $0x80, s18  }
0x6d: {  	s20 =	sand.u32 $0x70, s19;
	s21 =	sand.u32 $0x1C00, s18  }
0x6e: {  	s20 =	sor.u32 s20, s21  }
0x6f: {  	s19 =	sadd.s32 $0x10, s19;
	[tilespmem:s20+$0x200] =	vst v0  }
.LBB2_15:
0x70: {  	s18 =	simm.s32 $0x0  }
0x71: {  	s19 =	sand.u32 $0x70, s18;
	s20 =	sand.u32 $0x1C00, s18  }
0x72: {  	s20 =	sor.u32 s19, s20  }
0x73: {  	s19 =	simm.s32 $0x10;
	[tilespmem:s20+$0x280] =	vst v0  }
.LBB2_16:
0x74: {  	p1 =	seq.s32 s19, $0x3F0  }
.Ltmp13:
0x75: {  	_ = 	snop;
	(pc) =	sbr.rel @!p1 .LBB2_16-.Ltmp13, $4  }
0x76: {  	s18 =	sadd.s32 $0x80, s18  }
0x77: {  	s20 =	sand.u32 $0x70, s19;
	s21 =	sand.u32 $0x1C00, s18  }
0x78: {  	s20 =	sor.u32 s20, s21  }
0x79: {  	s19 =	sadd.s32 $0x10, s19;
	[tilespmem:s20+$0x280] =	vst v0  }
.LBB2_18:
0x7a: {  	s18 =	simm.s32 $0x0  }
0x7b: {  	s19 =	sand.u32 $0x70, s18;
	s20 =	sand.u32 $0x1C00, s18  }
0x7c: {  	s20 =	sor.u32 s19, s20  }
0x7d: {  	s19 =	simm.s32 $0x10;
	[tilespmem:s20+$0x300] =	vst v0  }
.LBB2_19:
0x7e: {  	p1 =	seq.s32 s19, $0x3F0  }
.Ltmp14:
0x7f: {  	_ = 	snop;
	(pc) =	sbr.rel @!p1 .LBB2_19-.Ltmp14, $4  }
0x80: {  	s18 =	sadd.s32 $0x80, s18  }
0x81: {  	s20 =	sand.u32 $0x70, s19;
	s21 =	sand.u32 $0x1C00, s18  }
0x82: {  	s20 =	sor.u32 s20, s21  }
0x83: {  	s19 =	sadd.s32 $0x10, s19;
	[tilespmem:s20+$0x300] =	vst v0  }
.LBB2_21:
0x84: {  	s18 =	simm.s32 $0x0  }
0x85: {  	s19 =	sand.u32 $0x70, s18;
	s20 =	sand.u32 $0x1C00, s18  }
0x86: {  	s20 =	sor.u32 s19, s20  }
0x87: {  	s19 =	simm.s32 $0x10;
	[tilespmem:s20+$0x380] =	vst v0  }
.LBB2_22:
0x88: {  	p1 =	seq.s32 s19, $0x3F0  }
.Ltmp15:
0x89: {  	_ = 	snop;
	(pc) =	sbr.rel @!p1 .LBB2_22-.Ltmp15, $4  }
0x8a: {  	s18 =	sadd.s32 $0x80, s18  }
0x8b: {  	s20 =	sand.u32 $0x70, s19;
	s21 =	sand.u32 $0x1C00, s18  }
0x8c: {  	s20 =	sor.u32 s20, s21  }
0x8d: {  	s19 =	sadd.s32 $0x10, s19;
	[tilespmem:s20+$0x380] =	vst v0  }
.LBB2_24:
0x8e: {  	s18 =	simm.s32 $0x0  }
0x8f: {  	s19 =	sand.u32 $0x70, s18;
	s20 =	sand.u32 $0x1C00, s18  }
0x90: {  	s20 =	sor.u32 s19, s20  }
0x91: {  	s19 =	simm.s32 $0x10;
	[tilespmem:s20+$0x400] =	vst v0  }
.LBB2_25:
0x92: {  	p1 =	seq.s32 s19, $0x3F0  }
.Ltmp16:
0x93: {  	_ = 	snop;
	(pc) =	sbr.rel @!p1 .LBB2_25-.Ltmp16, $4  }
0x94: {  	s18 =	sadd.s32 $0x80, s18  }
0x95: {  	s20 =	sand.u32 $0x70, s19;
	s21 =	sand.u32 $0x1C00, s18  }
0x96: {  	s20 =	sor.u32 s20, s21  }
0x97: {  	s19 =	sadd.s32 $0x10, s19;
	[tilespmem:s20+$0x400] =	vst v0  }
.LBB2_27:
0x98: {  	s18 =	simm.s32 $0x0  }
0x99: {  	s20 =	sor.u32 s18, s18  }
0x9a: {  	s19 =	simm.s32 $0x10;
	s20 =	sor.u32 $0x380, s20  }
.LBB2_28:
0x9b: {  	p1 =	seq.s32 s19, $0x3F0  }
0x9c: {  	[tilespmem:s20+$0x100] =	vst v0;
	s18 =	sadd.s32 $0x80, s18;
	s20 =	smov.u32 s19;
	s19 =	sadd.s32 $0x10, s19  }
.Ltmp17:
0x9d: {  	(pc) =	sbr.rel @!p1 .LBB2_28-.Ltmp17, $3  }
0x9e: {  	_ =	sdelay $0x1  }
0x9f: {  	s20 =	sor.u32 s18, s20  }
0xa0: {  	s20 =	sor.u32 $0x380, s20  }
0xa1: {  	[tilespmem:s20+$0x100] =	vst v0  }
.LBB2_31:
0xa2: {  	s18 =	simm.s32 $0x0  }
0xa3: {  	s19 =	sand.u32 $0x70, s18;
	s20 =	sand.u32 $0x1C00, s18  }
0xa4: {  	s20 =	sor.u32 s19, s20  }
0xa5: {  	s19 =	simm.s32 $0x10;
	[tilespmem:s20+$0x2100] =	vst v0  }
.LBB2_32:
0xa6: {  	p1 =	seq.s32 s19, $0x3F0  }
.Ltmp18:
0xa7: {  	_ = 	snop;
	(pc) =	sbr.rel @!p1 .LBB2_32-.Ltmp18, $4  }
0xa8: {  	s18 =	sadd.s32 $0x80, s18  }
0xa9: {  	s20 =	sand.u32 $0x70, s19;
	s21 =	sand.u32 $0x1C00, s18  }
0xaa: {  	s20 =	sor.u32 s20, s21  }
0xab: {  	s19 =	sadd.s32 $0x10, s19;
	[tilespmem:s20+$0x2100] =	vst v0  }
.LBB2_34:
0xac: {  	s18 =	simm.s32 $0x0  }
0xad: {  	s19 =	sand.u32 $0x70, s18;
	s20 =	sand.u32 $0x1C00, s18  }
0xae: {  	s20 =	sor.u32 s19, s20  }
0xaf: {  	s19 =	simm.s32 $0x10;
	[tilespmem:s20+$0x2180] =	vst v0  }
.LBB2_35:
0xb0: {  	p1 =	seq.s32 s19, $0x3F0  }
.Ltmp19:
0xb1: {  	_ = 	snop;
	(pc) =	sbr.rel @!p1 .LBB2_35-.Ltmp19, $4  }
0xb2: {  	s18 =	sadd.s32 $0x80, s18  }
0xb3: {  	s20 =	sand.u32 $0x70, s19;
	s21 =	sand.u32 $0x1C00, s18  }
0xb4: {  	s20 =	sor.u32 s20, s21  }
0xb5: {  	s19 =	sadd.s32 $0x10, s19;
	[tilespmem:s20+$0x2180] =	vst v0  }
.LBB2_37:
0xb6: {  	s18 =	simm.s32 $0x0  }
0xb7: {  	s19 =	sand.u32 $0x70, s18;
	s20 =	sand.u32 $0x1C00, s18  }
0xb8: {  	s20 =	sor.u32 s19, s20  }
0xb9: {  	s19 =	simm.s32 $0x10;
	[tilespmem:s20+$0x2200] =	vst v0  }
.LBB2_38:
0xba: {  	p1 =	seq.s32 s19, $0x3F0  }
.Ltmp20:
0xbb: {  	_ = 	snop;
	(pc) =	sbr.rel @!p1 .LBB2_38-.Ltmp20, $4  }
0xbc: {  	s18 =	sadd.s32 $0x80, s18  }
0xbd: {  	s20 =	sand.u32 $0x70, s19;
	s21 =	sand.u32 $0x1C00, s18  }
0xbe: {  	s20 =	sor.u32 s20, s21  }
0xbf: {  	s19 =	sadd.s32 $0x10, s19;
	[tilespmem:s20+$0x2200] =	vst v0  }
.LBB2_40:
0xc0: {  	s18 =	simm.s32 $0x0  }
0xc1: {  	s19 =	sand.u32 $0x70, s18;
	s20 =	sand.u32 $0x1C00, s18  }
0xc2: {  	s20 =	sor.u32 s19, s20  }
0xc3: {  	s19 =	simm.s32 $0x10;
	[tilespmem:s20+$0x2280] =	vst v0  }
.LBB2_41:
0xc4: {  	p1 =	seq.s32 s19, $0x3F0  }
.Ltmp21:
0xc5: {  	_ = 	snop;
	(pc) =	sbr.rel @!p1 .LBB2_41-.Ltmp21, $4  }
0xc6: {  	s18 =	sadd.s32 $0x80, s18  }
0xc7: {  	s20 =	sand.u32 $0x70, s19;
	s21 =	sand.u32 $0x1C00, s18  }
0xc8: {  	s20 =	sor.u32 s20, s21  }
0xc9: {  	s19 =	sadd.s32 $0x10, s19;
	[tilespmem:s20+$0x2280] =	vst v0  }
.LBB2_43:
0xca: {  	s18 =	simm.s32 $0x0  }
0xcb: {  	s19 =	sand.u32 $0x70, s18;
	s20 =	sand.u32 $0x1C00, s18  }
0xcc: {  	s20 =	sor.u32 s19, s20  }
0xcd: {  	s19 =	simm.s32 $0x10;
	[tilespmem:s20+$0x2300] =	vst v0  }
.LBB2_44:
0xce: {  	p1 =	seq.s32 s19, $0x3F0  }
.Ltmp22:
0xcf: {  	_ = 	snop;
	(pc) =	sbr.rel @!p1 .LBB2_44-.Ltmp22, $4  }
0xd0: {  	s18 =	sadd.s32 $0x80, s18  }
0xd1: {  	s20 =	sand.u32 $0x70, s19;
	s21 =	sand.u32 $0x1C00, s18  }
0xd2: {  	s20 =	sor.u32 s20, s21  }
0xd3: {  	s19 =	sadd.s32 $0x10, s19;
	[tilespmem:s20+$0x2300] =	vst v0  }
.LBB2_46:
0xd4: {  	s18 =	simm.s32 $0x0  }
0xd5: {  	s19 =	sand.u32 $0x70, s18;
	s20 =	sand.u32 $0x1C00, s18  }
0xd6: {  	s20 =	sor.u32 s19, s20  }
0xd7: {  	s19 =	simm.s32 $0x10;
	[tilespmem:s20+$0x2380] =	vst v0  }
.LBB2_47:
0xd8: {  	p1 =	seq.s32 s19, $0x3F0  }
.Ltmp23:
0xd9: {  	_ = 	snop;
	(pc) =	sbr.rel @!p1 .LBB2_47-.Ltmp23, $4  }
0xda: {  	s18 =	sadd.s32 $0x80, s18  }
0xdb: {  	s20 =	sand.u32 $0x70, s19;
	s21 =	sand.u32 $0x1C00, s18  }
0xdc: {  	s20 =	sor.u32 s20, s21  }
0xdd: {  	s19 =	sadd.s32 $0x10, s19;
	[tilespmem:s20+$0x2380] =	vst v0  }
.LBB2_49:
0xde: {  	s18 =	simm.s32 $0x0  }
0xdf: {  	s19 =	sand.u32 $0x70, s18;
	s20 =	sand.u32 $0x1C00, s18  }
0xe0: {  	s20 =	sor.u32 s19, s20  }
0xe1: {  	s19 =	simm.s32 $0x10;
	[tilespmem:s20+$0x2400] =	vst v0  }
.LBB2_50:
0xe2: {  	p1 =	seq.s32 s19, $0x3F0  }
.Ltmp24:
0xe3: {  	_ = 	snop;
	(pc) =	sbr.rel @!p1 .LBB2_50-.Ltmp24, $4  }
0xe4: {  	s18 =	sadd.s32 $0x80, s18  }
0xe5: {  	s20 =	sand.u32 $0x70, s19;
	s21 =	sand.u32 $0x1C00, s18  }
0xe6: {  	s20 =	sor.u32 s20, s21  }
0xe7: {  	s19 =	sadd.s32 $0x10, s19;
	[tilespmem:s20+$0x2400] =	vst v0  }
.LBB2_52:
0xe8: {  	s18 =	simm.s32 $0x0  }
0xe9: {  	s19 =	sand.u32 $0x70, s18;
	s20 =	sand.u32 $0x1C00, s18  }
0xea: {  	s20 =	sor.u32 s19, s20  }
0xeb: {  	s19 =	simm.s32 $0x10;
	[tilespmem:s20+$0x2480] =	vst v0  }
.LBB2_53:
0xec: {  	p1 =	seq.s32 s19, $0x3F0  }
.Ltmp25:
0xed: {  	_ = 	snop;
	(pc) =	sbr.rel @!p1 .LBB2_53-.Ltmp25, $4  }
0xee: {  	s18 =	sadd.s32 $0x80, s18  }
0xef: {  	s20 =	sand.u32 $0x70, s19;
	s21 =	sand.u32 $0x1C00, s18  }
0xf0: {  	s20 =	sor.u32 s20, s21  }
0xf1: {  	s19 =	sadd.s32 $0x10, s19;
	[tilespmem:s20+$0x2480] =	vst v0  }
.LBB2_55:
0xf2: {  	s18 =	simm.s32 $0x0  }
0xf3: {  	s19 =	sand.u32 $0x70, s18;
	s20 =	sand.u32 $0x1C00, s18  }
0xf4: {  	s20 =	sor.u32 s19, s20  }
0xf5: {  	s19 =	simm.s32 $0x10;
	[tilespmem:s20+$0x4100] =	vst v0  }
.LBB2_56:
0xf6: {  	p1 =	seq.s32 s19, $0x3F0  }
.Ltmp26:
0xf7: {  	_ = 	snop;
	(pc) =	sbr.rel @!p1 .LBB2_56-.Ltmp26, $4  }
0xf8: {  	s18 =	sadd.s32 $0x80, s18  }
0xf9: {  	s20 =	sand.u32 $0x70, s19;
	s21 =	sand.u32 $0x1C00, s18  }
0xfa: {  	s20 =	sor.u32 s20, s21  }
0xfb: {  	s19 =	sadd.s32 $0x10, s19;
	[tilespmem:s20+$0x4100] =	vst v0  }
.LBB2_58:
0xfc: {  	s18 =	simm.s32 $0x0  }
0xfd: {  	s19 =	sand.u32 $0x70, s18;
	s20 =	sand.u32 $0x1C00, s18  }
0xfe: {  	s20 =	sor.u32 s19, s20  }
0xff: {  	s19 =	simm.s32 $0x10;
	[tilespmem:s20+$0x4180] =	vst v0  }
.LBB2_59:
0x100: {  	p1 =	seq.s32 s19, $0x3F0  }
.Ltmp27:
0x101: {  	_ = 	snop;
	(pc) =	sbr.rel @!p1 .LBB2_59-.Ltmp27, $4  }
0x102: {  	s18 =	sadd.s32 $0x80, s18  }
0x103: {  	s20 =	sand.u32 $0x70, s19;
	s21 =	sand.u32 $0x1C00, s18  }
0x104: {  	s20 =	sor.u32 s20, s21  }
0x105: {  	s19 =	sadd.s32 $0x10, s19;
	[tilespmem:s20+$0x4180] =	vst v0  }
.LBB2_61:
0x106: {  	s18 =	simm.s32 $0x0  }
0x107: {  	s19 =	sand.u32 $0x70, s18;
	s20 =	sand.u32 $0x1C00, s18  }
0x108: {  	s20 =	sor.u32 s19, s20  }
0x109: {  	s19 =	simm.s32 $0x10;
	[tilespmem:s20+$0x4200] =	vst v0  }
.LBB2_62:
0x10a: {  	p1 =	seq.s32 s19, $0x3F0  }
.Ltmp28:
0x10b: {  	_ = 	snop;
	(pc) =	sbr.rel @!p1 .LBB2_62-.Ltmp28, $4  }
0x10c: {  	s18 =	sadd.s32 $0x80, s18  }
0x10d: {  	s20 =	sand.u32 $0x70, s19;
	s21 =	sand.u32 $0x1C00, s18  }
0x10e: {  	s20 =	sor.u32 s20, s21  }
0x10f: {  	s19 =	sadd.s32 $0x10, s19;
	[tilespmem:s20+$0x4200] =	vst v0  }
.LBB2_64:
0x110: {  	s18 =	simm.s32 $0x0  }
0x111: {  	s19 =	sand.u32 $0x70, s18;
	s20 =	sand.u32 $0x1C00, s18  }
0x112: {  	s20 =	sor.u32 s19, s20  }
0x113: {  	s19 =	simm.s32 $0x10;
	[tilespmem:s20+$0x4280] =	vst v0  }
.LBB2_65:
0x114: {  	p1 =	seq.s32 s19, $0x3F0  }
.Ltmp29:
0x115: {  	_ = 	snop;
	(pc) =	sbr.rel @!p1 .LBB2_65-.Ltmp29, $4  }
0x116: {  	s18 =	sadd.s32 $0x80, s18  }
0x117: {  	s20 =	sand.u32 $0x70, s19;
	s21 =	sand.u32 $0x1C00, s18  }
0x118: {  	s20 =	sor.u32 s20, s21  }
0x119: {  	s19 =	sadd.s32 $0x10, s19;
	[tilespmem:s20+$0x4280] =	vst v0  }
.LBB2_67:
0x11a: {  	s18 =	simm.s32 $0x0  }
0x11b: {  	s19 =	sand.u32 $0x70, s18;
	s20 =	sand.u32 $0x1C00, s18  }
0x11c: {  	s20 =	sor.u32 s19, s20  }
0x11d: {  	s19 =	simm.s32 $0x10;
	[tilespmem:s20+$0x4300] =	vst v0  }
.LBB2_68:
0x11e: {  	p1 =	seq.s32 s19, $0x3F0  }
.Ltmp30:
0x11f: {  	_ = 	snop;
	(pc) =	sbr.rel @!p1 .LBB2_68-.Ltmp30, $4  }
0x120: {  	s18 =	sadd.s32 $0x80, s18  }
0x121: {  	s20 =	sand.u32 $0x70, s19;
	s21 =	sand.u32 $0x1C00, s18  }
0x122: {  	s20 =	sor.u32 s20, s21  }
0x123: {  	s19 =	sadd.s32 $0x10, s19;
	[tilespmem:s20+$0x4300] =	vst v0  }
.LBB2_70:
0x124: {  	s18 =	simm.s32 $0x0  }
0x125: {  	s19 =	sand.u32 $0x70, s18;
	s20 =	sand.u32 $0x1C00, s18  }
0x126: {  	s20 =	sor.u32 s19, s20  }
0x127: {  	s19 =	simm.s32 $0x10;
	[tilespmem:s20+$0x4380] =	vst v0  }
.LBB2_71:
0x128: {  	p1 =	seq.s32 s19, $0x3F0  }
.Ltmp31:
0x129: {  	_ = 	snop;
	(pc) =	sbr.rel @!p1 .LBB2_71-.Ltmp31, $4  }
0x12a: {  	s18 =	sadd.s32 $0x80, s18  }
0x12b: {  	s20 =	sand.u32 $0x70, s19;
	s21 =	sand.u32 $0x1C00, s18  }
0x12c: {  	s20 =	sor.u32 s20, s21  }
0x12d: {  	s19 =	sadd.s32 $0x10, s19;
	[tilespmem:s20+$0x4380] =	vst v0  }
.LBB2_73:
0x12e: {  	s18 =	simm.s32 $0x0  }
0x12f: {  	s19 =	sand.u32 $0x70, s18;
	s20 =	sand.u32 $0x1C00, s18  }
0x130: {  	s20 =	sor.u32 s19, s20  }
0x131: {  	s19 =	simm.s32 $0x10;
	[tilespmem:s20+$0x4400] =	vst v0  }
.LBB2_74:
0x132: {  	p1 =	seq.s32 s19, $0x3F0  }
.Ltmp32:
0x133: {  	_ = 	snop;
	(pc) =	sbr.rel @!p1 .LBB2_74-.Ltmp32, $4  }
0x134: {  	s18 =	sadd.s32 $0x80, s18  }
0x135: {  	s20 =	sand.u32 $0x70, s19;
	s21 =	sand.u32 $0x1C00, s18  }
0x136: {  	s20 =	sor.u32 s20, s21  }
0x137: {  	s19 =	sadd.s32 $0x10, s19;
	[tilespmem:s20+$0x4400] =	vst v0  }
.LBB2_76:
0x138: {  	s18 =	simm.s32 $0x0  }
0x139: {  	s19 =	sand.u32 $0x70, s18;
	s20 =	sand.u32 $0x1C00, s18  }
0x13a: {  	s20 =	sor.u32 s19, s20  }
0x13b: {  	s19 =	simm.s32 $0x10;
	[tilespmem:s20+$0x4480] =	vst v0  }
.LBB2_77:
0x13c: {  	p1 =	seq.s32 s19, $0x3F0  }
.Ltmp33:
0x13d: {  	_ = 	snop;
	(pc) =	sbr.rel @!p1 .LBB2_77-.Ltmp33, $4  }
0x13e: {  	s18 =	sadd.s32 $0x80, s18  }
0x13f: {  	s20 =	sand.u32 $0x70, s19;
	s21 =	sand.u32 $0x1C00, s18  }
0x140: {  	s20 =	sor.u32 s20, s21  }
0x141: {  	s19 =	sadd.s32 $0x10, s19;
	[tilespmem:s20+$0x4480] =	vst v0  }
.LBB2_79:
0x142: {  	s18 =	simm.s32 $0x0  }
0x143: {  	s19 =	sand.u32 $0x70, s18;
	s20 =	sand.u32 $0x1C00, s18  }
0x144: {  	s20 =	sor.u32 s19, s20  }
0x145: {  	s19 =	simm.s32 $0x10;
	[tilespmem:s20+$0x6100] =	vst v0  }
.LBB2_80:
0x146: {  	p1 =	seq.s32 s19, $0x3F0  }
.Ltmp34:
0x147: {  	_ = 	snop;
	(pc) =	sbr.rel @!p1 .LBB2_80-.Ltmp34, $4  }
0x148: {  	s18 =	sadd.s32 $0x80, s18  }
0x149: {  	s20 =	sand.u32 $0x70, s19;
	s21 =	sand.u32 $0x1C00, s18  }
0x14a: {  	s20 =	sor.u32 s20, s21  }
0x14b: {  	s19 =	sadd.s32 $0x10, s19;
	[tilespmem:s20+$0x6100] =	vst v0  }
.LBB2_82:
0x14c: {  	s18 =	simm.s32 $0x0  }
0x14d: {  	s19 =	sand.u32 $0x70, s18;
	s20 =	sand.u32 $0x1C00, s18  }
0x14e: {  	s20 =	sor.u32 s19, s20  }
0x14f: {  	s19 =	simm.s32 $0x10;
	[tilespmem:s20+$0x6180] =	vst v0  }
.LBB2_83:
0x150: {  	p1 =	seq.s32 s19, $0x3F0  }
.Ltmp35:
0x151: {  	_ = 	snop;
	(pc) =	sbr.rel @!p1 .LBB2_83-.Ltmp35, $4  }
0x152: {  	s18 =	sadd.s32 $0x80, s18  }
0x153: {  	s20 =	sand.u32 $0x70, s19;
	s21 =	sand.u32 $0x1C00, s18  }
0x154: {  	s20 =	sor.u32 s20, s21  }
0x155: {  	s19 =	sadd.s32 $0x10, s19;
	[tilespmem:s20+$0x6180] =	vst v0  }
.LBB2_85:
0x156: {  	s18 =	simm.s32 $0x0  }
0x157: {  	s19 =	sand.u32 $0x70, s18;
	s20 =	sand.u32 $0x1C00, s18  }
0x158: {  	s20 =	sor.u32 s19, s20  }
0x159: {  	s19 =	simm.s32 $0x10;
	[tilespmem:s20+$0x6200] =	vst v0  }
.LBB2_86:
0x15a: {  	p1 =	seq.s32 s19, $0x3F0  }
.Ltmp36:
0x15b: {  	_ = 	snop;
	(pc) =	sbr.rel @!p1 .LBB2_86-.Ltmp36, $4  }
0x15c: {  	s18 =	sadd.s32 $0x80, s18  }
0x15d: {  	s20 =	sand.u32 $0x70, s19;
	s21 =	sand.u32 $0x1C00, s18  }
0x15e: {  	s20 =	sor.u32 s20, s21  }
0x15f: {  	s19 =	sadd.s32 $0x10, s19;
	[tilespmem:s20+$0x6200] =	vst v0  }
.LBB2_88:
0x160: {  	s18 =	simm.s32 $0x0  }
0x161: {  	s19 =	sand.u32 $0x70, s18;
	s20 =	sand.u32 $0x1C00, s18  }
0x162: {  	s20 =	sor.u32 s19, s20  }
0x163: {  	s19 =	simm.s32 $0x10;
	[tilespmem:s20+$0x6280] =	vst v0  }
.LBB2_89:
0x164: {  	p1 =	seq.s32 s19, $0x3F0  }
.Ltmp37:
0x165: {  	_ = 	snop;
	(pc) =	sbr.rel @!p1 .LBB2_89-.Ltmp37, $4  }
0x166: {  	s18 =	sadd.s32 $0x80, s18  }
0x167: {  	s20 =	sand.u32 $0x70, s19;
	s21 =	sand.u32 $0x1C00, s18  }
0x168: {  	s20 =	sor.u32 s20, s21  }
0x169: {  	s19 =	sadd.s32 $0x10, s19;
	[tilespmem:s20+$0x6280] =	vst v0  }
.LBB2_91:
0x16a: {  	s18 =	simm.s32 $0x0  }
0x16b: {  	s19 =	sand.u32 $0x70, s18;
	s20 =	sand.u32 $0x1C00, s18  }
0x16c: {  	s20 =	sor.u32 s19, s20  }
0x16d: {  	s19 =	simm.s32 $0x10;
	[tilespmem:s20+$0x6300] =	vst v0  }
.LBB2_92:
0x16e: {  	p1 =	seq.s32 s19, $0x3F0  }
.Ltmp38:
0x16f: {  	_ = 	snop;
	(pc) =	sbr.rel @!p1 .LBB2_92-.Ltmp38, $4  }
0x170: {  	s18 =	sadd.s32 $0x80, s18  }
0x171: {  	s20 =	sand.u32 $0x70, s19;
	s21 =	sand.u32 $0x1C00, s18  }
0x172: {  	s20 =	sor.u32 s20, s21  }
0x173: {  	s19 =	sadd.s32 $0x10, s19;
	[tilespmem:s20+$0x6300] =	vst v0  }
.LBB2_95:
0x174: {  	s18 =	simm.s32 $0x0  }
0x175: {  	s19 =	sand.u32 $0x70, s18;
	s20 =	sand.u32 $0x1C00, s18  }
0x176: {  	s20 =	sor.u32 s19, s20  }
0x177: {  	s19 =	simm.s32 $0x10;
	[tilespmem:s20+$0x6380] =	vst v0  }
.LBB2_96:
0x178: {  	p1 =	sne.s32 s19, $0x3F0  }
.Ltmp39:
0x179: {  	_ = 	snop;
	(pc) =	sbr.rel @p1 .LBB2_96-.Ltmp39, $4  }
0x17a: {  	s18 =	sadd.s32 $0x80, s18  }
0x17b: {  	s20 =	sand.u32 $0x70, s19;
	s21 =	sand.u32 $0x1C00, s18  }
0x17c: {  	s20 =	sor.u32 s20, s21  }
0x17d: {  	s19 =	sadd.s32 $0x10, s19;
	[tilespmem:s20+$0x6380] =	vst v0  }
.LBB2_97:
0x17e: {  	s18 =	simm.s32 $0x0  }
0x17f: {  	s19 =	sand.u32 $0x70, s18;
	s20 =	sand.u32 $0x1C00, s18  }
0x180: {  	s20 =	sor.u32 s19, s20  }
0x181: {  	s19 =	simm.s32 $0x10;
	[tilespmem:s20+$0x6400] =	vst v0  }
.LBB2_98:
0x182: {  	p1 =	sne.s32 s19, $0x3F0  }
.Ltmp40:
0x183: {  	_ = 	snop;
	(pc) =	sbr.rel @p1 .LBB2_98-.Ltmp40, $4  }
0x184: {  	s18 =	sadd.s32 $0x80, s18  }
0x185: {  	s20 =	sand.u32 $0x70, s19;
	s21 =	sand.u32 $0x1C00, s18  }
0x186: {  	s20 =	sor.u32 s20, s21  }
0x187: {  	s19 =	sadd.s32 $0x10, s19;
	[tilespmem:s20+$0x6400] =	vst v0  }
.LBB2_99:
0x188: {  	s18 =	simm.s32 $0x0;
	s19 =	simm.s32 $0x0  }
.LBB2_100:
0x189: {  	p1 =	sne.s32 s19, $0x3F0  }
.Ltmp41:
0x18a: {  	_ = 	snop;
	(pc) =	sbr.rel @p1 .LBB2_100-.Ltmp41, $4  }
0x18b: {  	_ = 	snop  }
0x18c: {  	s20 =	sand.u32 $0x70, s19;
	s21 =	sand.u32 $0x1C00, s18  }
0x18d: {  	s20 =	sor.u32 s20, s21  }
0x18e: {  	s18 =	sadd.s32 $0x80, s18;
	s19 =	sadd.s32 $0x10, s19;
	[tilespmem:s20+$0x6480] =	vst v0  }
0x18f: {  	s19 =	simm.s32 $0x100  }
.LBB2_102:
0x190: {  	s16 =	sshll.u32 s16, $0x13  }
0x191: {  	s17 =	sshll.u32 s17, $0x7;
	s16 =	sadd.s32 s5, s16  }
0x192: {  	s17 =	sadd.s32 s17, s16  }
0x193: {  	[hbm4b:s17+s6] =	stream.linear.scatter [tilespmem:s19], [sflag:$0x3], $0x8000, $0x38;
	[tilespmem:$0x18100] =	vst v63  }
0x194: {  	v2 =	vld [tilespmem:$0x0]  }
0x195: {  	v3 =	vld [tilespmem:$0x80];
	_ =	sdelay $0x3  }
0x196: {  	v2 =	vnsel vm0, $0x0, v2  }
0x197: {  	(xrf0) =	vadd.scan.msk.s32 $0xffff, v2;
	v2 =	vnsel vm0, $0x0, v3  }
0x198: {  	(xrf0) =	vadd.scan.msk.s32 $0xffff, v2;
	_ =	sdelay $0x4  }
0x199: {  	v2, _, _ =	vpop (xrf0)  }
0x19a: {  	(v2sf) =	vpush v2, $0xF;
	v2, _, _ =	vpop (xrf0)  }
0x19b: {  	(v2sf) =	vpush v2, $0xF;
	_ =	sdelay $0xb  }
0x19c: {  	s31 =	sshll.u32 s15, $0x6  }
0x19d: {  	s17 =	sand.u32 $0x40, s31  }
0x19e: {  	s17 =	sor.u32 s9, s17;
	s19 =	spop (v2sf)  }
0x19f: {  	s18 =	sshll.u32 s17, $0x5;
	s20 =	spop (v2sf)  }
0x1a0: {  	s18 =	ssub.s32 s20, s18;
	s20 =	simm.s32 @!p0 $0x4  }
0x1a1: {  	p1 =	slt.s32 s18, $0x1;
	_ =	swait.ge @!p0 [sflag:s20], $0x8000  }
0x1a2: {  	s19 =	sshll.u32 @!p1 s19, $0x16;
	s21 =	sshll.u32 @!p1 s17, $0xF;
	[sflag:s20] =	ssyncset.done @!p0 $0x0  }
0x1a3: {  	s19 =	sor.u32 @!p1 s21, s19;
	[sflag:s20] =	ssyncadd.s32 @!p0 $0xFFFF8000  }
0x1a4: {  	s21 =	simm.s32 @!p1 $0x0;
	p0 =	sgt.u32 @!p1 s18, $0x1F;
	s19 =	sshrl.u32 @!p1 s19, $0x3  }
0x1a5: {  	p0 =	por p1, p0;
	s20 =	sadd.s32 @!p1 s1, s19;
	s19 =	simm.s32 @!p1 $0x8100  }
0x1a6: {  	[tilespmem:s19], [sflag:$0x2] =	stream.linear.gather @!p1 [hbm4b:s20+s21], $0x8000, $0x38;
	[tilespmem:$0x18100] =	vst v63  }
.Ltmp42:
0x1a7: {  	_ = 	snop;
	(pc) =	sbr.rel @p0 .LBB2_103-.Ltmp42, $4  }
0x1a8: {  	s20 =	simm.s32 @!p1 $0x2  }
0x1a9: {  	_ =	swait.ge @!p1 [sflag:s20], $0x8000  }
0x1aa: {  	[sflag:s20] =	ssyncset.done @!p1 $0x0  }
0x1ab: {  	[sflag:s20] =	ssyncadd.s32 @!p1 $0xFFFF8000  }
0x1ac: {  	p0 =	sne.s32 s18, $0x1  }
.Ltmp43:
0x1ad: {  	_ = 	snop;
	(pc) =	sbr.rel @p0 .LBB2_107-.Ltmp43, $2  }
0x1ae: {  	_ =	sdelay $0x2  }
0x1af: {  	s19 =	simm.s32 $0x0  }
0x1b0: {  	s18 =	sand.u32 $0x70, s19;
	s20 =	sand.u32 $0x1C00, s19  }
0x1b1: {  	s20 =	sor.u32 s18, s20  }
0x1b2: {  	s18 =	sadd.s32 $0x10, s19;
	[tilespmem:s20+$0x8180] =	vst v0  }
.LBB2_106:
0x1b3: {  	p0 =	seq.s32 s18, $0x3F0  }
.Ltmp44:
0x1b4: {  	_ = 	snop;
	(pc) =	sbr.rel @!p0 .LBB2_106-.Ltmp44, $4  }
0x1b5: {  	s19 =	sadd.s32 $0x80, s19  }
0x1b6: {  	s20 =	sand.u32 $0x70, s18;
	s21 =	sand.u32 $0x1C00, s19  }
0x1b7: {  	s20 =	sor.u32 s20, s21  }
0x1b8: {  	s18 =	sadd.s32 $0x10, s18;
	[tilespmem:s20+$0x8180] =	vst v0  }
.Ltmp45:
0x1b9: {  	_ = 	snop;
	(pc) =	sbr.rel .LBB2_108-.Ltmp45, $1  }
0x1ba: {  	_ =	sdelay $0x3  }
.LBB2_107:
0x1bb: {  	p0 =	sgt.u32 s18, $0x2  }
.Ltmp46:
0x1bc: {  	_ = 	snop;
	(pc) =	sbr.rel @p0 .LBB2_110-.Ltmp46, $1  }
0x1bd: {  	_ =	sdelay $0x3  }
.LBB2_108:
0x1be: {  	s18 =	simm.s32 $0x0  }
0x1bf: {  	s19 =	sand.u32 $0x70, s18;
	s20 =	sand.u32 $0x1C00, s18  }
0x1c0: {  	s20 =	sor.u32 s19, s20  }
0x1c1: {  	s19 =	simm.s32 $0x10;
	[tilespmem:s20+$0x8200] =	vst v0  }
.LBB2_109:
0x1c2: {  	p0 =	seq.s32 s19, $0x3F0  }
.Ltmp47:
0x1c3: {  	_ = 	snop;
	(pc) =	sbr.rel @!p0 .LBB2_109-.Ltmp47, $4  }
0x1c4: {  	s18 =	sadd.s32 $0x80, s18  }
0x1c5: {  	s20 =	sand.u32 $0x70, s19;
	s21 =	sand.u32 $0x1C00, s18  }
0x1c6: {  	s20 =	sor.u32 s20, s21  }
0x1c7: {  	s19 =	sadd.s32 $0x10, s19;
	[tilespmem:s20+$0x8200] =	vst v0  }
.LBB2_111:
0x1c8: {  	s18 =	simm.s32 $0x0  }
0x1c9: {  	s19 =	sand.u32 $0x70, s18;
	s20 =	sand.u32 $0x1C00, s18  }
0x1ca: {  	s20 =	sor.u32 s19, s20  }
0x1cb: {  	s19 =	simm.s32 $0x10;
	[tilespmem:s20+$0x8280] =	vst v0  }
.LBB2_112:
0x1cc: {  	p0 =	seq.s32 s19, $0x3F0  }
.Ltmp48:
0x1cd: {  	_ = 	snop;
	(pc) =	sbr.rel @!p0 .LBB2_112-.Ltmp48, $4  }
0x1ce: {  	s18 =	sadd.s32 $0x80, s18  }
0x1cf: {  	s20 =	sand.u32 $0x70, s19;
	s21 =	sand.u32 $0x1C00, s18  }
0x1d0: {  	s20 =	sor.u32 s20, s21  }
0x1d1: {  	s19 =	sadd.s32 $0x10, s19;
	[tilespmem:s20+$0x8280] =	vst v0  }
.LBB2_114:
0x1d2: {  	s18 =	simm.s32 $0x0  }
0x1d3: {  	s19 =	sand.u32 $0x70, s18;
	s20 =	sand.u32 $0x1C00, s18  }
0x1d4: {  	s20 =	sor.u32 s19, s20  }
0x1d5: {  	s19 =	simm.s32 $0x10;
	[tilespmem:s20+$0x8300] =	vst v0  }
.LBB2_115:
0x1d6: {  	p0 =	seq.s32 s19, $0x3F0  }
.Ltmp49:
0x1d7: {  	_ = 	snop;
	(pc) =	sbr.rel @!p0 .LBB2_115-.Ltmp49, $4  }
0x1d8: {  	s18 =	sadd.s32 $0x80, s18  }
0x1d9: {  	s20 =	sand.u32 $0x70, s19;
	s21 =	sand.u32 $0x1C00, s18  }
0x1da: {  	s20 =	sor.u32 s20, s21  }
0x1db: {  	s19 =	sadd.s32 $0x10, s19;
	[tilespmem:s20+$0x8300] =	vst v0  }
.LBB2_117:
0x1dc: {  	s18 =	simm.s32 $0x0  }
0x1dd: {  	s19 =	sand.u32 $0x70, s18;
	s20 =	sand.u32 $0x1C00, s18  }
0x1de: {  	s20 =	sor.u32 s19, s20  }
0x1df: {  	s19 =	simm.s32 $0x10;
	[tilespmem:s20+$0x8380] =	vst v0  }
.LBB2_118:
0x1e0: {  	p0 =	seq.s32 s19, $0x3F0  }
.Ltmp50:
0x1e1: {  	_ = 	snop;
	(pc) =	sbr.rel @!p0 .LBB2_118-.Ltmp50, $4  }
0x1e2: {  	s18 =	sadd.s32 $0x80, s18  }
0x1e3: {  	s20 =	sand.u32 $0x70, s19;
	s21 =	sand.u32 $0x1C00, s18  }
0x1e4: {  	s20 =	sor.u32 s20, s21  }
0x1e5: {  	s19 =	sadd.s32 $0x10, s19;
	[tilespmem:s20+$0x8380] =	vst v0  }
.LBB2_120:
0x1e6: {  	s18 =	simm.s32 $0x0  }
0x1e7: {  	s19 =	sand.u32 $0x70, s18;
	s20 =	sand.u32 $0x1C00, s18  }
0x1e8: {  	s20 =	sor.u32 s19, s20  }
0x1e9: {  	s19 =	simm.s32 $0x10;
	[tilespmem:s20+$0x8400] =	vst v0  }
.LBB2_121:
0x1ea: {  	p0 =	seq.s32 s19, $0x3F0  }
.Ltmp51:
0x1eb: {  	_ = 	snop;
	(pc) =	sbr.rel @!p0 .LBB2_121-.Ltmp51, $4  }
0x1ec: {  	s18 =	sadd.s32 $0x80, s18  }
0x1ed: {  	s20 =	sand.u32 $0x70, s19;
	s21 =	sand.u32 $0x1C00, s18  }
0x1ee: {  	s20 =	sor.u32 s20, s21  }
0x1ef: {  	s19 =	sadd.s32 $0x10, s19;
	[tilespmem:s20+$0x8400] =	vst v0  }
.LBB2_123:
0x1f0: {  	s18 =	simm.s32 $0x0  }
0x1f1: {  	s20 =	sor.u32 s18, s18  }
0x1f2: {  	s19 =	simm.s32 $0x10;
	s20 =	sor.u32 $0x380, s20  }
.LBB2_124:
0x1f3: {  	p0 =	seq.s32 s19, $0x3F0  }
0x1f4: {  	[tilespmem:s20+$0x8100] =	vst v0;
	s18 =	sadd.s32 $0x80, s18;
	s20 =	smov.u32 s19;
	s19 =	sadd.s32 $0x10, s19  }
.Ltmp52:
0x1f5: {  	(pc) =	sbr.rel @!p0 .LBB2_124-.Ltmp52, $3  }
0x1f6: {  	_ =	sdelay $0x1  }
0x1f7: {  	s20 =	sor.u32 s18, s20  }
0x1f8: {  	s20 =	sor.u32 $0x380, s20  }
0x1f9: {  	[tilespmem:s20+$0x8100] =	vst v0  }
.LBB2_127:
0x1fa: {  	s18 =	simm.s32 $0x0  }
0x1fb: {  	s19 =	sand.u32 $0x70, s18;
	s20 =	sand.u32 $0x1C00, s18  }
0x1fc: {  	s20 =	sor.u32 s19, s20  }
0x1fd: {  	s19 =	simm.s32 $0x10;
	[tilespmem:s20+$0xA100] =	vst v0  }
.LBB2_128:
0x1fe: {  	p0 =	seq.s32 s19, $0x3F0  }
.Ltmp53:
0x1ff: {  	_ = 	snop;
	(pc) =	sbr.rel @!p0 .LBB2_128-.Ltmp53, $4  }
0x200: {  	s18 =	sadd.s32 $0x80, s18  }
0x201: {  	s20 =	sand.u32 $0x70, s19;
	s21 =	sand.u32 $0x1C00, s18  }
0x202: {  	s20 =	sor.u32 s20, s21  }
0x203: {  	s19 =	sadd.s32 $0x10, s19;
	[tilespmem:s20+$0xA100] =	vst v0  }
.LBB2_130:
0x204: {  	s18 =	simm.s32 $0x0  }
0x205: {  	s19 =	sand.u32 $0x70, s18;
	s20 =	sand.u32 $0x1C00, s18  }
0x206: {  	s20 =	sor.u32 s19, s20  }
0x207: {  	s19 =	simm.s32 $0x10;
	[tilespmem:s20+$0xA180] =	vst v0  }
.LBB2_131:
0x208: {  	p0 =	seq.s32 s19, $0x3F0  }
.Ltmp54:
0x209: {  	_ = 	snop;
	(pc) =	sbr.rel @!p0 .LBB2_131-.Ltmp54, $4  }
0x20a: {  	s18 =	sadd.s32 $0x80, s18  }
0x20b: {  	s20 =	sand.u32 $0x70, s19;
	s21 =	sand.u32 $0x1C00, s18  }
0x20c: {  	s20 =	sor.u32 s20, s21  }
0x20d: {  	s19 =	sadd.s32 $0x10, s19;
	[tilespmem:s20+$0xA180] =	vst v0  }
.LBB2_133:
0x20e: {  	s18 =	simm.s32 $0x0  }
0x20f: {  	s19 =	sand.u32 $0x70, s18;
	s20 =	sand.u32 $0x1C00, s18  }
0x210: {  	s20 =	sor.u32 s19, s20  }
0x211: {  	s19 =	simm.s32 $0x10;
	[tilespmem:s20+$0xA200] =	vst v0  }
.LBB2_134:
0x212: {  	p0 =	seq.s32 s19, $0x3F0  }
.Ltmp55:
0x213: {  	_ = 	snop;
	(pc) =	sbr.rel @!p0 .LBB2_134-.Ltmp55, $4  }
0x214: {  	s18 =	sadd.s32 $0x80, s18  }
0x215: {  	s20 =	sand.u32 $0x70, s19;
	s21 =	sand.u32 $0x1C00, s18  }
0x216: {  	s20 =	sor.u32 s20, s21  }
0x217: {  	s19 =	sadd.s32 $0x10, s19;
	[tilespmem:s20+$0xA200] =	vst v0  }
.LBB2_136:
0x218: {  	s18 =	simm.s32 $0x0  }
0x219: {  	s19 =	sand.u32 $0x70, s18;
	s20 =	sand.u32 $0x1C00, s18  }
0x21a: {  	s20 =	sor.u32 s19, s20  }
0x21b: {  	s19 =	simm.s32 $0x10;
	[tilespmem:s20+$0xA280] =	vst v0  }
.LBB2_137:
0x21c: {  	p0 =	seq.s32 s19, $0x3F0  }
.Ltmp56:
0x21d: {  	_ = 	snop;
	(pc) =	sbr.rel @!p0 .LBB2_137-.Ltmp56, $4  }
0x21e: {  	s18 =	sadd.s32 $0x80, s18  }
0x21f: {  	s20 =	sand.u32 $0x70, s19;
	s21 =	sand.u32 $0x1C00, s18  }
0x220: {  	s20 =	sor.u32 s20, s21  }
0x221: {  	s19 =	sadd.s32 $0x10, s19;
	[tilespmem:s20+$0xA280] =	vst v0  }
.LBB2_139:
0x222: {  	s18 =	simm.s32 $0x0  }
0x223: {  	s19 =	sand.u32 $0x70, s18;
	s20 =	sand.u32 $0x1C00, s18  }
0x224: {  	s20 =	sor.u32 s19, s20  }
0x225: {  	s19 =	simm.s32 $0x10;
	[tilespmem:s20+$0xA300] =	vst v0  }
.LBB2_140:
0x226: {  	p0 =	seq.s32 s19, $0x3F0  }
.Ltmp57:
0x227: {  	_ = 	snop;
	(pc) =	sbr.rel @!p0 .LBB2_140-.Ltmp57, $4  }
0x228: {  	s18 =	sadd.s32 $0x80, s18  }
0x229: {  	s20 =	sand.u32 $0x70, s19;
	s21 =	sand.u32 $0x1C00, s18  }
0x22a: {  	s20 =	sor.u32 s20, s21  }
0x22b: {  	s19 =	sadd.s32 $0x10, s19;
	[tilespmem:s20+$0xA300] =	vst v0  }
.LBB2_142:
0x22c: {  	s18 =	simm.s32 $0x0  }
0x22d: {  	s19 =	sand.u32 $0x70, s18;
	s20 =	sand.u32 $0x1C00, s18  }
0x22e: {  	s20 =	sor.u32 s19, s20  }
0x22f: {  	s19 =	simm.s32 $0x10;
	[tilespmem:s20+$0xA380] =	vst v0  }
.LBB2_143:
0x230: {  	p0 =	seq.s32 s19, $0x3F0  }
.Ltmp58:
0x231: {  	_ = 	snop;
	(pc) =	sbr.rel @!p0 .LBB2_143-.Ltmp58, $4  }
0x232: {  	s18 =	sadd.s32 $0x80, s18  }
0x233: {  	s20 =	sand.u32 $0x70, s19;
	s21 =	sand.u32 $0x1C00, s18  }
0x234: {  	s20 =	sor.u32 s20, s21  }
0x235: {  	s19 =	sadd.s32 $0x10, s19;
	[tilespmem:s20+$0xA380] =	vst v0  }
.LBB2_145:
0x236: {  	s18 =	simm.s32 $0x0  }
0x237: {  	s19 =	sand.u32 $0x70, s18;
	s20 =	sand.u32 $0x1C00, s18  }
0x238: {  	s20 =	sor.u32 s19, s20  }
0x239: {  	s19 =	simm.s32 $0x10;
	[tilespmem:s20+$0xA400] =	vst v0  }
.LBB2_146:
0x23a: {  	p0 =	seq.s32 s19, $0x3F0  }
.Ltmp59:
0x23b: {  	_ = 	snop;
	(pc) =	sbr.rel @!p0 .LBB2_146-.Ltmp59, $4  }
0x23c: {  	s18 =	sadd.s32 $0x80, s18  }
0x23d: {  	s20 =	sand.u32 $0x70, s19;
	s21 =	sand.u32 $0x1C00, s18  }
0x23e: {  	s20 =	sor.u32 s20, s21  }
0x23f: {  	s19 =	sadd.s32 $0x10, s19;
	[tilespmem:s20+$0xA400] =	vst v0  }
.LBB2_148:
0x240: {  	s18 =	simm.s32 $0x0  }
0x241: {  	s19 =	sand.u32 $0x70, s18;
	s20 =	sand.u32 $0x1C00, s18  }
0x242: {  	s20 =	sor.u32 s19, s20  }
0x243: {  	s19 =	simm.s32 $0x10;
	[tilespmem:s20+$0xA480] =	vst v0  }
.LBB2_149:
0x244: {  	p0 =	seq.s32 s19, $0x3F0  }
.Ltmp60:
0x245: {  	_ = 	snop;
	(pc) =	sbr.rel @!p0 .LBB2_149-.Ltmp60, $4  }
0x246: {  	s18 =	sadd.s32 $0x80, s18  }
0x247: {  	s20 =	sand.u32 $0x70, s19;
	s21 =	sand.u32 $0x1C00, s18  }
0x248: {  	s20 =	sor.u32 s20, s21  }
0x249: {  	s19 =	sadd.s32 $0x10, s19;
	[tilespmem:s20+$0xA480] =	vst v0  }
.LBB2_151:
0x24a: {  	s18 =	simm.s32 $0x0  }
0x24b: {  	s19 =	sand.u32 $0x70, s18;
	s20 =	sand.u32 $0x1C00, s18  }
0x24c: {  	s20 =	sor.u32 s19, s20  }
0x24d: {  	s19 =	simm.s32 $0x10;
	[tilespmem:s20+$0xC100] =	vst v0  }
.LBB2_152:
0x24e: {  	p0 =	seq.s32 s19, $0x3F0  }
.Ltmp61:
0x24f: {  	_ = 	snop;
	(pc) =	sbr.rel @!p0 .LBB2_152-.Ltmp61, $4  }
0x250: {  	s18 =	sadd.s32 $0x80, s18  }
0x251: {  	s20 =	sand.u32 $0x70, s19;
	s21 =	sand.u32 $0x1C00, s18  }
0x252: {  	s20 =	sor.u32 s20, s21  }
0x253: {  	s19 =	sadd.s32 $0x10, s19;
	[tilespmem:s20+$0xC100] =	vst v0  }
.LBB2_154:
0x254: {  	s18 =	simm.s32 $0x0  }
0x255: {  	s19 =	sand.u32 $0x70, s18;
	s20 =	sand.u32 $0x1C00, s18  }
0x256: {  	s20 =	sor.u32 s19, s20  }
0x257: {  	s19 =	simm.s32 $0x10;
	[tilespmem:s20+$0xC180] =	vst v0  }
.LBB2_155:
0x258: {  	p0 =	seq.s32 s19, $0x3F0  }
.Ltmp62:
0x259: {  	_ = 	snop;
	(pc) =	sbr.rel @!p0 .LBB2_155-.Ltmp62, $4  }
0x25a: {  	s18 =	sadd.s32 $0x80, s18  }
0x25b: {  	s20 =	sand.u32 $0x70, s19;
	s21 =	sand.u32 $0x1C00, s18  }
0x25c: {  	s20 =	sor.u32 s20, s21  }
0x25d: {  	s19 =	sadd.s32 $0x10, s19;
	[tilespmem:s20+$0xC180] =	vst v0  }
.LBB2_157:
0x25e: {  	s18 =	simm.s32 $0x0  }
0x25f: {  	s19 =	sand.u32 $0x70, s18;
	s20 =	sand.u32 $0x1C00, s18  }
0x260: {  	s20 =	sor.u32 s19, s20  }
0x261: {  	s19 =	simm.s32 $0x10;
	[tilespmem:s20+$0xC200] =	vst v0  }
.LBB2_158:
0x262: {  	p0 =	seq.s32 s19, $0x3F0  }
.Ltmp63:
0x263: {  	_ = 	snop;
	(pc) =	sbr.rel @!p0 .LBB2_158-.Ltmp63, $4  }
0x264: {  	s18 =	sadd.s32 $0x80, s18  }
0x265: {  	s20 =	sand.u32 $0x70, s19;
	s21 =	sand.u32 $0x1C00, s18  }
0x266: {  	s20 =	sor.u32 s20, s21  }
0x267: {  	s19 =	sadd.s32 $0x10, s19;
	[tilespmem:s20+$0xC200] =	vst v0  }
.LBB2_160:
0x268: {  	s18 =	simm.s32 $0x0  }
0x269: {  	s19 =	sand.u32 $0x70, s18;
	s20 =	sand.u32 $0x1C00, s18  }
0x26a: {  	s20 =	sor.u32 s19, s20  }
0x26b: {  	s19 =	simm.s32 $0x10;
	[tilespmem:s20+$0xC280] =	vst v0  }
.LBB2_161:
0x26c: {  	p0 =	seq.s32 s19, $0x3F0  }
.Ltmp64:
0x26d: {  	_ = 	snop;
	(pc) =	sbr.rel @!p0 .LBB2_161-.Ltmp64, $4  }
0x26e: {  	s18 =	sadd.s32 $0x80, s18  }
0x26f: {  	s20 =	sand.u32 $0x70, s19;
	s21 =	sand.u32 $0x1C00, s18  }
0x270: {  	s20 =	sor.u32 s20, s21  }
0x271: {  	s19 =	sadd.s32 $0x10, s19;
	[tilespmem:s20+$0xC280] =	vst v0  }
.LBB2_163:
0x272: {  	s18 =	simm.s32 $0x0  }
0x273: {  	s19 =	sand.u32 $0x70, s18;
	s20 =	sand.u32 $0x1C00, s18  }
0x274: {  	s20 =	sor.u32 s19, s20  }
0x275: {  	s19 =	simm.s32 $0x10;
	[tilespmem:s20+$0xC300] =	vst v0  }
.LBB2_164:
0x276: {  	p0 =	seq.s32 s19, $0x3F0  }
.Ltmp65:
0x277: {  	_ = 	snop;
	(pc) =	sbr.rel @!p0 .LBB2_164-.Ltmp65, $4  }
0x278: {  	s18 =	sadd.s32 $0x80, s18  }
0x279: {  	s20 =	sand.u32 $0x70, s19;
	s21 =	sand.u32 $0x1C00, s18  }
0x27a: {  	s20 =	sor.u32 s20, s21  }
0x27b: {  	s19 =	sadd.s32 $0x10, s19;
	[tilespmem:s20+$0xC300] =	vst v0  }
.LBB2_166:
0x27c: {  	s18 =	simm.s32 $0x0  }
0x27d: {  	s19 =	sand.u32 $0x70, s18;
	s20 =	sand.u32 $0x1C00, s18  }
0x27e: {  	s20 =	sor.u32 s19, s20  }
0x27f: {  	s19 =	simm.s32 $0x10;
	[tilespmem:s20+$0xC380] =	vst v0  }
.LBB2_167:
0x280: {  	p0 =	seq.s32 s19, $0x3F0  }
.Ltmp66:
0x281: {  	_ = 	snop;
	(pc) =	sbr.rel @!p0 .LBB2_167-.Ltmp66, $4  }
0x282: {  	s18 =	sadd.s32 $0x80, s18  }
0x283: {  	s20 =	sand.u32 $0x70, s19;
	s21 =	sand.u32 $0x1C00, s18  }
0x284: {  	s20 =	sor.u32 s20, s21  }
0x285: {  	s19 =	sadd.s32 $0x10, s19;
	[tilespmem:s20+$0xC380] =	vst v0  }
.LBB2_169:
0x286: {  	s18 =	simm.s32 $0x0  }
0x287: {  	s19 =	sand.u32 $0x70, s18;
	s20 =	sand.u32 $0x1C00, s18  }
0x288: {  	s20 =	sor.u32 s19, s20  }
0x289: {  	s19 =	simm.s32 $0x10;
	[tilespmem:s20+$0xC400] =	vst v0  }
.LBB2_170:
0x28a: {  	p0 =	seq.s32 s19, $0x3F0  }
.Ltmp67:
0x28b: {  	_ = 	snop;
	(pc) =	sbr.rel @!p0 .LBB2_170-.Ltmp67, $4  }
0x28c: {  	s18 =	sadd.s32 $0x80, s18  }
0x28d: {  	s20 =	sand.u32 $0x70, s19;
	s21 =	sand.u32 $0x1C00, s18  }
0x28e: {  	s20 =	sor.u32 s20, s21  }
0x28f: {  	s19 =	sadd.s32 $0x10, s19;
	[tilespmem:s20+$0xC400] =	vst v0  }
.LBB2_172:
0x290: {  	s18 =	simm.s32 $0x0  }
0x291: {  	s19 =	sand.u32 $0x70, s18;
	s20 =	sand.u32 $0x1C00, s18  }
0x292: {  	s20 =	sor.u32 s19, s20  }
0x293: {  	s19 =	simm.s32 $0x10;
	[tilespmem:s20+$0xC480] =	vst v0  }
.LBB2_173:
0x294: {  	p0 =	seq.s32 s19, $0x3F0  }
.Ltmp68:
0x295: {  	_ = 	snop;
	(pc) =	sbr.rel @!p0 .LBB2_173-.Ltmp68, $4  }
0x296: {  	s18 =	sadd.s32 $0x80, s18  }
0x297: {  	s20 =	sand.u32 $0x70, s19;
	s21 =	sand.u32 $0x1C00, s18  }
0x298: {  	s20 =	sor.u32 s20, s21  }
0x299: {  	s19 =	sadd.s32 $0x10, s19;
	[tilespmem:s20+$0xC480] =	vst v0  }
.LBB2_175:
0x29a: {  	s18 =	simm.s32 $0x0  }
0x29b: {  	s19 =	sand.u32 $0x70, s18;
	s20 =	sand.u32 $0x1C00, s18  }
0x29c: {  	s20 =	sor.u32 s19, s20  }
0x29d: {  	s19 =	simm.s32 $0x10;
	[tilespmem:s20+$0xE100] =	vst v0  }
.LBB2_176:
0x29e: {  	p0 =	seq.s32 s19, $0x3F0  }
.Ltmp69:
0x29f: {  	_ = 	snop;
	(pc) =	sbr.rel @!p0 .LBB2_176-.Ltmp69, $4  }
0x2a0: {  	s18 =	sadd.s32 $0x80, s18  }
0x2a1: {  	s20 =	sand.u32 $0x70, s19;
	s21 =	sand.u32 $0x1C00, s18  }
0x2a2: {  	s20 =	sor.u32 s20, s21  }
0x2a3: {  	s19 =	sadd.s32 $0x10, s19;
	[tilespmem:s20+$0xE100] =	vst v0  }
.LBB2_178:
0x2a4: {  	s18 =	simm.s32 $0x0  }
0x2a5: {  	s19 =	sand.u32 $0x70, s18;
	s20 =	sand.u32 $0x1C00, s18  }
0x2a6: {  	s20 =	sor.u32 s19, s20  }
0x2a7: {  	s19 =	simm.s32 $0x10;
	[tilespmem:s20+$0xE180] =	vst v0  }
.LBB2_179:
0x2a8: {  	p0 =	seq.s32 s19, $0x3F0  }
.Ltmp70:
0x2a9: {  	_ = 	snop;
	(pc) =	sbr.rel @!p0 .LBB2_179-.Ltmp70, $4  }
0x2aa: {  	s18 =	sadd.s32 $0x80, s18  }
0x2ab: {  	s20 =	sand.u32 $0x70, s19;
	s21 =	sand.u32 $0x1C00, s18  }
0x2ac: {  	s20 =	sor.u32 s20, s21  }
0x2ad: {  	s19 =	sadd.s32 $0x10, s19;
	[tilespmem:s20+$0xE180] =	vst v0  }
.LBB2_181:
0x2ae: {  	s18 =	simm.s32 $0x0  }
0x2af: {  	s19 =	sand.u32 $0x70, s18;
	s20 =	sand.u32 $0x1C00, s18  }
0x2b0: {  	s20 =	sor.u32 s19, s20  }
0x2b1: {  	s19 =	simm.s32 $0x10;
	[tilespmem:s20+$0xE200] =	vst v0  }
.LBB2_182:
0x2b2: {  	p0 =	seq.s32 s19, $0x3F0  }
.Ltmp71:
0x2b3: {  	_ = 	snop;
	(pc) =	sbr.rel @!p0 .LBB2_182-.Ltmp71, $4  }
0x2b4: {  	s18 =	sadd.s32 $0x80, s18  }
0x2b5: {  	s20 =	sand.u32 $0x70, s19;
	s21 =	sand.u32 $0x1C00, s18  }
0x2b6: {  	s20 =	sor.u32 s20, s21  }
0x2b7: {  	s19 =	sadd.s32 $0x10, s19;
	[tilespmem:s20+$0xE200] =	vst v0  }
.LBB2_184:
0x2b8: {  	s18 =	simm.s32 $0x0  }
0x2b9: {  	s19 =	sand.u32 $0x70, s18;
	s20 =	sand.u32 $0x1C00, s18  }
0x2ba: {  	s20 =	sor.u32 s19, s20  }
0x2bb: {  	s19 =	simm.s32 $0x10;
	[tilespmem:s20+$0xE280] =	vst v0  }
.LBB2_185:
0x2bc: {  	p0 =	seq.s32 s19, $0x3F0  }
.Ltmp72:
0x2bd: {  	_ = 	snop;
	(pc) =	sbr.rel @!p0 .LBB2_185-.Ltmp72, $4  }
0x2be: {  	s18 =	sadd.s32 $0x80, s18  }
0x2bf: {  	s20 =	sand.u32 $0x70, s19;
	s21 =	sand.u32 $0x1C00, s18  }
0x2c0: {  	s20 =	sor.u32 s20, s21  }
0x2c1: {  	s19 =	sadd.s32 $0x10, s19;
	[tilespmem:s20+$0xE280] =	vst v0  }
.LBB2_187:
0x2c2: {  	s18 =	simm.s32 $0x0  }
0x2c3: {  	s19 =	sand.u32 $0x70, s18;
	s20 =	sand.u32 $0x1C00, s18  }
0x2c4: {  	s20 =	sor.u32 s19, s20  }
0x2c5: {  	s19 =	simm.s32 $0x10;
	[tilespmem:s20+$0xE300] =	vst v0  }
.LBB2_188:
0x2c6: {  	p0 =	seq.s32 s19, $0x3F0  }
.Ltmp73:
0x2c7: {  	_ = 	snop;
	(pc) =	sbr.rel @!p0 .LBB2_188-.Ltmp73, $4  }
0x2c8: {  	s18 =	sadd.s32 $0x80, s18  }
0x2c9: {  	s20 =	sand.u32 $0x70, s19;
	s21 =	sand.u32 $0x1C00, s18  }
0x2ca: {  	s20 =	sor.u32 s20, s21  }
0x2cb: {  	s19 =	sadd.s32 $0x10, s19;
	[tilespmem:s20+$0xE300] =	vst v0  }
.LBB2_191:
0x2cc: {  	s18 =	simm.s32 $0x0  }
0x2cd: {  	s19 =	sand.u32 $0x70, s18;
	s20 =	sand.u32 $0x1C00, s18  }
0x2ce: {  	s20 =	sor.u32 s19, s20  }
0x2cf: {  	s19 =	simm.s32 $0x10;
	[tilespmem:s20+$0xE380] =	vst v0  }
.LBB2_192:
0x2d0: {  	p0 =	sne.s32 s19, $0x3F0  }
.Ltmp74:
0x2d1: {  	_ = 	snop;
	(pc) =	sbr.rel @p0 .LBB2_192-.Ltmp74, $4  }
0x2d2: {  	s18 =	sadd.s32 $0x80, s18  }
0x2d3: {  	s20 =	sand.u32 $0x70, s19;
	s21 =	sand.u32 $0x1C00, s18  }
0x2d4: {  	s20 =	sor.u32 s20, s21  }
0x2d5: {  	s19 =	sadd.s32 $0x10, s19;
	[tilespmem:s20+$0xE380] =	vst v0  }
.LBB2_193:
0x2d6: {  	s18 =	simm.s32 $0x0  }
0x2d7: {  	s19 =	sand.u32 $0x70, s18;
	s20 =	sand.u32 $0x1C00, s18  }
0x2d8: {  	s20 =	sor.u32 s19, s20  }
0x2d9: {  	s19 =	simm.s32 $0x10;
	[tilespmem:s20+$0xE400] =	vst v0  }
.LBB2_194:
0x2da: {  	p0 =	sne.s32 s19, $0x3F0  }
.Ltmp75:
0x2db: {  	_ = 	snop;
	(pc) =	sbr.rel @p0 .LBB2_194-.Ltmp75, $4  }
0x2dc: {  	s18 =	sadd.s32 $0x80, s18  }
0x2dd: {  	s20 =	sand.u32 $0x70, s19;
	s21 =	sand.u32 $0x1C00, s18  }
0x2de: {  	s20 =	sor.u32 s20, s21  }
0x2df: {  	s19 =	sadd.s32 $0x10, s19;
	[tilespmem:s20+$0xE400] =	vst v0  }
.LBB2_195:
0x2e0: {  	s18 =	simm.s32 $0x0;
	s19 =	simm.s32 $0x0  }
.LBB2_196:
0x2e1: {  	p0 =	sne.s32 s19, $0x3F0  }
.Ltmp76:
0x2e2: {  	_ = 	snop;
	(pc) =	sbr.rel @p0 .LBB2_196-.Ltmp76, $4  }
0x2e3: {  	_ = 	snop  }
0x2e4: {  	s20 =	sand.u32 $0x70, s19;
	s21 =	sand.u32 $0x1C00, s18  }
0x2e5: {  	s20 =	sor.u32 s20, s21  }
0x2e6: {  	s18 =	sadd.s32 $0x80, s18;
	s19 =	sadd.s32 $0x10, s19;
	[tilespmem:s20+$0xE480] =	vst v0  }
.Ltmp77:
0x2e7: {  	(pc) =	sbr.rel .LBB2_198-.Ltmp77, $2  }
0x2e8: {  	_ =	sdelay $0x2  }
0x2e9: {  	s19 =	simm.s32 $0x8100  }
.LBB2_14:
0x2ea: {  	p1 =	sne.s32 s18, $0x3  }
.Ltmp78:
0x2eb: {  	_ = 	snop;
	(pc) =	sbr.rel @!p1 .LBB2_15-.Ltmp78, $1  }
0x2ec: {  	_ =	sdelay $0x3  }
0x2ed: {  	p1 =	sgt.u32 s18, $0x4  }
.Ltmp79:
0x2ee: {  	_ = 	snop;
	(pc) =	sbr.rel @!p1 .LBB2_18-.Ltmp79, $1  }
0x2ef: {  	_ =	sdelay $0x3  }
0x2f0: {  	p1 =	sne.s32 s18, $0x5  }
.Ltmp80:
0x2f1: {  	_ = 	snop;
	(pc) =	sbr.rel @!p1 .LBB2_21-.Ltmp80, $1  }
0x2f2: {  	_ =	sdelay $0x3  }
0x2f3: {  	p1 =	sgt.u32 s18, $0x6  }
.Ltmp81:
0x2f4: {  	_ = 	snop;
	(pc) =	sbr.rel @!p1 .LBB2_24-.Ltmp81, $1  }
0x2f5: {  	_ =	sdelay $0x3  }
0x2f6: {  	p1 =	sne.s32 s18, $0x7  }
.Ltmp82:
0x2f7: {  	_ = 	snop;
	(pc) =	sbr.rel @!p1 .LBB2_27-.Ltmp82, $1  }
0x2f8: {  	_ =	sdelay $0x3  }
0x2f9: {  	p1 =	sgt.u32 s18, $0x8  }
.Ltmp83:
0x2fa: {  	_ = 	snop;
	(pc) =	sbr.rel @!p1 .LBB2_31-.Ltmp83, $1  }
0x2fb: {  	_ =	sdelay $0x3  }
0x2fc: {  	p1 =	sne.s32 s18, $0x9  }
.Ltmp84:
0x2fd: {  	_ = 	snop;
	(pc) =	sbr.rel @!p1 .LBB2_34-.Ltmp84, $1  }
0x2fe: {  	_ =	sdelay $0x3  }
0x2ff: {  	p1 =	sgt.u32 s18, $0xA  }
.Ltmp85:
0x300: {  	_ = 	snop;
	(pc) =	sbr.rel @!p1 .LBB2_37-.Ltmp85, $1  }
0x301: {  	_ =	sdelay $0x3  }
0x302: {  	p1 =	sne.s32 s18, $0xB  }
.Ltmp86:
0x303: {  	_ = 	snop;
	(pc) =	sbr.rel @!p1 .LBB2_40-.Ltmp86, $1  }
0x304: {  	_ =	sdelay $0x3  }
0x305: {  	p1 =	sgt.u32 s18, $0xC  }
.Ltmp87:
0x306: {  	_ = 	snop;
	(pc) =	sbr.rel @!p1 .LBB2_43-.Ltmp87, $1  }
0x307: {  	_ =	sdelay $0x3  }
0x308: {  	p1 =	sne.s32 s18, $0xD  }
.Ltmp88:
0x309: {  	_ = 	snop;
	(pc) =	sbr.rel @!p1 .LBB2_46-.Ltmp88, $1  }
0x30a: {  	_ =	sdelay $0x3  }
0x30b: {  	p1 =	sgt.u32 s18, $0xE  }
.Ltmp89:
0x30c: {  	_ = 	snop;
	(pc) =	sbr.rel @!p1 .LBB2_49-.Ltmp89, $1  }
0x30d: {  	_ =	sdelay $0x3  }
0x30e: {  	p1 =	sne.s32 s18, $0xF  }
.Ltmp90:
0x30f: {  	_ = 	snop;
	(pc) =	sbr.rel @!p1 .LBB2_52-.Ltmp90, $1  }
0x310: {  	_ =	sdelay $0x3  }
0x311: {  	p1 =	sgt.u32 s18, $0x10  }
.Ltmp91:
0x312: {  	_ = 	snop;
	(pc) =	sbr.rel @!p1 .LBB2_55-.Ltmp91, $1  }
0x313: {  	_ =	sdelay $0x3  }
0x314: {  	p1 =	sne.s32 s18, $0x11  }
.Ltmp92:
0x315: {  	_ = 	snop;
	(pc) =	sbr.rel @!p1 .LBB2_58-.Ltmp92, $1  }
0x316: {  	_ =	sdelay $0x3  }
0x317: {  	p1 =	sgt.u32 s18, $0x12  }
.Ltmp93:
0x318: {  	_ = 	snop;
	(pc) =	sbr.rel @!p1 .LBB2_61-.Ltmp93, $1  }
0x319: {  	_ =	sdelay $0x3  }
0x31a: {  	p1 =	sne.s32 s18, $0x13  }
.Ltmp94:
0x31b: {  	_ = 	snop;
	(pc) =	sbr.rel @!p1 .LBB2_64-.Ltmp94, $1  }
0x31c: {  	_ =	sdelay $0x3  }
0x31d: {  	p1 =	sgt.u32 s18, $0x14  }
.Ltmp95:
0x31e: {  	_ = 	snop;
	(pc) =	sbr.rel @!p1 .LBB2_67-.Ltmp95, $1  }
0x31f: {  	_ =	sdelay $0x3  }
0x320: {  	p1 =	sne.s32 s18, $0x15  }
.Ltmp96:
0x321: {  	_ = 	snop;
	(pc) =	sbr.rel @!p1 .LBB2_70-.Ltmp96, $1  }
0x322: {  	_ =	sdelay $0x3  }
0x323: {  	p1 =	sgt.u32 s18, $0x16  }
.Ltmp97:
0x324: {  	_ = 	snop;
	(pc) =	sbr.rel @!p1 .LBB2_73-.Ltmp97, $1  }
0x325: {  	_ =	sdelay $0x3  }
0x326: {  	p1 =	sne.s32 s18, $0x17  }
.Ltmp98:
0x327: {  	_ = 	snop;
	(pc) =	sbr.rel @!p1 .LBB2_76-.Ltmp98, $1  }
0x328: {  	_ =	sdelay $0x3  }
0x329: {  	p1 =	sgt.u32 s18, $0x18  }
.Ltmp99:
0x32a: {  	_ = 	snop;
	(pc) =	sbr.rel @!p1 .LBB2_79-.Ltmp99, $1  }
0x32b: {  	_ =	sdelay $0x3  }
0x32c: {  	p1 =	sne.s32 s18, $0x19  }
.Ltmp100:
0x32d: {  	_ = 	snop;
	(pc) =	sbr.rel @!p1 .LBB2_82-.Ltmp100, $1  }
0x32e: {  	_ =	sdelay $0x3  }
0x32f: {  	p1 =	sgt.u32 s18, $0x1A  }
.Ltmp101:
0x330: {  	_ = 	snop;
	(pc) =	sbr.rel @!p1 .LBB2_85-.Ltmp101, $1  }
0x331: {  	_ =	sdelay $0x3  }
0x332: {  	p1 =	sne.s32 s18, $0x1B  }
.Ltmp102:
0x333: {  	_ = 	snop;
	(pc) =	sbr.rel @!p1 .LBB2_88-.Ltmp102, $1  }
0x334: {  	_ =	sdelay $0x3  }
0x335: {  	p1 =	sgt.u32 s18, $0x1C  }
.Ltmp103:
0x336: {  	_ = 	snop;
	(pc) =	sbr.rel @!p1 .LBB2_91-.Ltmp103, $1  }
0x337: {  	_ =	sdelay $0x3  }
0x338: {  	p1 =	seq.s32 s18, $0x1F  }
.Ltmp104:
0x339: {  	_ = 	snop;
	(pc) =	sbr.rel @p1 .LBB2_99-.Ltmp104, $1  }
0x33a: {  	_ =	sdelay $0x3  }
0x33b: {  	p1 =	sne.s32 s18, $0x1D  }
.Ltmp105:
0x33c: {  	_ = 	snop;
	(pc) =	sbr.rel @!p1 .LBB2_95-.Ltmp105, $4  }
.Ltmp106:
0x33d: {  	_ = 	snop;
	(pc) =	sbr.rel @p1 .LBB2_97-.Ltmp106, $4  }
0x33e: {  	_ = 	snop  }
0x33f: {  	_ = 	snop  }
0x340: {  	_ = 	snop  }
0x341: {  	_ = 	snop  }
.LBB2_110:
0x342: {  	p0 =	sne.s32 s18, $0x3  }
.Ltmp107:
0x343: {  	_ = 	snop;
	(pc) =	sbr.rel @!p0 .LBB2_111-.Ltmp107, $1  }
0x344: {  	_ =	sdelay $0x3  }
0x345: {  	p0 =	sgt.u32 s18, $0x4  }
.Ltmp108:
0x346: {  	_ = 	snop;
	(pc) =	sbr.rel @!p0 .LBB2_114-.Ltmp108, $1  }
0x347: {  	_ =	sdelay $0x3  }
0x348: {  	p0 =	sne.s32 s18, $0x5  }
.Ltmp109:
0x349: {  	_ = 	snop;
	(pc) =	sbr.rel @!p0 .LBB2_117-.Ltmp109, $1  }
0x34a: {  	_ =	sdelay $0x3  }
0x34b: {  	p0 =	sgt.u32 s18, $0x6  }
.Ltmp110:
0x34c: {  	_ = 	snop;
	(pc) =	sbr.rel @!p0 .LBB2_120-.Ltmp110, $1  }
0x34d: {  	_ =	sdelay $0x3  }
0x34e: {  	p0 =	sne.s32 s18, $0x7  }
.Ltmp111:
0x34f: {  	_ = 	snop;
	(pc) =	sbr.rel @!p0 .LBB2_123-.Ltmp111, $1  }
0x350: {  	_ =	sdelay $0x3  }
0x351: {  	p0 =	sgt.u32 s18, $0x8  }
.Ltmp112:
0x352: {  	_ = 	snop;
	(pc) =	sbr.rel @!p0 .LBB2_127-.Ltmp112, $1  }
0x353: {  	_ =	sdelay $0x3  }
0x354: {  	p0 =	sne.s32 s18, $0x9  }
.Ltmp113:
0x355: {  	_ = 	snop;
	(pc) =	sbr.rel @!p0 .LBB2_130-.Ltmp113, $1  }
0x356: {  	_ =	sdelay $0x3  }
0x357: {  	p0 =	sgt.u32 s18, $0xA  }
.Ltmp114:
0x358: {  	_ = 	snop;
	(pc) =	sbr.rel @!p0 .LBB2_133-.Ltmp114, $1  }
0x359: {  	_ =	sdelay $0x3  }
0x35a: {  	p0 =	sne.s32 s18, $0xB  }
.Ltmp115:
0x35b: {  	_ = 	snop;
	(pc) =	sbr.rel @!p0 .LBB2_136-.Ltmp115, $1  }
0x35c: {  	_ =	sdelay $0x3  }
0x35d: {  	p0 =	sgt.u32 s18, $0xC  }
.Ltmp116:
0x35e: {  	_ = 	snop;
	(pc) =	sbr.rel @!p0 .LBB2_139-.Ltmp116, $1  }
0x35f: {  	_ =	sdelay $0x3  }
0x360: {  	p0 =	sne.s32 s18, $0xD  }
.Ltmp117:
0x361: {  	_ = 	snop;
	(pc) =	sbr.rel @!p0 .LBB2_142-.Ltmp117, $1  }
0x362: {  	_ =	sdelay $0x3  }
0x363: {  	p0 =	sgt.u32 s18, $0xE  }
.Ltmp118:
0x364: {  	_ = 	snop;
	(pc) =	sbr.rel @!p0 .LBB2_145-.Ltmp118, $1  }
0x365: {  	_ =	sdelay $0x3  }
0x366: {  	p0 =	sne.s32 s18, $0xF  }
.Ltmp119:
0x367: {  	_ = 	snop;
	(pc) =	sbr.rel @!p0 .LBB2_148-.Ltmp119, $1  }
0x368: {  	_ =	sdelay $0x3  }
0x369: {  	p0 =	sgt.u32 s18, $0x10  }
.Ltmp120:
0x36a: {  	_ = 	snop;
	(pc) =	sbr.rel @!p0 .LBB2_151-.Ltmp120, $1  }
0x36b: {  	_ =	sdelay $0x3  }
0x36c: {  	p0 =	sne.s32 s18, $0x11  }
.Ltmp121:
0x36d: {  	_ = 	snop;
	(pc) =	sbr.rel @!p0 .LBB2_154-.Ltmp121, $1  }
0x36e: {  	_ =	sdelay $0x3  }
0x36f: {  	p0 =	sgt.u32 s18, $0x12  }
.Ltmp122:
0x370: {  	_ = 	snop;
	(pc) =	sbr.rel @!p0 .LBB2_157-.Ltmp122, $1  }
0x371: {  	_ =	sdelay $0x3  }
0x372: {  	p0 =	sne.s32 s18, $0x13  }
.Ltmp123:
0x373: {  	_ = 	snop;
	(pc) =	sbr.rel @!p0 .LBB2_160-.Ltmp123, $1  }
0x374: {  	_ =	sdelay $0x3  }
0x375: {  	p0 =	sgt.u32 s18, $0x14  }
.Ltmp124:
0x376: {  	_ = 	snop;
	(pc) =	sbr.rel @!p0 .LBB2_163-.Ltmp124, $1  }
0x377: {  	_ =	sdelay $0x3  }
0x378: {  	p0 =	sne.s32 s18, $0x15  }
.Ltmp125:
0x379: {  	_ = 	snop;
	(pc) =	sbr.rel @!p0 .LBB2_166-.Ltmp125, $1  }
0x37a: {  	_ =	sdelay $0x3  }
0x37b: {  	p0 =	sgt.u32 s18, $0x16  }
.Ltmp126:
0x37c: {  	_ = 	snop;
	(pc) =	sbr.rel @!p0 .LBB2_169-.Ltmp126, $1  }
0x37d: {  	_ =	sdelay $0x3  }
0x37e: {  	p0 =	sne.s32 s18, $0x17  }
.Ltmp127:
0x37f: {  	_ = 	snop;
	(pc) =	sbr.rel @!p0 .LBB2_172-.Ltmp127, $1  }
0x380: {  	_ =	sdelay $0x3  }
0x381: {  	p0 =	sgt.u32 s18, $0x18  }
.Ltmp128:
0x382: {  	_ = 	snop;
	(pc) =	sbr.rel @!p0 .LBB2_175-.Ltmp128, $1  }
0x383: {  	_ =	sdelay $0x3  }
0x384: {  	p0 =	sne.s32 s18, $0x19  }
.Ltmp129:
0x385: {  	_ = 	snop;
	(pc) =	sbr.rel @!p0 .LBB2_178-.Ltmp129, $1  }
0x386: {  	_ =	sdelay $0x3  }
0x387: {  	p0 =	sgt.u32 s18, $0x1A  }
.Ltmp130:
0x388: {  	_ = 	snop;
	(pc) =	sbr.rel @!p0 .LBB2_181-.Ltmp130, $1  }
0x389: {  	_ =	sdelay $0x3  }
0x38a: {  	p0 =	sne.s32 s18, $0x1B  }
.Ltmp131:
0x38b: {  	_ = 	snop;
	(pc) =	sbr.rel @!p0 .LBB2_184-.Ltmp131, $1  }
0x38c: {  	_ =	sdelay $0x3  }
0x38d: {  	p0 =	sgt.u32 s18, $0x1C  }
.Ltmp132:
0x38e: {  	_ = 	snop;
	(pc) =	sbr.rel @!p0 .LBB2_187-.Ltmp132, $1  }
0x38f: {  	_ =	sdelay $0x3  }
0x390: {  	p0 =	seq.s32 s18, $0x1F  }
.Ltmp133:
0x391: {  	_ = 	snop;
	(pc) =	sbr.rel @p0 .LBB2_195-.Ltmp133, $1  }
0x392: {  	_ =	sdelay $0x3  }
0x393: {  	p0 =	sne.s32 s18, $0x1D  }
.Ltmp134:
0x394: {  	_ = 	snop;
	(pc) =	sbr.rel @!p0 .LBB2_191-.Ltmp134, $4  }
.Ltmp135:
0x395: {  	_ = 	snop;
	(pc) =	sbr.rel @p0 .LBB2_193-.Ltmp135, $4  }
0x396: {  	_ = 	snop  }
0x397: {  	_ = 	snop  }
0x398: {  	_ = 	snop  }
0x399: {  	_ = 	snop  }
.LBB2_200:
0x39a: {  	_ =	sfence.sel $0x180000  }
0x39b: {  	[bflag:$0x0] =	sbarrier.arrive $0xFFFF  }
0x39c: {  	p0 =	sne.s32 s4, $0x0;
	_ =	strace $0x9000004A  }
0x39d: {  	s0 =	sadd.s32 @!p0 $0x100000, s0;
	[bflag:$0x2] =	sbarrier.arrive $0xFFFF  }
0x39e: {  	[sflag:s0] =	ssyncadd.tile.s32 @!p0 $0x1;
	_ =	shalt  }
.Lfunc_end2:
_tile_overlayer_lowered:
.L_overlay_start_2:
0x39f: {  	(tag) =	ssettag $0x2  }
0x3a0: {  	s0 =	rddreg [dreg:$0x0];
	s2 =	stileid.u32  }
0x3a1: {  	s1 =	rddreg [dreg:$0x1];
	p0 =	sne.s32 s2, $0x0  }
0x3a2: {  	s3 =	rddreg [dreg:$0x2];
	[bflag:$0x3] =	sbarrier.arrive $0xFFFF;
	s2 =	simm.s32 @!p0 $0x1C05  }
0x3a3: {  	[timem:s3], [sflag:s2] =	dma.local @!p0 [hbm:s0], s1  }
0x3a4: {  	s0 =	simm.s32 @!p0 $0x5  }
0x3a5: {  	_ =	swait.ge @!p0 [sflag:s0], s1  }
0x3a6: {  	s1 =	ssub.s32 @!p0 $0x0, s1;
	[sflag:s0] =	ssyncset.done @!p0 $0x0  }
0x3a7: {  	[sflag:s0] =	ssyncadd.s32 @!p0 s1  }
0x3a8: {  	[bflag:$0x3] =	sbarrier.arrive $0xFFFF  }
0x3a9: {  	_ =	shalt  }

</sc_bundles>
